<compile_context>
chip_gen: v7x
topology: tpu7x:2x2x1
jax: 0.10.2.dev20260603
libtpu: 0.0.44.dev20260713+nightly
codegen_flags: <defaults>
</compile_context>

<pallas_src>
import functools

import jax
import jax.numpy as jnp
import numpy as np
from jax import lax
from jax.experimental import pallas as pl
from jax.experimental.pallas import tpu as pltpu
from jax.experimental.pallas import tpu_sc as plsc

_N = 10000
_E = 160000
_H = 128
_HEADS = 8
_HD = _H // _HEADS
_CUTOFF = 5.0

_NB = 400
_EB = 640

_NWORK = 32
_EPW = _E // _NWORK
_GCH = 40
_NGCH = _EPW // _GCH

_NSUB = 16
_EPT = _E // _NSUB
_SCH = 80
_NSCH = _EPT // _SCH
_RPS = 624
_RTAIL = _N - _NSUB * _RPS

_F32 = jnp.float32


def _dot(a, b):
    return lax.dot_general(a, b, (((1,), (0,)), ((), ())),
                           precision=lax.Precision.DEFAULT,
                           preferred_element_type=_F32)


def _silu(x):
    return x * jax.nn.sigmoid(x)


_BF = jnp.bfloat16


_I32 = jnp.int32


def _pack2(a, b):
    au = lax.bitcast_convert_type(a.astype(_BF).astype(_F32), _I32)
    bu = lax.bitcast_convert_type(b.astype(_BF).astype(_F32), _I32)
    return jnp.bitwise_and(au, _I32(-65536)) | lax.shift_right_logical(bu, 16)


def _unpk_hi(w):
    return lax.bitcast_convert_type(jnp.bitwise_and(w, _I32(-65536)), _F32)


def _unpk_lo(w):
    return lax.bitcast_convert_type(lax.shift_left(w, 16), _F32)


def _node_body(x_ref, vx_ref, vy_ref, vz_ref, rd_ref, wq_ref, bq_ref, wk_ref,
               bk_ref, wv_ref, bv_ref, wwt_ref, wws_ref, wtt_ref, wts_ref,
               wvec_ref, dtab_ref, stab_ref, vdot_ref, vec3_ref, cutd_ref):
    rd = rd_ref[...]
    cutd_ref[...] = jnp.where(
        rd < _CUTOFF, 0.5 * (jnp.cos(jnp.pi * rd / _CUTOFF) + 1.0), 0.0)
    x = x_ref[...]
    q = _dot(x, wq_ref[...]) + bq_ref[...]
    k = _dot(x, wk_ref[...]) + bk_ref[...]
    v = _dot(x, wv_ref[...]) + bv_ref[...]
    vcs = (vx_ref[...], vy_ref[...], vz_ref[...])
    A = [_dot(vc, wwt_ref[...]) for vc in vcs]
    B = [_dot(vc, wws_ref[...]) for vc in vcs]
    C = [_dot(vc, wtt_ref[...]) for vc in vcs]
    D = [_dot(vc, wts_ref[...]) for vc in vcs]
    dpairs = [(q, A[0]), (A[1], A[2]), (C[0], C[1]), (C[2], D[0]),
              (D[1], D[2])]
    spairs = [(k, v), (vcs[0], vcs[1]), (vcs[2], B[0]), (B[1], B[2])]
    for j, (a, bb) in enumerate(dpairs):
        dtab_ref[:, j * _H:(j + 1) * _H] = _pack2(a, bb)
    for j, (a, bb) in enumerate(spairs):
        stab_ref[:, j * _H:(j + 1) * _H] = _pack2(a, bb)
    vdot = jnp.zeros_like(x)
    for c in range(3):
        v123 = _dot(vcs[c], wvec_ref[...])
        vdot = vdot + v123[:, :_H] * v123[:, _H:2 * _H]
        vec3_ref[:, c * _H:(c + 1) * _H] = v123[:, 2 * _H:]
    vdot_ref[...] = vdot


def _node_call(x, vx, vy, vz, rd, Wq, bq, Wk, bk, Wv, bv, Wwtrg, Wwsrc, Wttrg,
               Wtsrc, Wvec):
    nblk = _N // _NB
    _RD = _E // _H // nblk
    row = lambda r, cdim: pl.BlockSpec((r, cdim), lambda i: (i, 0))
    cspec = pl.BlockSpec((1, _RD, _H), lambda i: (i, 0, 0))
    full = lambda a: pl.BlockSpec(a.shape, lambda i: (0, 0))
    return pl.pallas_call(
        _node_body,
        grid=(nblk,),
        in_specs=[row(_NB, _H)] * 4 + [cspec] + [
            full(Wq), full(bq), full(Wk), full(bk), full(Wv), full(bv),
            full(Wwtrg), full(Wwsrc), full(Wttrg), full(Wtsrc), full(Wvec)],
        out_specs=[row(_NB, 5 * _H), row(_NB, 4 * _H), row(_NB, _H),
                   row(_NB, 3 * _H), cspec],
        out_shape=[jax.ShapeDtypeStruct((_N, 5 * _H), _I32),
                   jax.ShapeDtypeStruct((_N, 4 * _H), _I32),
                   jax.ShapeDtypeStruct((_N, _H), _F32),
                   jax.ShapeDtypeStruct((_N, 3 * _H), _F32),
                   jax.ShapeDtypeStruct((nblk, _RD, _H), _F32)],
    )(x, vx, vy, vz, rd, Wq, bq, Wk, bk, Wv, bv, Wwtrg, Wwsrc, Wttrg, Wtsrc,
      Wvec)


@functools.partial(
    pl.kernel,
    out_type=[jax.ShapeDtypeStruct((_E, 5 * _H), _I32),
              jax.ShapeDtypeStruct((_E, 4 * _H), _I32)],
    mesh=plsc.VectorSubcoreMesh(core_axis_name="c", subcore_axis_name="s"),
    scratch_types=[pltpu.VMEM((_EPW,), jnp.int32),
                   pltpu.VMEM((_EPW,), jnp.int32),
                   pltpu.VMEM((_GCH, 5 * _H), _I32),
                   pltpu.VMEM((_GCH, 5 * _H), _I32),
                   pltpu.VMEM((_GCH, 4 * _H), _I32),
                   pltpu.VMEM((_GCH, 4 * _H), _I32),
                   pltpu.SemaphoreType.DMA,
                   pltpu.SemaphoreType.DMA,
                   pltpu.SemaphoreType.DMA,
                   pltpu.SemaphoreType.DMA],
)
def _gather_call(didx, sidx, dtab, stab, gd_hbm, gs_hbm, idxd_v, idxs_v, bd_0,
                 bd_1, bs_0, bs_1, sg0, sg1, so0, so1):
    c = lax.axis_index("c")
    s = lax.axis_index("s")
    base = (s * 2 + c) * _EPW
    pltpu.sync_copy(didx.at[pl.ds(base, _EPW)], idxd_v)
    pltpu.sync_copy(sidx.at[pl.ds(base, _EPW)], idxs_v)
    bd = (bd_0, bd_1)
    bs = (bs_0, bs_1)
    gsem = (sg0, sg1)
    osem = (so0, so1)

    def issue_g(i, b):
        di = idxd_v.at[pl.ds(i * _GCH, _GCH)]
        si = idxs_v.at[pl.ds(i * _GCH, _GCH)]
        pltpu.async_copy(dtab.at[di], bd[b], gsem[b])
        pltpu.async_copy(stab.at[si], bs[b], gsem[b])

    def wait_g(b):
        pltpu.make_async_copy(dtab.at[pl.ds(0, _GCH)], bd[b], gsem[b]).wait()
        pltpu.make_async_copy(stab.at[pl.ds(0, _GCH)], bs[b], gsem[b]).wait()

    def issue_o(i, b):
        off = base + i * _GCH
        pltpu.async_copy(bd[b], gd_hbm.at[pl.ds(off, _GCH)], osem[b])
        pltpu.async_copy(bs[b], gs_hbm.at[pl.ds(off, _GCH)], osem[b])

    def wait_o(b):
        pltpu.make_async_copy(bd[b], gd_hbm.at[pl.ds(0, _GCH)], osem[b]).wait()
        pltpu.make_async_copy(bs[b], gs_hbm.at[pl.ds(0, _GCH)], osem[b]).wait()

    issue_g(0, 0)

    def body(i, carry):
        for b in (0, 1):
            @pl.when(lax.rem(i, 2) == b)
            def _(b=b):
                @pl.when(i > 0)
                def _():
                    wait_o(1 - b)

                @pl.when(i + 1 < _NGCH)
                def _():
                    issue_g(i + 1, 1 - b)

                wait_g(b)
                issue_o(i, b)
        return carry

    lax.fori_loop(0, _NGCH, body, 0)
    wait_o((_NGCH - 1) % 2)


def _edge_body(gd_ref, gs_ref, f_ref, cut_ref, d0_ref, d1_ref, d2_ref,
               wdk_ref, bdk_ref, wdv_ref, bdv_ref, wf_ref, bf_ref, ws_ref,
               bs_ref, m_ref, ve_ref, vm0_ref, vm1_ref, vm2_ref, df_ref):
    gd = gd_ref[...]
    gsw = gs_ref[...]
    wd = lambda j: gd[:, j * _H:(j + 1) * _H]
    wsd = lambda j: gsw[:, j * _H:(j + 1) * _H]
    gq = _unpk_hi(wd(0))
    gA = (_unpk_lo(wd(0)), _unpk_hi(wd(1)), _unpk_lo(wd(1)))
    gC = (_unpk_hi(wd(2)), _unpk_lo(wd(2)), _unpk_hi(wd(3)))
    gD = (_unpk_lo(wd(3)), _unpk_hi(wd(4)), _unpk_lo(wd(4)))
    gk = _unpk_hi(wsd(0))
    gv = _unpk_lo(wsd(0))
    gvec = (_unpk_hi(wsd(1)), _unpk_lo(wsd(1)), _unpk_hi(wsd(2)))
    gB = (_unpk_lo(wsd(2)), _unpk_hi(wsd(3)), _unpk_lo(wsd(3)))
    f = f_ref[...]
    dk = _silu(_dot(f, wdk_ref[...]) + bdk_ref[...])
    dv = _silu(_dot(f, wdv_ref[...]) + bdv_ref[...])
    ff = _silu(_dot(f, wf_ref[...]) + bf_ref[...])
    qkd = gq * gk * dk
    attn = _dot(qkd, m_ref[...])
    attn = _silu(attn) * cut_ref[...]
    v_e = gv * dv * attn
    ve_ref[...] = v_e
    sa = _silu(_dot(v_e, ws_ref[...]) + bs_ref[...])
    s1 = sa[:, :_H]
    s2 = sa[:, _H:]
    ds = (d0_ref[...], d1_ref[...], d2_ref[...])
    vm_refs = (vm0_ref, vm1_ref, vm2_ref)
    ad = jnp.zeros_like(s1)
    bd = jnp.zeros_like(s1)
    cd = jnp.zeros_like(s1)
    dd = jnp.zeros_like(s1)
    for c in range(3):
        vm_refs[c][...] = gvec[c] * s1 + s2 * ds[c]
        ad = ad + gA[c] * ds[c]
        bd = bd + gB[c] * ds[c]
        cd = cd + gC[c] * ds[c]
        dd = dd + gD[c] * ds[c]
    w_dot = -ad * bd
    t_dot = -cd * dd
    for c in range(3):
        w_dot = w_dot + gA[c] * gB[c]
        t_dot = t_dot + gC[c] * gD[c]
    df_ref[...] = ff[:, :_H] * w_dot + ff[:, _H:] * t_dot


def _edge_call(gd, gs, f_ij, cut2, d0, d1, d2, Wdk, bdk, Wdv, bdv, Wf, bf,
               Ws, bs, Mmat):
    eblk = _E // _EB
    row = lambda cdim: pl.BlockSpec((_EB, cdim), lambda i: (i, 0))
    full = lambda a: pl.BlockSpec(a.shape, lambda i: (0, 0))
    outs = [jax.ShapeDtypeStruct((_E, _H), _F32)] * 5
    return pl.pallas_call(
        _edge_body,
        grid=(eblk,),
        in_specs=[row(5 * _H), row(4 * _H), row(_H), row(1), row(1), row(1),
                  row(1), full(Wdk), full(bdk), full(Wdv), full(bdv), full(Wf),
                  full(bf), full(Ws), full(bs), full(Mmat)],
        out_specs=[row(_H)] * 5,
        out_shape=outs,
    )(gd, gs, f_ij, cut2, d0, d1, d2, Wdk, bdk, Wdv, bdv, Wf, bf, Ws, bs,
      Mmat)


def _scatter_round(in_hbm, out_hbm, zeros_hbm, idx_v, r0, r1, sl0, sl1, acc,
                   s):
    pltpu.sync_copy(zeros_hbm.at[pl.ds(s * _RPS, _RPS)],
                    acc.at[pl.ds(s * _RPS, _RPS)])

    @pl.when(s == 0)
    def _():
        pltpu.sync_copy(zeros_hbm.at[pl.ds(_NSUB * _RPS, _RTAIL)],
                        acc.at[pl.ds(_NSUB * _RPS, _RTAIL)])

    plsc.subcore_barrier()
    bufs = (r0, r1)
    sems = (sl0, sl1)

    def issue_l(i, b):
        pltpu.async_copy(in_hbm.at[pl.ds(s * _EPT + i * _SCH, _SCH)], bufs[b],
                         sems[b])

    def wait_l(b):
        pltpu.make_async_copy(in_hbm.at[pl.ds(0, _SCH)], bufs[b],
                              sems[b]).wait()

    issue_l(0, 0)

    def body(i, carry):
        for b in (0, 1):
            @pl.when(lax.rem(i, 2) == b)
            def _(b=b):
                @pl.when(i + 1 < _NSCH)
                def _():
                    issue_l(i + 1, 1 - b)

                wait_l(b)
                pltpu.sync_copy(bufs[b], acc.at[idx_v.at[i]], add=True)
        return carry

    lax.fori_loop(0, _NSCH, body, 0)
    plsc.subcore_barrier()
    pltpu.sync_copy(acc.at[pl.ds(s * _RPS, _RPS)],
                    out_hbm.at[pl.ds(s * _RPS, _RPS)])

    @pl.when(s == 0)
    def _():
        pltpu.sync_copy(acc.at[pl.ds(_NSUB * _RPS, _RTAIL)],
                        out_hbm.at[pl.ds(_NSUB * _RPS, _RTAIL)])

    plsc.subcore_barrier()


@functools.partial(
    pl.kernel,
    out_type=[jax.ShapeDtypeStruct((_N, _H), _F32)] * 4,
    mesh=plsc.VectorSubcoreMesh(core_axis_name="c", subcore_axis_name="s"),
    scratch_types=[pltpu.VMEM((_NSCH, _SCH), jnp.int32),
                   pltpu.VMEM((_SCH, _H), _F32),
                   pltpu.VMEM((_SCH, _H), _F32),
                   pltpu.VMEM_SHARED((_N, _H), _F32),
                   pltpu.SemaphoreType.DMA,
                   pltpu.SemaphoreType.DMA],
)
def _scatter_call(didx3, ve, vm0, vm1, vm2, zeros, xagg, va0, va1, va2, idx_v,
                  r0, r1, acc, sl0, sl1):
    c = lax.axis_index("c")
    s = lax.axis_index("s")
    pltpu.sync_copy(didx3.at[s], idx_v)

    @pl.when(c == 0)
    def _():
        _scatter_round(ve, xagg, zeros, idx_v, r0, r1, sl0, sl1, acc, s)
        _scatter_round(vm0, va0, zeros, idx_v, r0, r1, sl0, sl1, acc, s)

    @pl.when(c == 1)
    def _():
        _scatter_round(vm1, va1, zeros, idx_v, r0, r1, sl0, sl1, acc, s)
        _scatter_round(vm2, va2, zeros, idx_v, r0, r1, sl0, sl1, acc, s)


def _final_body(xa_ref, vdot_ref, vec3_ref, va0_ref, va1_ref, va2_ref, wo_ref,
                bo_ref, dx_ref, dv0_ref, dv1_ref, dv2_ref):
    o = _dot(xa_ref[...], wo_ref[...]) + bo_ref[...]
    o1 = o[:, :_H]
    dx_ref[...] = vdot_ref[...] * o[:, _H:2 * _H] + o[:, 2 * _H:]
    va = (va0_ref, va1_ref, va2_ref)
    dv = (dv0_ref, dv1_ref, dv2_ref)
    for c in range(3):
        dv[c][...] = vec3_ref[:, c * _H:(c + 1) * _H] * o1 + va[c][...]


def _final_call(x_agg, vec_dot, vec3, va0, va1, va2, Wo, bo):
    nblk = _N // _NB
    row = lambda cdim: pl.BlockSpec((_NB, cdim), lambda i: (i, 0))
    full = lambda a: pl.BlockSpec(a.shape, lambda i: (0, 0))
    return pl.pallas_call(
        _final_body,
        grid=(nblk,),
        in_specs=[row(_H), row(_H), row(3 * _H), row(_H), row(_H), row(_H),
                  full(Wo), full(bo)],
        out_specs=[row(_H)] * 4,
        out_shape=[jax.ShapeDtypeStruct((_N, _H), _F32)] * 4,
    )(x_agg, vec_dot, vec3, va0, va1, va2, Wo, bo)


def kernel(x, vec, edge_index, r_ij, f_ij, d_ij, Wvec, Wq, bq, Wk, bk, Wv, bv,
           Wdk, bdk, Wdv, bdv, Ws, bs, Wf, bf, Wwsrc, Wwtrg, Wtsrc, Wttrg, Wo,
           bo):
    src = edge_index[0]
    dst = edge_index[1]
    vx, vy, vz = vec[:, 0, :], vec[:, 1, :], vec[:, 2, :]
    rd = r_ij.reshape(25, _E // _H // 25, _H)
    d0, d1, d2 = d_ij[:, 0:1], d_ij[:, 1:2], d_ij[:, 2:3]
    b = lambda a: a.reshape(1, -1)

    dtab, stab, vec_dot, vec3, cutd = _node_call(
        x, vx, vy, vz, rd, Wq, b(bq), Wk, b(bk), Wv, b(bv), Wwtrg, Wwsrc,
        Wttrg, Wtsrc, Wvec)
    cut2 = cutd.reshape(_E, 1)

    gd, gs = _gather_call(dst, src, dtab, stab)

    mmat = jnp.asarray(np.kron(np.eye(_HEADS, dtype=np.float32),
                               np.ones((_HD, _HD), np.float32)))
    v_e, vm0, vm1, vm2, df_ij = _edge_call(
        gd, gs, f_ij, cut2, d0, d1, d2, Wdk, b(bdk), Wdv, b(bdv), Wf, b(bf),
        Ws, b(bs), mmat)

    zeros = jnp.zeros((_N, _H), _F32)
    dst3 = dst.reshape(_NSUB, _NSCH, _SCH)
    x_agg, va0, va1, va2 = _scatter_call(dst3, v_e, vm0, vm1, vm2, zeros)

    dx, dv0, dv1, dv2 = _final_call(x_agg, vec_dot, vec3, va0, va1, va2, Wo,
                                    b(bo))
    dvec = jnp.stack([dv0, dv1, dv2], axis=1)
    return (dx, dvec, df_ij)

# --- scband reference (transcript-rebuilt; emitter-appended) ---
"""Pipeline reference for scband-vi-snet-p3-m-18081812316182 (READ-ONLY COPY).

The authoritative reference and input builder live on the scoring server;
editing this copy changes nothing except your own understanding.
"""

import jax, jax.numpy as jnp
import numpy as np

N = 10000
E = 160000
H = 128
HEADS = 8
HD = H // HEADS
CUTOFF = 5.0


def _w(k, shape):
    return jax.random.normal(k, shape, dtype=jnp.float32) * (1.0 / np.sqrt(shape[0]))


def setup_inputs(seed: int = 0):
    key = jax.random.key(seed)
    ks = jax.random.split(key, 24)
    inp = {}
    inp['x'] = jax.random.normal(ks[0], (N, H), dtype=jnp.float32)
    inp['vec'] = jax.random.normal(ks[1], (N, 3, H), dtype=jnp.float32) * 0.1
    inp['edge_index'] = jax.random.randint(ks[2], (2, E), 0, N, dtype=jnp.int32)
    inp['r_ij'] = jax.random.uniform(ks[3], (E,), dtype=jnp.float32, minval=0.0, maxval=CUTOFF)
    inp['f_ij'] = jax.random.normal(ks[4], (E, H), dtype=jnp.float32)
    d = jax.random.normal(ks[5], (E, 3), dtype=jnp.float32)
    inp['d_ij'] = d / (jnp.linalg.norm(d, axis=-1, keepdims=True) + 1e-8)
    inp['Wvec'] = _w(ks[6], (H, 3 * H))
    inp['Wq'] = _w(ks[7], (H, H)); inp['bq'] = jnp.zeros((H,), jnp.float32)
    inp['Wk'] = _w(ks[8], (H, H)); inp['bk'] = jnp.zeros((H,), jnp.float32)
    inp['Wv'] = _w(ks[9], (H, H)); inp['bv'] = jnp.zeros((H,), jnp.float32)
    inp['Wdk'] = _w(ks[10], (H, H)); inp['bdk'] = jnp.zeros((H,), jnp.float32)
    inp['Wdv'] = _w(ks[11], (H, H)); inp['bdv'] = jnp.zeros((H,), jnp.float32)
    inp['Ws'] = _w(ks[12], (H, 2 * H)); inp['bs'] = jnp.zeros((2 * H,), jnp.float32)
    inp['Wf'] = _w(ks[13], (H, 2 * H)); inp['bf'] = jnp.zeros((2 * H,), jnp.float32)
    inp['Wwsrc'] = _w(ks[14], (H, H))
    inp['Wwtrg'] = _w(ks[15], (H, H))
    inp['Wtsrc'] = _w(ks[16], (H, H))
    inp['Wttrg'] = _w(ks[17], (H, H))
    inp['Wo'] = _w(ks[18], (H, 3 * H)); inp['bo'] = jnp.zeros((3 * H,), jnp.float32)
    return inp


def _rejection(v, d):
    vp = jnp.sum(v * d[:, :, None], axis=1, keepdims=True)
    return v - vp * d[:, :, None]


def reference(x, vec, edge_index, r_ij, f_ij, d_ij, Wvec, Wq, bq, Wk, bk, Wv, bv, Wdk, bdk, Wdv, bdv, Ws, bs, Wf, bf, Wwsrc, Wwtrg, Wtsrc, Wttrg, Wo, bo):
    src = edge_index[0]
    dst = edge_index[1]
    q = (x @ Wq + bq).reshape(-1, HEADS, HD)
    k = (x @ Wk + bk).reshape(-1, HEADS, HD)
    v = (x @ Wv + bv).reshape(-1, HEADS, HD)
    dk = jax.nn.silu(f_ij @ Wdk + bdk).reshape(-1, HEADS, HD)
    dv = jax.nn.silu(f_ij @ Wdv + bdv).reshape(-1, HEADS, HD)
    vec123 = jnp.dot(vec, Wvec)
    vec1, vec2, vec3 = vec123[..., :H], vec123[..., H:2 * H], vec123[..., 2 * H:]
    vec_dot = jnp.sum(vec1 * vec2, axis=1)
    q_i = q[dst]
    k_j = k[src]
    v_j = v[src]
    vec_j = vec[src]
    attn = jnp.sum(q_i * k_j * dk, axis=-1)
    cut = jnp.where(r_ij < CUTOFF, 0.5 * (jnp.cos(jnp.pi * r_ij / CUTOFF) + 1.0), 0.0)
    attn = jax.nn.silu(attn) * cut[:, None]
    v_e = v_j * dv
    v_e = (v_e * attn[:, :, None]).reshape(-1, H)
    s = jax.nn.silu(v_e @ Ws + bs)
    s1, s2 = s[:, :H], s[:, H:]
    vec_msg = vec_j * s1[:, None, :] + s2[:, None, :] * d_ij[:, :, None]
    x_agg = jax.ops.segment_sum(v_e, dst, num_segments=N)
    vec_agg = jax.ops.segment_sum(vec_msg, dst, num_segments=N)
    o = x_agg @ Wo + bo
    o1, o2, o3 = o[:, :H], o[:, H:2 * H], o[:, 2 * H:]
    dx = vec_dot * o2 + o3
    dvec = vec3 * o1[:, None, :] + vec_agg
    vec_i_e = vec[dst]
    vec_j_e = vec[src]
    w1 = _rejection(jnp.dot(vec_i_e, Wwtrg), d_ij)
    w2 = _rejection(jnp.dot(vec_j_e, Wwsrc), -d_ij)
    w_dot = jnp.sum(w1 * w2, axis=1)
    t1 = _rejection(jnp.dot(vec_i_e, Wttrg), d_ij)
    t2 = _rejection(jnp.dot(vec_i_e, Wtsrc), -d_ij)
    t_dot = jnp.sum(t1 * t2, axis=1)
    ff = jax.nn.silu(f_ij @ Wf + bf)
    f1, f2 = ff[:, :H], ff[:, H:]
    df_ij = f1 * w_dot + f2 * t_dot
    return (dx, dvec, df_ij)

if __name__ == "__main__":
    import jax
    _d = setup_inputs()
    print(jax.jit(kernel)(*tuple(_d.values())))

</pallas_src>

<mosaic_0001>
#map = affine_map<(d0, d1) -> (0)>
#map1 = affine_map<(d0, d1) -> (0, 0)>
module attributes {stable_mosaic.version = 14 : i64} {
  func.func @_gather_call(%arg0: i32, %arg1: i32, %arg2: memref<160000xi32, #tpu.memory_space<hbm>>, %arg3: memref<160000xi32, #tpu.memory_space<hbm>>, %arg4: memref<10000x640xi32, #tpu.memory_space<hbm>>, %arg5: memref<10000x512xi32, #tpu.memory_space<hbm>>, %arg6: memref<160000x640xi32, #tpu.memory_space<hbm>>, %arg7: memref<160000x512xi32, #tpu.memory_space<hbm>>, %arg8: memref<5000xi32, #tpu.memory_space<vmem>>, %arg9: memref<5000xi32, #tpu.memory_space<vmem>>, %arg10: memref<40x640xi32, #tpu.memory_space<vmem>>, %arg11: memref<40x640xi32, #tpu.memory_space<vmem>>, %arg12: memref<40x512xi32, #tpu.memory_space<vmem>>, %arg13: memref<40x512xi32, #tpu.memory_space<vmem>>, %arg14: memref<!tpu.dma_semaphore, #tpu.memory_space<semaphore_mem>>, %arg15: memref<!tpu.dma_semaphore, #tpu.memory_space<semaphore_mem>>, %arg16: memref<!tpu.dma_semaphore, #tpu.memory_space<semaphore_mem>>, %arg17: memref<!tpu.dma_semaphore, #tpu.memory_space<semaphore_mem>>) attributes {dimension_semantics = [#tpu.dimension_semantics<core_parallel>, #tpu.dimension_semantics<subcore_parallel>], iteration_bounds = array<i64: 2, 16>, scalar_prefetch = 0 : i64, scratch_operands = 10 : i64, tpu.core_type = #tpu.core_type<sc_vector_subcore>, window_params = [{transform_indices = #map}, {transform_indices = #map}, {transform_indices = #map1}, {transform_indices = #map1}, {transform_indices = #map1}, {transform_indices = #map1}]} {
    %mul3A = arith.constant 2 : i32
    %mul3A_0 = arith.muli %arg1, %mul3A : i32
    %add3A = arith.addi %mul3A_0, %arg0 : i32
    %mul3A_1 = arith.constant 5000 : i32
    %mul3A_2 = arith.muli %add3A, %mul3A_1 : i32
    "tpu.region"() ({
      %run_scoped3A = tpu.sem_alloc : memref<!tpu.dma_semaphore, #tpu.memory_space<semaphore_mem>>
      %dma_start3A_28 = tpu.memref_slice %arg2[%mul3A_2] : memref<160000xi32, #tpu.memory_space<hbm>> -> memref<5000xi32, #tpu.memory_space<hbm>>
      %dma_start3A_29 = tpu.memref_slice %arg2[%mul3A_2] : memref<160000xi32, #tpu.memory_space<hbm>> -> memref<5000xi32, #tpu.memory_space<hbm>>
      tpu.enqueue_dma source(%dma_start3A_29 : memref<5000xi32, #tpu.memory_space<hbm>>) target(%arg8 : memref<5000xi32, #tpu.memory_space<vmem>>) target_semaphore(%run_scoped3A : memref<!tpu.dma_semaphore, #tpu.memory_space<semaphore_mem>>)
      %dma_wait3A_30 = tpu.memref_slice %arg2[%mul3A_2] : memref<160000xi32, #tpu.memory_space<hbm>> -> memref<5000xi32, #tpu.memory_space<hbm>>
      %dma_wait3A_31 = tpu.memref_slice %arg2[%mul3A_2] : memref<160000xi32, #tpu.memory_space<hbm>> -> memref<5000xi32, #tpu.memory_space<hbm>>
      tpu.wait_dma2 semaphore(%run_scoped3A : memref<!tpu.dma_semaphore, #tpu.memory_space<semaphore_mem>>) src(%dma_wait3A_31 : memref<5000xi32, #tpu.memory_space<hbm>>) dst(%arg8 : memref<5000xi32, #tpu.memory_space<vmem>>)
      tpu.yield
    }) : () -> ()
    "tpu.region"() ({
      %run_scoped3A = tpu.sem_alloc : memref<!tpu.dma_semaphore, #tpu.memory_space<semaphore_mem>>
      %dma_start3A_28 = tpu.memref_slice %arg3[%mul3A_2] : memref<160000xi32, #tpu.memory_space<hbm>> -> memref<5000xi32, #tpu.memory_space<hbm>>
      %dma_start3A_29 = tpu.memref_slice %arg3[%mul3A_2] : memref<160000xi32, #tpu.memory_space<hbm>> -> memref<5000xi32, #tpu.memory_space<hbm>>
      tpu.enqueue_dma source(%dma_start3A_29 : memref<5000xi32, #tpu.memory_space<hbm>>) target(%arg9 : memref<5000xi32, #tpu.memory_space<vmem>>) target_semaphore(%run_scoped3A : memref<!tpu.dma_semaphore, #tpu.memory_space<semaphore_mem>>)
      %dma_wait3A_30 = tpu.memref_slice %arg3[%mul3A_2] : memref<160000xi32, #tpu.memory_space<hbm>> -> memref<5000xi32, #tpu.memory_space<hbm>>
      %dma_wait3A_31 = tpu.memref_slice %arg3[%mul3A_2] : memref<160000xi32, #tpu.memory_space<hbm>> -> memref<5000xi32, #tpu.memory_space<hbm>>
      tpu.wait_dma2 semaphore(%run_scoped3A : memref<!tpu.dma_semaphore, #tpu.memory_space<semaphore_mem>>) src(%dma_wait3A_31 : memref<5000xi32, #tpu.memory_space<hbm>>) dst(%arg9 : memref<5000xi32, #tpu.memory_space<vmem>>)
      tpu.yield
    }) : () -> ()
    %dma_start3A = arith.constant 0 : i32
    %dma_start3A_3 = tpu.memref_slice %arg8[%dma_start3A] : memref<5000xi32, #tpu.memory_space<vmem>> -> memref<40xi32, #tpu.memory_space<vmem>>
    %dma_start3A_4 = arith.constant 0 : i32
    %dma_start3A_5 = arith.constant 0 : i32
    %dma_start3A_6 = tpu.memref_slice %arg4[%dma_start3A_4, %dma_start3A_5] : memref<10000x640xi32, #tpu.memory_space<hbm>> -> memref<10000x640xi32, #tpu.memory_space<hbm>>
    tpu.enqueue_indirect_dma source(%dma_start3A_6 : memref<10000x640xi32, #tpu.memory_space<hbm>>) target(%arg10 : memref<40x640xi32, #tpu.memory_space<vmem>>) offsets(%dma_start3A_3 : memref<40xi32, #tpu.memory_space<vmem>>) semaphore(%arg14 : memref<!tpu.dma_semaphore, #tpu.memory_space<semaphore_mem>>)
    %dma_start3A_7 = arith.constant 0 : i32
    %dma_start3A_8 = tpu.memref_slice %arg9[%dma_start3A_7] : memref<5000xi32, #tpu.memory_space<vmem>> -> memref<40xi32, #tpu.memory_space<vmem>>
    %dma_start3A_9 = arith.constant 0 : i32
    %dma_start3A_10 = arith.constant 0 : i32
    %dma_start3A_11 = tpu.memref_slice %arg5[%dma_start3A_9, %dma_start3A_10] : memref<10000x512xi32, #tpu.memory_space<hbm>> -> memref<10000x512xi32, #tpu.memory_space<hbm>>
    tpu.enqueue_indirect_dma source(%dma_start3A_11 : memref<10000x512xi32, #tpu.memory_space<hbm>>) target(%arg12 : memref<40x512xi32, #tpu.memory_space<vmem>>) offsets(%dma_start3A_8 : memref<40xi32, #tpu.memory_space<vmem>>) semaphore(%arg14 : memref<!tpu.dma_semaphore, #tpu.memory_space<semaphore_mem>>)
    %scan3A = arith.constant 0 : i32
    %scan3A_12 = arith.constant 0 : i32
    %scan3A_13 = arith.constant 125 : i32
    %scan3A_14 = arith.addi %scan3A_12, %scan3A_13 : i32
    %scan3A_15 = arith.constant 1 : i32
    scf.for %scan3A_28 = %scan3A_12 to %scan3A_14 step %scan3A_15  : i32 {
      %rem3A = arith.constant 2 : i32
      %rem3A_29 = arith.remsi %scan3A_28, %rem3A : i32
      %eq3A = arith.constant 0 : i32
      %eq3A_30 = arith.cmpi eq, %rem3A_29, %eq3A : i32
      %convert_element_type3A = arith.extui %eq3A_30 : i1 to i32
      %cond3A = arith.constant 0 : i32
      %cond3A_31 = arith.cmpi ne, %convert_element_type3A, %cond3A : i32
      scf.if %cond3A_31 {
        %gt3A = arith.constant 0 : i32
        %gt3A_39 = arith.cmpi sgt, %scan3A_28, %gt3A : i32
        %convert_element_type3A_40 = arith.extui %gt3A_39 : i1 to i32
        %cond3A_41 = arith.constant 0 : i32
        %cond3A_42 = arith.cmpi ne, %convert_element_type3A_40, %cond3A_41 : i32
        scf.if %cond3A_42 {
          %dma_wait3A_72 = arith.constant 0 : i32
          %dma_wait3A_73 = arith.constant 0 : i32
          %dma_wait3A_74 = tpu.memref_slice %arg6[%dma_wait3A_72, %dma_wait3A_73] : memref<160000x640xi32, #tpu.memory_space<hbm>> -> memref<40x640xi32, #tpu.memory_space<hbm>>
          %dma_wait3A_75 = arith.constant 0 : i32
          %dma_wait3A_76 = arith.constant 0 : i32
          %dma_wait3A_77 = tpu.memref_slice %arg6[%dma_wait3A_75, %dma_wait3A_76] : memref<160000x640xi32, #tpu.memory_space<hbm>> -> memref<40x640xi32, #tpu.memory_space<hbm>>
          tpu.wait_dma2 semaphore(%arg17 : memref<!tpu.dma_semaphore, #tpu.memory_space<semaphore_mem>>) src(%arg11 : memref<40x640xi32, #tpu.memory_space<vmem>>) dst(%dma_wait3A_77 : memref<40x640xi32, #tpu.memory_space<hbm>>)
          %dma_wait3A_78 = arith.constant 0 : i32
          %dma_wait3A_79 = arith.constant 0 : i32
          %dma_wait3A_80 = tpu.memref_slice %arg7[%dma_wait3A_78, %dma_wait3A_79] : memref<160000x512xi32, #tpu.memory_space<hbm>> -> memref<40x512xi32, #tpu.memory_space<hbm>>
          %dma_wait3A_81 = arith.constant 0 : i32
          %dma_wait3A_82 = arith.constant 0 : i32
          %dma_wait3A_83 = tpu.memref_slice %arg7[%dma_wait3A_81, %dma_wait3A_82] : memref<160000x512xi32, #tpu.memory_space<hbm>> -> memref<40x512xi32, #tpu.memory_space<hbm>>
          tpu.wait_dma2 semaphore(%arg17 : memref<!tpu.dma_semaphore, #tpu.memory_space<semaphore_mem>>) src(%arg13 : memref<40x512xi32, #tpu.memory_space<vmem>>) dst(%dma_wait3A_83 : memref<40x512xi32, #tpu.memory_space<hbm>>)
        } else {
        }
        %add3A_43 = arith.constant 1 : i32
        %add3A_44 = arith.addi %scan3A_28, %add3A_43 : i32
        %lt3A = arith.constant 125 : i32
        %lt3A_45 = arith.cmpi slt, %add3A_44, %lt3A : i32
        %convert_element_type3A_46 = arith.extui %lt3A_45 : i1 to i32
        %cond3A_47 = arith.constant 0 : i32
        %cond3A_48 = arith.cmpi ne, %convert_element_type3A_46, %cond3A_47 : i32
        scf.if %cond3A_48 {
          %add3A_72 = arith.constant 1 : i32
          %add3A_73 = arith.addi %scan3A_28, %add3A_72 : i32
          %mul3A_74 = arith.constant 40 : i32
          %mul3A_75 = arith.muli %add3A_73, %mul3A_74 : i32
          %mul3A_76 = arith.constant 40 : i32
          %mul3A_77 = arith.muli %add3A_73, %mul3A_76 : i32
          %dma_start3A_78 = tpu.memref_slice %arg8[%mul3A_75] : memref<5000xi32, #tpu.memory_space<vmem>> -> memref<40xi32, #tpu.memory_space<vmem>>
          %dma_start3A_79 = arith.constant 0 : i32
          %dma_start3A_80 = arith.constant 0 : i32
          %dma_start3A_81 = tpu.memref_slice %arg4[%dma_start3A_79, %dma_start3A_80] : memref<10000x640xi32, #tpu.memory_space<hbm>> -> memref<10000x640xi32, #tpu.memory_space<hbm>>
          tpu.enqueue_indirect_dma source(%dma_start3A_81 : memref<10000x640xi32, #tpu.memory_space<hbm>>) target(%arg11 : memref<40x640xi32, #tpu.memory_space<vmem>>) offsets(%dma_start3A_78 : memref<40xi32, #tpu.memory_space<vmem>>) semaphore(%arg15 : memref<!tpu.dma_semaphore, #tpu.memory_space<semaphore_mem>>)
          %dma_start3A_82 = tpu.memref_slice %arg9[%mul3A_77] : memref<5000xi32, #tpu.memory_space<vmem>> -> memref<40xi32, #tpu.memory_space<vmem>>
          %dma_start3A_83 = arith.constant 0 : i32
          %dma_start3A_84 = arith.constant 0 : i32
          %dma_start3A_85 = tpu.memref_slice %arg5[%dma_start3A_83, %dma_start3A_84] : memref<10000x512xi32, #tpu.memory_space<hbm>> -> memref<10000x512xi32, #tpu.memory_space<hbm>>
          tpu.enqueue_indirect_dma source(%dma_start3A_85 : memref<10000x512xi32, #tpu.memory_space<hbm>>) target(%arg13 : memref<40x512xi32, #tpu.memory_space<vmem>>) offsets(%dma_start3A_82 : memref<40xi32, #tpu.memory_space<vmem>>) semaphore(%arg15 : memref<!tpu.dma_semaphore, #tpu.memory_space<semaphore_mem>>)
        } else {
        }
        %dma_wait3A_49 = arith.constant 0 : i32
        %dma_wait3A_50 = arith.constant 0 : i32
        %dma_wait3A_51 = tpu.memref_slice %arg4[%dma_wait3A_49, %dma_wait3A_50] : memref<10000x640xi32, #tpu.memory_space<hbm>> -> memref<40x640xi32, #tpu.memory_space<hbm>>
        %dma_wait3A_52 = arith.constant 0 : i32
        %dma_wait3A_53 = arith.constant 0 : i32
        %dma_wait3A_54 = tpu.memref_slice %arg4[%dma_wait3A_52, %dma_wait3A_53] : memref<10000x640xi32, #tpu.memory_space<hbm>> -> memref<40x640xi32, #tpu.memory_space<hbm>>
        tpu.wait_dma2 semaphore(%arg14 : memref<!tpu.dma_semaphore, #tpu.memory_space<semaphore_mem>>) src(%dma_wait3A_54 : memref<40x640xi32, #tpu.memory_space<hbm>>) dst(%arg10 : memref<40x640xi32, #tpu.memory_space<vmem>>)
        %dma_wait3A_55 = arith.constant 0 : i32
        %dma_wait3A_56 = arith.constant 0 : i32
        %dma_wait3A_57 = tpu.memref_slice %arg5[%dma_wait3A_55, %dma_wait3A_56] : memref<10000x512xi32, #tpu.memory_space<hbm>> -> memref<40x512xi32, #tpu.memory_space<hbm>>
        %dma_wait3A_58 = arith.constant 0 : i32
        %dma_wait3A_59 = arith.constant 0 : i32
        %dma_wait3A_60 = tpu.memref_slice %arg5[%dma_wait3A_58, %dma_wait3A_59] : memref<10000x512xi32, #tpu.memory_space<hbm>> -> memref<40x512xi32, #tpu.memory_space<hbm>>
        tpu.wait_dma2 semaphore(%arg14 : memref<!tpu.dma_semaphore, #tpu.memory_space<semaphore_mem>>) src(%dma_wait3A_60 : memref<40x512xi32, #tpu.memory_space<hbm>>) dst(%arg12 : memref<40x512xi32, #tpu.memory_space<vmem>>)
        %mul3A_61 = arith.constant 40 : i32
        %mul3A_62 = arith.muli %scan3A_28, %mul3A_61 : i32
        %add3A_63 = arith.addi %mul3A_2, %mul3A_62 : i32
        %dma_start3A_64 = arith.constant 0 : i32
        %dma_start3A_65 = tpu.memref_slice %arg6[%add3A_63, %dma_start3A_64] : memref<160000x640xi32, #tpu.memory_space<hbm>> -> memref<40x640xi32, #tpu.memory_space<hbm>>
        %dma_start3A_66 = arith.constant 0 : i32
        %dma_start3A_67 = tpu.memref_slice %arg6[%add3A_63, %dma_start3A_66] : memref<160000x640xi32, #tpu.memory_space<hbm>> -> memref<40x640xi32, #tpu.memory_space<hbm>>
        tpu.enqueue_dma source(%arg10 : memref<40x640xi32, #tpu.memory_space<vmem>>) target(%dma_start3A_67 : memref<40x640xi32, #tpu.memory_space<hbm>>) target_semaphore(%arg16 : memref<!tpu.dma_semaphore, #tpu.memory_space<semaphore_mem>>)
        %dma_start3A_68 = arith.constant 0 : i32
        %dma_start3A_69 = tpu.memref_slice %arg7[%add3A_63, %dma_start3A_68] : memref<160000x512xi32, #tpu.memory_space<hbm>> -> memref<40x512xi32, #tpu.memory_space<hbm>>
        %dma_start3A_70 = arith.constant 0 : i32
        %dma_start3A_71 = tpu.memref_slice %arg7[%add3A_63, %dma_start3A_70] : memref<160000x512xi32, #tpu.memory_space<hbm>> -> memref<40x512xi32, #tpu.memory_space<hbm>>
        tpu.enqueue_dma source(%arg12 : memref<40x512xi32, #tpu.memory_space<vmem>>) target(%dma_start3A_71 : memref<40x512xi32, #tpu.memory_space<hbm>>) target_semaphore(%arg16 : memref<!tpu.dma_semaphore, #tpu.memory_space<semaphore_mem>>)
      } else {
      }
      %rem3A_32 = arith.constant 2 : i32
      %rem3A_33 = arith.remsi %scan3A_28, %rem3A_32 : i32
      %eq3A_34 = arith.constant 1 : i32
      %eq3A_35 = arith.cmpi eq, %rem3A_33, %eq3A_34 : i32
      %convert_element_type3A_36 = arith.extui %eq3A_35 : i1 to i32
      %cond3A_37 = arith.constant 0 : i32
      %cond3A_38 = arith.cmpi ne, %convert_element_type3A_36, %cond3A_37 : i32
      scf.if %cond3A_38 {
        %gt3A = arith.constant 0 : i32
        %gt3A_39 = arith.cmpi sgt, %scan3A_28, %gt3A : i32
        %convert_element_type3A_40 = arith.extui %gt3A_39 : i1 to i32
        %cond3A_41 = arith.constant 0 : i32
        %cond3A_42 = arith.cmpi ne, %convert_element_type3A_40, %cond3A_41 : i32
        scf.if %cond3A_42 {
          %dma_wait3A_72 = arith.constant 0 : i32
          %dma_wait3A_73 = arith.constant 0 : i32
          %dma_wait3A_74 = tpu.memref_slice %arg6[%dma_wait3A_72, %dma_wait3A_73] : memref<160000x640xi32, #tpu.memory_space<hbm>> -> memref<40x640xi32, #tpu.memory_space<hbm>>
          %dma_wait3A_75 = arith.constant 0 : i32
          %dma_wait3A_76 = arith.constant 0 : i32
          %dma_wait3A_77 = tpu.memref_slice %arg6[%dma_wait3A_75, %dma_wait3A_76] : memref<160000x640xi32, #tpu.memory_space<hbm>> -> memref<40x640xi32, #tpu.memory_space<hbm>>
          tpu.wait_dma2 semaphore(%arg16 : memref<!tpu.dma_semaphore, #tpu.memory_space<semaphore_mem>>) src(%arg10 : memref<40x640xi32, #tpu.memory_space<vmem>>) dst(%dma_wait3A_77 : memref<40x640xi32, #tpu.memory_space<hbm>>)
          %dma_wait3A_78 = arith.constant 0 : i32
          %dma_wait3A_79 = arith.constant 0 : i32
          %dma_wait3A_80 = tpu.memref_slice %arg7[%dma_wait3A_78, %dma_wait3A_79] : memref<160000x512xi32, #tpu.memory_space<hbm>> -> memref<40x512xi32, #tpu.memory_space<hbm>>
          %dma_wait3A_81 = arith.constant 0 : i32
          %dma_wait3A_82 = arith.constant 0 : i32
          %dma_wait3A_83 = tpu.memref_slice %arg7[%dma_wait3A_81, %dma_wait3A_82] : memref<160000x512xi32, #tpu.memory_space<hbm>> -> memref<40x512xi32, #tpu.memory_space<hbm>>
          tpu.wait_dma2 semaphore(%arg16 : memref<!tpu.dma_semaphore, #tpu.memory_space<semaphore_mem>>) src(%arg12 : memref<40x512xi32, #tpu.memory_space<vmem>>) dst(%dma_wait3A_83 : memref<40x512xi32, #tpu.memory_space<hbm>>)
        } else {
        }
        %add3A_43 = arith.constant 1 : i32
        %add3A_44 = arith.addi %scan3A_28, %add3A_43 : i32
        %lt3A = arith.constant 125 : i32
        %lt3A_45 = arith.cmpi slt, %add3A_44, %lt3A : i32
        %convert_element_type3A_46 = arith.extui %lt3A_45 : i1 to i32
        %cond3A_47 = arith.constant 0 : i32
        %cond3A_48 = arith.cmpi ne, %convert_element_type3A_46, %cond3A_47 : i32
        scf.if %cond3A_48 {
          %add3A_72 = arith.constant 1 : i32
          %add3A_73 = arith.addi %scan3A_28, %add3A_72 : i32
          %mul3A_74 = arith.constant 40 : i32
          %mul3A_75 = arith.muli %add3A_73, %mul3A_74 : i32
          %mul3A_76 = arith.constant 40 : i32
          %mul3A_77 = arith.muli %add3A_73, %mul3A_76 : i32
          %dma_start3A_78 = tpu.memref_slice %arg8[%mul3A_75] : memref<5000xi32, #tpu.memory_space<vmem>> -> memref<40xi32, #tpu.memory_space<vmem>>
          %dma_start3A_79 = arith.constant 0 : i32
          %dma_start3A_80 = arith.constant 0 : i32
          %dma_start3A_81 = tpu.memref_slice %arg4[%dma_start3A_79, %dma_start3A_80] : memref<10000x640xi32, #tpu.memory_space<hbm>> -> memref<10000x640xi32, #tpu.memory_space<hbm>>
          tpu.enqueue_indirect_dma source(%dma_start3A_81 : memref<10000x640xi32, #tpu.memory_space<hbm>>) target(%arg10 : memref<40x640xi32, #tpu.memory_space<vmem>>) offsets(%dma_start3A_78 : memref<40xi32, #tpu.memory_space<vmem>>) semaphore(%arg14 : memref<!tpu.dma_semaphore, #tpu.memory_space<semaphore_mem>>)
          %dma_start3A_82 = tpu.memref_slice %arg9[%mul3A_77] : memref<5000xi32, #tpu.memory_space<vmem>> -> memref<40xi32, #tpu.memory_space<vmem>>
          %dma_start3A_83 = arith.constant 0 : i32
          %dma_start3A_84 = arith.constant 0 : i32
          %dma_start3A_85 = tpu.memref_slice %arg5[%dma_start3A_83, %dma_start3A_84] : memref<10000x512xi32, #tpu.memory_space<hbm>> -> memref<10000x512xi32, #tpu.memory_space<hbm>>
          tpu.enqueue_indirect_dma source(%dma_start3A_85 : memref<10000x512xi32, #tpu.memory_space<hbm>>) target(%arg12 : memref<40x512xi32, #tpu.memory_space<vmem>>) offsets(%dma_start3A_82 : memref<40xi32, #tpu.memory_space<vmem>>) semaphore(%arg14 : memref<!tpu.dma_semaphore, #tpu.memory_space<semaphore_mem>>)
        } else {
        }
        %dma_wait3A_49 = arith.constant 0 : i32
        %dma_wait3A_50 = arith.constant 0 : i32
        %dma_wait3A_51 = tpu.memref_slice %arg4[%dma_wait3A_49, %dma_wait3A_50] : memref<10000x640xi32, #tpu.memory_space<hbm>> -> memref<40x640xi32, #tpu.memory_space<hbm>>
        %dma_wait3A_52 = arith.constant 0 : i32
        %dma_wait3A_53 = arith.constant 0 : i32
        %dma_wait3A_54 = tpu.memref_slice %arg4[%dma_wait3A_52, %dma_wait3A_53] : memref<10000x640xi32, #tpu.memory_space<hbm>> -> memref<40x640xi32, #tpu.memory_space<hbm>>
        tpu.wait_dma2 semaphore(%arg15 : memref<!tpu.dma_semaphore, #tpu.memory_space<semaphore_mem>>) src(%dma_wait3A_54 : memref<40x640xi32, #tpu.memory_space<hbm>>) dst(%arg11 : memref<40x640xi32, #tpu.memory_space<vmem>>)
        %dma_wait3A_55 = arith.constant 0 : i32
        %dma_wait3A_56 = arith.constant 0 : i32
        %dma_wait3A_57 = tpu.memref_slice %arg5[%dma_wait3A_55, %dma_wait3A_56] : memref<10000x512xi32, #tpu.memory_space<hbm>> -> memref<40x512xi32, #tpu.memory_space<hbm>>
        %dma_wait3A_58 = arith.constant 0 : i32
        %dma_wait3A_59 = arith.constant 0 : i32
        %dma_wait3A_60 = tpu.memref_slice %arg5[%dma_wait3A_58, %dma_wait3A_59] : memref<10000x512xi32, #tpu.memory_space<hbm>> -> memref<40x512xi32, #tpu.memory_space<hbm>>
        tpu.wait_dma2 semaphore(%arg15 : memref<!tpu.dma_semaphore, #tpu.memory_space<semaphore_mem>>) src(%dma_wait3A_60 : memref<40x512xi32, #tpu.memory_space<hbm>>) dst(%arg13 : memref<40x512xi32, #tpu.memory_space<vmem>>)
        %mul3A_61 = arith.constant 40 : i32
        %mul3A_62 = arith.muli %scan3A_28, %mul3A_61 : i32
        %add3A_63 = arith.addi %mul3A_2, %mul3A_62 : i32
        %dma_start3A_64 = arith.constant 0 : i32
        %dma_start3A_65 = tpu.memref_slice %arg6[%add3A_63, %dma_start3A_64] : memref<160000x640xi32, #tpu.memory_space<hbm>> -> memref<40x640xi32, #tpu.memory_space<hbm>>
        %dma_start3A_66 = arith.constant 0 : i32
        %dma_start3A_67 = tpu.memref_slice %arg6[%add3A_63, %dma_start3A_66] : memref<160000x640xi32, #tpu.memory_space<hbm>> -> memref<40x640xi32, #tpu.memory_space<hbm>>
        tpu.enqueue_dma source(%arg11 : memref<40x640xi32, #tpu.memory_space<vmem>>) target(%dma_start3A_67 : memref<40x640xi32, #tpu.memory_space<hbm>>) target_semaphore(%arg17 : memref<!tpu.dma_semaphore, #tpu.memory_space<semaphore_mem>>)
        %dma_start3A_68 = arith.constant 0 : i32
        %dma_start3A_69 = tpu.memref_slice %arg7[%add3A_63, %dma_start3A_68] : memref<160000x512xi32, #tpu.memory_space<hbm>> -> memref<40x512xi32, #tpu.memory_space<hbm>>
        %dma_start3A_70 = arith.constant 0 : i32
        %dma_start3A_71 = tpu.memref_slice %arg7[%add3A_63, %dma_start3A_70] : memref<160000x512xi32, #tpu.memory_space<hbm>> -> memref<40x512xi32, #tpu.memory_space<hbm>>
        tpu.enqueue_dma source(%arg13 : memref<40x512xi32, #tpu.memory_space<vmem>>) target(%dma_start3A_71 : memref<40x512xi32, #tpu.memory_space<hbm>>) target_semaphore(%arg17 : memref<!tpu.dma_semaphore, #tpu.memory_space<semaphore_mem>>)
      } else {
      }
    }
    %scan3A_16 = arith.constant 125 : i32
    %dma_wait3A = arith.constant 0 : i32
    %dma_wait3A_17 = arith.constant 0 : i32
    %dma_wait3A_18 = tpu.memref_slice %arg6[%dma_wait3A, %dma_wait3A_17] : memref<160000x640xi32, #tpu.memory_space<hbm>> -> memref<40x640xi32, #tpu.memory_space<hbm>>
    %dma_wait3A_19 = arith.constant 0 : i32
    %dma_wait3A_20 = arith.constant 0 : i32
    %dma_wait3A_21 = tpu.memref_slice %arg6[%dma_wait3A_19, %dma_wait3A_20] : memref<160000x640xi32, #tpu.memory_space<hbm>> -> memref<40x640xi32, #tpu.memory_space<hbm>>
    tpu.wait_dma2 semaphore(%arg16 : memref<!tpu.dma_semaphore, #tpu.memory_space<semaphore_mem>>) src(%arg10 : memref<40x640xi32, #tpu.memory_space<vmem>>) dst(%dma_wait3A_21 : memref<40x640xi32, #tpu.memory_space<hbm>>)
    %dma_wait3A_22 = arith.constant 0 : i32
    %dma_wait3A_23 = arith.constant 0 : i32
    %dma_wait3A_24 = tpu.memref_slice %arg7[%dma_wait3A_22, %dma_wait3A_23] : memref<160000x512xi32, #tpu.memory_space<hbm>> -> memref<40x512xi32, #tpu.memory_space<hbm>>
    %dma_wait3A_25 = arith.constant 0 : i32
    %dma_wait3A_26 = arith.constant 0 : i32
    %dma_wait3A_27 = tpu.memref_slice %arg7[%dma_wait3A_25, %dma_wait3A_26] : memref<160000x512xi32, #tpu.memory_space<hbm>> -> memref<40x512xi32, #tpu.memory_space<hbm>>
    tpu.wait_dma2 semaphore(%arg16 : memref<!tpu.dma_semaphore, #tpu.memory_space<semaphore_mem>>) src(%arg12 : memref<40x512xi32, #tpu.memory_space<vmem>>) dst(%dma_wait3A_27 : memref<40x512xi32, #tpu.memory_space<hbm>>)
    return
  }
}

#map = affine_map<(d0, d1) -> (0, 0, 0)>
#map1 = affine_map<(d0, d1) -> (0, 0)>
module attributes {stable_mosaic.version = 14 : i64} {
  func.func @_scatter_call(%arg0: i32, %arg1: i32, %arg2: memref<16x125x80xi32, #tpu.memory_space<hbm>>, %arg3: memref<160000x128xf32, #tpu.memory_space<hbm>>, %arg4: memref<160000x128xf32, #tpu.memory_space<hbm>>, %arg5: memref<160000x128xf32, #tpu.memory_space<hbm>>, %arg6: memref<160000x128xf32, #tpu.memory_space<hbm>>, %arg7: memref<10000x128xf32, #tpu.memory_space<hbm>>, %arg8: memref<10000x128xf32, #tpu.memory_space<hbm>>, %arg9: memref<10000x128xf32, #tpu.memory_space<hbm>>, %arg10: memref<10000x128xf32, #tpu.memory_space<hbm>>, %arg11: memref<10000x128xf32, #tpu.memory_space<hbm>>, %arg12: memref<125x80xi32, #tpu.memory_space<vmem>>, %arg13: memref<80x128xf32, #tpu.memory_space<vmem>>, %arg14: memref<80x128xf32, #tpu.memory_space<vmem>>, %arg15: memref<10000x128xf32, #tpu.memory_space<vmem_shared>>, %arg16: memref<!tpu.dma_semaphore, #tpu.memory_space<semaphore_mem>>, %arg17: memref<!tpu.dma_semaphore, #tpu.memory_space<semaphore_mem>>) attributes {dimension_semantics = [#tpu.dimension_semantics<core_parallel>, #tpu.dimension_semantics<subcore_parallel>], iteration_bounds = array<i64: 2, 16>, scalar_prefetch = 0 : i64, scratch_operands = 6 : i64, tpu.core_type = #tpu.core_type<sc_vector_subcore>, window_params = [{transform_indices = #map}, {transform_indices = #map1}, {transform_indices = #map1}, {transform_indices = #map1}, {transform_indices = #map1}, {transform_indices = #map1}, {transform_indices = #map1}, {transform_indices = #map1}, {transform_indices = #map1}, {transform_indices = #map1}]} {
    "tpu.region"() ({
      %run_scoped3A = tpu.sem_alloc : memref<!tpu.dma_semaphore, #tpu.memory_space<semaphore_mem>>
      %dma_start3A = arith.constant 0 : i32
      %dma_start3A_7 = arith.constant 0 : i32
      %dma_start3A_8 = tpu.memref_slice %arg2[%arg1, %dma_start3A, %dma_start3A_7] : memref<16x125x80xi32, #tpu.memory_space<hbm>> -> memref<1x125x80xi32, #tpu.memory_space<hbm>>
      %dma_start3A_9 = tpu.memref_squeeze %dma_start3A_8 : memref<1x125x80xi32, #tpu.memory_space<hbm>> -> memref<125x80xi32, #tpu.memory_space<hbm>>
      %dma_start3A_10 = arith.constant 0 : i32
      %dma_start3A_11 = arith.constant 0 : i32
      %dma_start3A_12 = tpu.memref_slice %arg2[%arg1, %dma_start3A_10, %dma_start3A_11] : memref<16x125x80xi32, #tpu.memory_space<hbm>> -> memref<1x125x80xi32, #tpu.memory_space<hbm>>
      %dma_start3A_13 = tpu.memref_squeeze %dma_start3A_12 : memref<1x125x80xi32, #tpu.memory_space<hbm>> -> memref<125x80xi32, #tpu.memory_space<hbm>>
      tpu.enqueue_dma source(%dma_start3A_13 : memref<125x80xi32, #tpu.memory_space<hbm>>) target(%arg12 : memref<125x80xi32, #tpu.memory_space<vmem>>) target_semaphore(%run_scoped3A : memref<!tpu.dma_semaphore, #tpu.memory_space<semaphore_mem>>)
      %dma_wait3A = arith.constant 0 : i32
      %dma_wait3A_14 = arith.constant 0 : i32
      %dma_wait3A_15 = tpu.memref_slice %arg2[%arg1, %dma_wait3A, %dma_wait3A_14] : memref<16x125x80xi32, #tpu.memory_space<hbm>> -> memref<1x125x80xi32, #tpu.memory_space<hbm>>
      %dma_wait3A_16 = tpu.memref_squeeze %dma_wait3A_15 : memref<1x125x80xi32, #tpu.memory_space<hbm>> -> memref<125x80xi32, #tpu.memory_space<hbm>>
      %dma_wait3A_17 = arith.constant 0 : i32
      %dma_wait3A_18 = arith.constant 0 : i32
      %dma_wait3A_19 = tpu.memref_slice %arg2[%arg1, %dma_wait3A_17, %dma_wait3A_18] : memref<16x125x80xi32, #tpu.memory_space<hbm>> -> memref<1x125x80xi32, #tpu.memory_space<hbm>>
      %dma_wait3A_20 = tpu.memref_squeeze %dma_wait3A_19 : memref<1x125x80xi32, #tpu.memory_space<hbm>> -> memref<125x80xi32, #tpu.memory_space<hbm>>
      tpu.wait_dma2 semaphore(%run_scoped3A : memref<!tpu.dma_semaphore, #tpu.memory_space<semaphore_mem>>) src(%dma_wait3A_20 : memref<125x80xi32, #tpu.memory_space<hbm>>) dst(%arg12 : memref<125x80xi32, #tpu.memory_space<vmem>>)
      tpu.yield
    }) : () -> ()
    %eq3A = arith.constant 0 : i32
    %eq3A_0 = arith.cmpi eq, %arg0, %eq3A : i32
    %convert_element_type3A = arith.extui %eq3A_0 : i1 to i32
    %cond3A = arith.constant 0 : i32
    %cond3A_1 = arith.cmpi ne, %convert_element_type3A, %cond3A : i32
    scf.if %cond3A_1 {
      %mul3A = arith.constant 624 : i32
      %mul3A_7 = arith.muli %arg1, %mul3A : i32
      %mul3A_8 = arith.constant 624 : i32
      %mul3A_9 = arith.muli %arg1, %mul3A_8 : i32
      "tpu.region"() ({
        %run_scoped3A = tpu.sem_alloc : memref<!tpu.dma_semaphore, #tpu.memory_space<semaphore_mem>>
        %dma_start3A_72 = arith.constant 0 : i32
        %dma_start3A_73 = tpu.memref_slice %arg15[%mul3A_9, %dma_start3A_72] : memref<10000x128xf32, #tpu.memory_space<vmem_shared>> -> memref<624x128xf32, #tpu.memory_space<vmem_shared>>
        %dma_start3A_74 = arith.constant 0 : i32
        %dma_start3A_75 = tpu.memref_slice %arg7[%mul3A_7, %dma_start3A_74] : memref<10000x128xf32, #tpu.memory_space<hbm>> -> memref<624x128xf32, #tpu.memory_space<hbm>>
        tpu.enqueue_dma source(%dma_start3A_75 : memref<624x128xf32, #tpu.memory_space<hbm>>) target(%dma_start3A_73 : memref<624x128xf32, #tpu.memory_space<vmem_shared>>) target_semaphore(%run_scoped3A : memref<!tpu.dma_semaphore, #tpu.memory_space<semaphore_mem>>)
        %dma_wait3A = arith.constant 0 : i32
        %dma_wait3A_76 = tpu.memref_slice %arg15[%mul3A_9, %dma_wait3A] : memref<10000x128xf32, #tpu.memory_space<vmem_shared>> -> memref<624x128xf32, #tpu.memory_space<vmem_shared>>
        %dma_wait3A_77 = arith.constant 0 : i32
        %dma_wait3A_78 = tpu.memref_slice %arg7[%mul3A_7, %dma_wait3A_77] : memref<10000x128xf32, #tpu.memory_space<hbm>> -> memref<624x128xf32, #tpu.memory_space<hbm>>
        tpu.wait_dma2 semaphore(%run_scoped3A : memref<!tpu.dma_semaphore, #tpu.memory_space<semaphore_mem>>) src(%dma_wait3A_78 : memref<624x128xf32, #tpu.memory_space<hbm>>) dst(%dma_wait3A_76 : memref<624x128xf32, #tpu.memory_space<vmem_shared>>)
        tpu.yield
      }) : () -> ()
      %eq3A_10 = arith.constant 0 : i32
      %eq3A_11 = arith.cmpi eq, %arg1, %eq3A_10 : i32
      %convert_element_type3A_12 = arith.extui %eq3A_11 : i1 to i32
      %cond3A_13 = arith.constant 0 : i32
      %cond3A_14 = arith.cmpi ne, %convert_element_type3A_12, %cond3A_13 : i32
      scf.if %cond3A_14 {
        "tpu.region"() ({
          %run_scoped3A = tpu.sem_alloc : memref<!tpu.dma_semaphore, #tpu.memory_space<semaphore_mem>>
          %dma_start3A_72 = arith.constant 9984 : i32
          %dma_start3A_73 = arith.constant 0 : i32
          %dma_start3A_74 = tpu.memref_slice %arg15[%dma_start3A_72, %dma_start3A_73] : memref<10000x128xf32, #tpu.memory_space<vmem_shared>> -> memref<16x128xf32, #tpu.memory_space<vmem_shared>>
          %dma_start3A_75 = arith.constant 9984 : i32
          %dma_start3A_76 = arith.constant 0 : i32
          %dma_start3A_77 = tpu.memref_slice %arg7[%dma_start3A_75, %dma_start3A_76] : memref<10000x128xf32, #tpu.memory_space<hbm>> -> memref<16x128xf32, #tpu.memory_space<hbm>>
          tpu.enqueue_dma source(%dma_start3A_77 : memref<16x128xf32, #tpu.memory_space<hbm>>) target(%dma_start3A_74 : memref<16x128xf32, #tpu.memory_space<vmem_shared>>) target_semaphore(%run_scoped3A : memref<!tpu.dma_semaphore, #tpu.memory_space<semaphore_mem>>)
          %dma_wait3A = arith.constant 9984 : i32
          %dma_wait3A_78 = arith.constant 0 : i32
          %dma_wait3A_79 = tpu.memref_slice %arg15[%dma_wait3A, %dma_wait3A_78] : memref<10000x128xf32, #tpu.memory_space<vmem_shared>> -> memref<16x128xf32, #tpu.memory_space<vmem_shared>>
          %dma_wait3A_80 = arith.constant 9984 : i32
          %dma_wait3A_81 = arith.constant 0 : i32
          %dma_wait3A_82 = tpu.memref_slice %arg7[%dma_wait3A_80, %dma_wait3A_81] : memref<10000x128xf32, #tpu.memory_space<hbm>> -> memref<16x128xf32, #tpu.memory_space<hbm>>
          tpu.wait_dma2 semaphore(%run_scoped3A : memref<!tpu.dma_semaphore, #tpu.memory_space<semaphore_mem>>) src(%dma_wait3A_82 : memref<16x128xf32, #tpu.memory_space<hbm>>) dst(%dma_wait3A_79 : memref<16x128xf32, #tpu.memory_space<vmem_shared>>)
          tpu.yield
        }) : () -> ()
      } else {
      }
      %barrier3A = arith.constant 0 : index
      tpu.barrier barrier_id(%barrier3A)
      %mul3A_15 = arith.constant 10000 : i32
      %mul3A_16 = arith.muli %arg1, %mul3A_15 : i32
      %add3A = arith.constant 0 : i32
      %add3A_17 = arith.addi %mul3A_16, %add3A : i32
      %dma_start3A = arith.constant 0 : i32
      %dma_start3A_18 = tpu.memref_slice %arg3[%add3A_17, %dma_start3A] : memref<160000x128xf32, #tpu.memory_space<hbm>> -> memref<80x128xf32, #tpu.memory_space<hbm>>
      %dma_start3A_19 = arith.constant 0 : i32
      %dma_start3A_20 = tpu.memref_slice %arg3[%add3A_17, %dma_start3A_19] : memref<160000x128xf32, #tpu.memory_space<hbm>> -> memref<80x128xf32, #tpu.memory_space<hbm>>
      tpu.enqueue_dma source(%dma_start3A_20 : memref<80x128xf32, #tpu.memory_space<hbm>>) target(%arg13 : memref<80x128xf32, #tpu.memory_space<vmem>>) target_semaphore(%arg16 : memref<!tpu.dma_semaphore, #tpu.memory_space<semaphore_mem>>)
      %scan3A = arith.constant 0 : i32
      %scan3A_21 = arith.constant 0 : i32
      %scan3A_22 = arith.constant 125 : i32
      %scan3A_23 = arith.addi %scan3A_21, %scan3A_22 : i32
      %scan3A_24 = arith.constant 1 : i32
      scf.for %scan3A_72 = %scan3A_21 to %scan3A_23 step %scan3A_24  : i32 {
        %rem3A = arith.constant 2 : i32
        %rem3A_73 = arith.remsi %scan3A_72, %rem3A : i32
        %eq3A_74 = arith.constant 0 : i32
        %eq3A_75 = arith.cmpi eq, %rem3A_73, %eq3A_74 : i32
        %convert_element_type3A_76 = arith.extui %eq3A_75 : i1 to i32
        %cond3A_77 = arith.constant 0 : i32
        %cond3A_78 = arith.cmpi ne, %convert_element_type3A_76, %cond3A_77 : i32
        scf.if %cond3A_78 {
          %add3A_86 = arith.constant 1 : i32
          %add3A_87 = arith.addi %scan3A_72, %add3A_86 : i32
          %lt3A = arith.constant 125 : i32
          %lt3A_88 = arith.cmpi slt, %add3A_87, %lt3A : i32
          %convert_element_type3A_89 = arith.extui %lt3A_88 : i1 to i32
          %cond3A_90 = arith.constant 0 : i32
          %cond3A_91 = arith.cmpi ne, %convert_element_type3A_89, %cond3A_90 : i32
          scf.if %cond3A_91 {
            %add3A_97 = arith.constant 1 : i32
            %add3A_98 = arith.addi %scan3A_72, %add3A_97 : i32
            %mul3A_99 = arith.constant 10000 : i32
            %mul3A_100 = arith.muli %arg1, %mul3A_99 : i32
            %mul3A_101 = arith.constant 80 : i32
            %mul3A_102 = arith.muli %add3A_98, %mul3A_101 : i32
            %add3A_103 = arith.addi %mul3A_100, %mul3A_102 : i32
            %dma_start3A_104 = arith.constant 0 : i32
            %dma_start3A_105 = tpu.memref_slice %arg3[%add3A_103, %dma_start3A_104] : memref<160000x128xf32, #tpu.memory_space<hbm>> -> memref<80x128xf32, #tpu.memory_space<hbm>>
            %dma_start3A_106 = arith.constant 0 : i32
            %dma_start3A_107 = tpu.memref_slice %arg3[%add3A_103, %dma_start3A_106] : memref<160000x128xf32, #tpu.memory_space<hbm>> -> memref<80x128xf32, #tpu.memory_space<hbm>>
            tpu.enqueue_dma source(%dma_start3A_107 : memref<80x128xf32, #tpu.memory_space<hbm>>) target(%arg14 : memref<80x128xf32, #tpu.memory_space<vmem>>) target_semaphore(%arg17 : memref<!tpu.dma_semaphore, #tpu.memory_space<semaphore_mem>>)
          } else {
          }
          %dma_wait3A = arith.constant 0 : i32
          %dma_wait3A_92 = arith.constant 0 : i32
          %dma_wait3A_93 = tpu.memref_slice %arg3[%dma_wait3A, %dma_wait3A_92] : memref<160000x128xf32, #tpu.memory_space<hbm>> -> memref<80x128xf32, #tpu.memory_space<hbm>>
          %dma_wait3A_94 = arith.constant 0 : i32
          %dma_wait3A_95 = arith.constant 0 : i32
          %dma_wait3A_96 = tpu.memref_slice %arg3[%dma_wait3A_94, %dma_wait3A_95] : memref<160000x128xf32, #tpu.memory_space<hbm>> -> memref<80x128xf32, #tpu.memory_space<hbm>>
          tpu.wait_dma2 semaphore(%arg16 : memref<!tpu.dma_semaphore, #tpu.memory_space<semaphore_mem>>) src(%dma_wait3A_96 : memref<80x128xf32, #tpu.memory_space<hbm>>) dst(%arg13 : memref<80x128xf32, #tpu.memory_space<vmem>>)
          "tpu.region"() ({
            %run_scoped3A = tpu.sem_alloc : memref<!tpu.dma_semaphore, #tpu.memory_space<semaphore_mem>>
            %dma_start3A_97 = arith.constant 0 : i32
            %dma_start3A_98 = tpu.memref_slice %arg12[%scan3A_72, %dma_start3A_97] : memref<125x80xi32, #tpu.memory_space<vmem>> -> memref<1x80xi32, #tpu.memory_space<vmem>>
            %dma_start3A_99 = tpu.memref_squeeze %dma_start3A_98 : memref<1x80xi32, #tpu.memory_space<vmem>> -> memref<80xi32, #tpu.memory_space<vmem>>
            %dma_start3A_100 = arith.constant 0 : i32
            %dma_start3A_101 = arith.constant 0 : i32
            %dma_start3A_102 = tpu.memref_slice %arg15[%dma_start3A_100, %dma_start3A_101] : memref<10000x128xf32, #tpu.memory_space<vmem_shared>> -> memref<10000x128xf32, #tpu.memory_space<vmem_shared>>
            tpu.enqueue_indirect_dma source(%arg13 : memref<80x128xf32, #tpu.memory_space<vmem>>) target(%dma_start3A_102 : memref<10000x128xf32, #tpu.memory_space<vmem_shared>>) offsets(%dma_start3A_99 : memref<80xi32, #tpu.memory_space<vmem>>) semaphore(%run_scoped3A : memref<!tpu.dma_semaphore, #tpu.memory_space<semaphore_mem>>) {add = true}
            %dma_wait3A_103 = arith.constant 0 : i32
            %dma_wait3A_104 = tpu.memref_slice %arg12[%scan3A_72, %dma_wait3A_103] : memref<125x80xi32, #tpu.memory_space<vmem>> -> memref<1x80xi32, #tpu.memory_space<vmem>>
            %dma_wait3A_105 = tpu.memref_squeeze %dma_wait3A_104 : memref<1x80xi32, #tpu.memory_space<vmem>> -> memref<80xi32, #tpu.memory_space<vmem>>
            %dma_wait3A_106 = arith.constant 0 : i32
            %dma_wait3A_107 = arith.constant 0 : i32
            %dma_wait3A_108 = tpu.memref_slice %arg15[%dma_wait3A_106, %dma_wait3A_107] : memref<10000x128xf32, #tpu.memory_space<vmem_shared>> -> memref<10000x128xf32, #tpu.memory_space<vmem_shared>>
            tpu.wait_indirect_dma semaphore(%run_scoped3A : memref<!tpu.dma_semaphore, #tpu.memory_space<semaphore_mem>>) src(%arg13 : memref<80x128xf32, #tpu.memory_space<vmem>>) dst(%dma_wait3A_108 : memref<10000x128xf32, #tpu.memory_space<vmem_shared>>)
            tpu.yield
          }) : () -> ()
        } else {
        }
        %rem3A_79 = arith.constant 2 : i32
        %rem3A_80 = arith.remsi %scan3A_72, %rem3A_79 : i32
        %eq3A_81 = arith.constant 1 : i32
        %eq3A_82 = arith.cmpi eq, %rem3A_80, %eq3A_81 : i32
        %convert_element_type3A_83 = arith.extui %eq3A_82 : i1 to i32
        %cond3A_84 = arith.constant 0 : i32
        %cond3A_85 = arith.cmpi ne, %convert_element_type3A_83, %cond3A_84 : i32
        scf.if %cond3A_85 {
          %add3A_86 = arith.constant 1 : i32
          %add3A_87 = arith.addi %scan3A_72, %add3A_86 : i32
          %lt3A = arith.constant 125 : i32
          %lt3A_88 = arith.cmpi slt, %add3A_87, %lt3A : i32
          %convert_element_type3A_89 = arith.extui %lt3A_88 : i1 to i32
          %cond3A_90 = arith.constant 0 : i32
          %cond3A_91 = arith.cmpi ne, %convert_element_type3A_89, %cond3A_90 : i32
          scf.if %cond3A_91 {
            %add3A_97 = arith.constant 1 : i32
            %add3A_98 = arith.addi %scan3A_72, %add3A_97 : i32
            %mul3A_99 = arith.constant 10000 : i32
            %mul3A_100 = arith.muli %arg1, %mul3A_99 : i32
            %mul3A_101 = arith.constant 80 : i32
            %mul3A_102 = arith.muli %add3A_98, %mul3A_101 : i32
            %add3A_103 = arith.addi %mul3A_100, %mul3A_102 : i32
            %dma_start3A_104 = arith.constant 0 : i32
            %dma_start3A_105 = tpu.memref_slice %arg3[%add3A_103, %dma_start3A_104] : memref<160000x128xf32, #tpu.memory_space<hbm>> -> memref<80x128xf32, #tpu.memory_space<hbm>>
            %dma_start3A_106 = arith.constant 0 : i32
            %dma_start3A_107 = tpu.memref_slice %arg3[%add3A_103, %dma_start3A_106] : memref<160000x128xf32, #tpu.memory_space<hbm>> -> memref<80x128xf32, #tpu.memory_space<hbm>>
            tpu.enqueue_dma source(%dma_start3A_107 : memref<80x128xf32, #tpu.memory_space<hbm>>) target(%arg13 : memref<80x128xf32, #tpu.memory_space<vmem>>) target_semaphore(%arg16 : memref<!tpu.dma_semaphore, #tpu.memory_space<semaphore_mem>>)
          } else {
          }
          %dma_wait3A = arith.constant 0 : i32
          %dma_wait3A_92 = arith.constant 0 : i32
          %dma_wait3A_93 = tpu.memref_slice %arg3[%dma_wait3A, %dma_wait3A_92] : memref<160000x128xf32, #tpu.memory_space<hbm>> -> memref<80x128xf32, #tpu.memory_space<hbm>>
          %dma_wait3A_94 = arith.constant 0 : i32
          %dma_wait3A_95 = arith.constant 0 : i32
          %dma_wait3A_96 = tpu.memref_slice %arg3[%dma_wait3A_94, %dma_wait3A_95] : memref<160000x128xf32, #tpu.memory_space<hbm>> -> memref<80x128xf32, #tpu.memory_space<hbm>>
          tpu.wait_dma2 semaphore(%arg17 : memref<!tpu.dma_semaphore, #tpu.memory_space<semaphore_mem>>) src(%dma_wait3A_96 : memref<80x128xf32, #tpu.memory_space<hbm>>) dst(%arg14 : memref<80x128xf32, #tpu.memory_space<vmem>>)
          "tpu.region"() ({
            %run_scoped3A = tpu.sem_alloc : memref<!tpu.dma_semaphore, #tpu.memory_space<semaphore_mem>>
            %dma_start3A_97 = arith.constant 0 : i32
            %dma_start3A_98 = tpu.memref_slice %arg12[%scan3A_72, %dma_start3A_97] : memref<125x80xi32, #tpu.memory_space<vmem>> -> memref<1x80xi32, #tpu.memory_space<vmem>>
            %dma_start3A_99 = tpu.memref_squeeze %dma_start3A_98 : memref<1x80xi32, #tpu.memory_space<vmem>> -> memref<80xi32, #tpu.memory_space<vmem>>
            %dma_start3A_100 = arith.constant 0 : i32
            %dma_start3A_101 = arith.constant 0 : i32
            %dma_start3A_102 = tpu.memref_slice %arg15[%dma_start3A_100, %dma_start3A_101] : memref<10000x128xf32, #tpu.memory_space<vmem_shared>> -> memref<10000x128xf32, #tpu.memory_space<vmem_shared>>
            tpu.enqueue_indirect_dma source(%arg14 : memref<80x128xf32, #tpu.memory_space<vmem>>) target(%dma_start3A_102 : memref<10000x128xf32, #tpu.memory_space<vmem_shared>>) offsets(%dma_start3A_99 : memref<80xi32, #tpu.memory_space<vmem>>) semaphore(%run_scoped3A : memref<!tpu.dma_semaphore, #tpu.memory_space<semaphore_mem>>) {add = true}
            %dma_wait3A_103 = arith.constant 0 : i32
            %dma_wait3A_104 = tpu.memref_slice %arg12[%scan3A_72, %dma_wait3A_103] : memref<125x80xi32, #tpu.memory_space<vmem>> -> memref<1x80xi32, #tpu.memory_space<vmem>>
            %dma_wait3A_105 = tpu.memref_squeeze %dma_wait3A_104 : memref<1x80xi32, #tpu.memory_space<vmem>> -> memref<80xi32, #tpu.memory_space<vmem>>
            %dma_wait3A_106 = arith.constant 0 : i32
            %dma_wait3A_107 = arith.constant 0 : i32
            %dma_wait3A_108 = tpu.memref_slice %arg15[%dma_wait3A_106, %dma_wait3A_107] : memref<10000x128xf32, #tpu.memory_space<vmem_shared>> -> memref<10000x128xf32, #tpu.memory_space<vmem_shared>>
            tpu.wait_indirect_dma semaphore(%run_scoped3A : memref<!tpu.dma_semaphore, #tpu.memory_space<semaphore_mem>>) src(%arg14 : memref<80x128xf32, #tpu.memory_space<vmem>>) dst(%dma_wait3A_108 : memref<10000x128xf32, #tpu.memory_space<vmem_shared>>)
            tpu.yield
          }) : () -> ()
        } else {
        }
      }
      %scan3A_25 = arith.constant 125 : i32
      %barrier3A_26 = arith.constant 0 : index
      tpu.barrier barrier_id(%barrier3A_26)
      %mul3A_27 = arith.constant 624 : i32
      %mul3A_28 = arith.muli %arg1, %mul3A_27 : i32
      %mul3A_29 = arith.constant 624 : i32
      %mul3A_30 = arith.muli %arg1, %mul3A_29 : i32
      "tpu.region"() ({
        %run_scoped3A = tpu.sem_alloc : memref<!tpu.dma_semaphore, #tpu.memory_space<semaphore_mem>>
        %dma_start3A_72 = arith.constant 0 : i32
        %dma_start3A_73 = tpu.memref_slice %arg8[%mul3A_30, %dma_start3A_72] : memref<10000x128xf32, #tpu.memory_space<hbm>> -> memref<624x128xf32, #tpu.memory_space<hbm>>
        %dma_start3A_74 = arith.constant 0 : i32
        %dma_start3A_75 = tpu.memref_slice %arg15[%mul3A_28, %dma_start3A_74] : memref<10000x128xf32, #tpu.memory_space<vmem_shared>> -> memref<624x128xf32, #tpu.memory_space<vmem_shared>>
        tpu.enqueue_dma source(%dma_start3A_75 : memref<624x128xf32, #tpu.memory_space<vmem_shared>>) target(%dma_start3A_73 : memref<624x128xf32, #tpu.memory_space<hbm>>) target_semaphore(%run_scoped3A : memref<!tpu.dma_semaphore, #tpu.memory_space<semaphore_mem>>)
        %dma_wait3A = arith.constant 0 : i32
        %dma_wait3A_76 = tpu.memref_slice %arg8[%mul3A_30, %dma_wait3A] : memref<10000x128xf32, #tpu.memory_space<hbm>> -> memref<624x128xf32, #tpu.memory_space<hbm>>
        %dma_wait3A_77 = arith.constant 0 : i32
        %dma_wait3A_78 = tpu.memref_slice %arg15[%mul3A_28, %dma_wait3A_77] : memref<10000x128xf32, #tpu.memory_space<vmem_shared>> -> memref<624x128xf32, #tpu.memory_space<vmem_shared>>
        tpu.wait_dma2 semaphore(%run_scoped3A : memref<!tpu.dma_semaphore, #tpu.memory_space<semaphore_mem>>) src(%dma_wait3A_78 : memref<624x128xf32, #tpu.memory_space<vmem_shared>>) dst(%dma_wait3A_76 : memref<624x128xf32, #tpu.memory_space<hbm>>)
        tpu.yield
      }) : () -> ()
      %eq3A_31 = arith.constant 0 : i32
      %eq3A_32 = arith.cmpi eq, %arg1, %eq3A_31 : i32
      %convert_element_type3A_33 = arith.extui %eq3A_32 : i1 to i32
      %cond3A_34 = arith.constant 0 : i32
      %cond3A_35 = arith.cmpi ne, %convert_element_type3A_33, %cond3A_34 : i32
      scf.if %cond3A_35 {
        "tpu.region"() ({
          %run_scoped3A = tpu.sem_alloc : memref<!tpu.dma_semaphore, #tpu.memory_space<semaphore_mem>>
          %dma_start3A_72 = arith.constant 9984 : i32
          %dma_start3A_73 = arith.constant 0 : i32
          %dma_start3A_74 = tpu.memref_slice %arg8[%dma_start3A_72, %dma_start3A_73] : memref<10000x128xf32, #tpu.memory_space<hbm>> -> memref<16x128xf32, #tpu.memory_space<hbm>>
          %dma_start3A_75 = arith.constant 9984 : i32
          %dma_start3A_76 = arith.constant 0 : i32
          %dma_start3A_77 = tpu.memref_slice %arg15[%dma_start3A_75, %dma_start3A_76] : memref<10000x128xf32, #tpu.memory_space<vmem_shared>> -> memref<16x128xf32, #tpu.memory_space<vmem_shared>>
          tpu.enqueue_dma source(%dma_start3A_77 : memref<16x128xf32, #tpu.memory_space<vmem_shared>>) target(%dma_start3A_74 : memref<16x128xf32, #tpu.memory_space<hbm>>) target_semaphore(%run_scoped3A : memref<!tpu.dma_semaphore, #tpu.memory_space<semaphore_mem>>)
          %dma_wait3A = arith.constant 9984 : i32
          %dma_wait3A_78 = arith.constant 0 : i32
          %dma_wait3A_79 = tpu.memref_slice %arg8[%dma_wait3A, %dma_wait3A_78] : memref<10000x128xf32, #tpu.memory_space<hbm>> -> memref<16x128xf32, #tpu.memory_space<hbm>>
          %dma_wait3A_80 = arith.constant 9984 : i32
          %dma_wait3A_81 = arith.constant 0 : i32
          %dma_wait3A_82 = tpu.memref_slice %arg15[%dma_wait3A_80, %dma_wait3A_81] : memref<10000x128xf32, #tpu.memory_space<vmem_shared>> -> memref<16x128xf32, #tpu.memory_space<vmem_shared>>
          tpu.wait_dma2 semaphore(%run_scoped3A : memref<!tpu.dma_semaphore, #tpu.memory_space<semaphore_mem>>) src(%dma_wait3A_82 : memref<16x128xf32, #tpu.memory_space<vmem_shared>>) dst(%dma_wait3A_79 : memref<16x128xf32, #tpu.memory_space<hbm>>)
          tpu.yield
        }) : () -> ()
      } else {
      }
      %barrier3A_36 = arith.constant 0 : index
      tpu.barrier barrier_id(%barrier3A_36)
      %mul3A_37 = arith.constant 624 : i32
      %mul3A_38 = arith.muli %arg1, %mul3A_37 : i32
      %mul3A_39 = arith.constant 624 : i32
      %mul3A_40 = arith.muli %arg1, %mul3A_39 : i32
      "tpu.region"() ({
        %run_scoped3A = tpu.sem_alloc : memref<!tpu.dma_semaphore, #tpu.memory_space<semaphore_mem>>
        %dma_start3A_72 = arith.constant 0 : i32
        %dma_start3A_73 = tpu.memref_slice %arg15[%mul3A_40, %dma_start3A_72] : memref<10000x128xf32, #tpu.memory_space<vmem_shared>> -> memref<624x128xf32, #tpu.memory_space<vmem_shared>>
        %dma_start3A_74 = arith.constant 0 : i32
        %dma_start3A_75 = tpu.memref_slice %arg7[%mul3A_38, %dma_start3A_74] : memref<10000x128xf32, #tpu.memory_space<hbm>> -> memref<624x128xf32, #tpu.memory_space<hbm>>
        tpu.enqueue_dma source(%dma_start3A_75 : memref<624x128xf32, #tpu.memory_space<hbm>>) target(%dma_start3A_73 : memref<624x128xf32, #tpu.memory_space<vmem_shared>>) target_semaphore(%run_scoped3A : memref<!tpu.dma_semaphore, #tpu.memory_space<semaphore_mem>>)
        %dma_wait3A = arith.constant 0 : i32
        %dma_wait3A_76 = tpu.memref_slice %arg15[%mul3A_40, %dma_wait3A] : memref<10000x128xf32, #tpu.memory_space<vmem_shared>> -> memref<624x128xf32, #tpu.memory_space<vmem_shared>>
        %dma_wait3A_77 = arith.constant 0 : i32
        %dma_wait3A_78 = tpu.memref_slice %arg7[%mul3A_38, %dma_wait3A_77] : memref<10000x128xf32, #tpu.memory_space<hbm>> -> memref<624x128xf32, #tpu.memory_space<hbm>>
        tpu.wait_dma2 semaphore(%run_scoped3A : memref<!tpu.dma_semaphore, #tpu.memory_space<semaphore_mem>>) src(%dma_wait3A_78 : memref<624x128xf32, #tpu.memory_space<hbm>>) dst(%dma_wait3A_76 : memref<624x128xf32, #tpu.memory_space<vmem_shared>>)
        tpu.yield
      }) : () -> ()
      %eq3A_41 = arith.constant 0 : i32
      %eq3A_42 = arith.cmpi eq, %arg1, %eq3A_41 : i32
      %convert_element_type3A_43 = arith.extui %eq3A_42 : i1 to i32
      %cond3A_44 = arith.constant 0 : i32
      %cond3A_45 = arith.cmpi ne, %convert_element_type3A_43, %cond3A_44 : i32
      scf.if %cond3A_45 {
        "tpu.region"() ({
          %run_scoped3A = tpu.sem_alloc : memref<!tpu.dma_semaphore, #tpu.memory_space<semaphore_mem>>
          %dma_start3A_72 = arith.constant 9984 : i32
          %dma_start3A_73 = arith.constant 0 : i32
          %dma_start3A_74 = tpu.memref_slice %arg15[%dma_start3A_72, %dma_start3A_73] : memref<10000x128xf32, #tpu.memory_space<vmem_shared>> -> memref<16x128xf32, #tpu.memory_space<vmem_shared>>
          %dma_start3A_75 = arith.constant 9984 : i32
          %dma_start3A_76 = arith.constant 0 : i32
          %dma_start3A_77 = tpu.memref_slice %arg7[%dma_start3A_75, %dma_start3A_76] : memref<10000x128xf32, #tpu.memory_space<hbm>> -> memref<16x128xf32, #tpu.memory_space<hbm>>
          tpu.enqueue_dma source(%dma_start3A_77 : memref<16x128xf32, #tpu.memory_space<hbm>>) target(%dma_start3A_74 : memref<16x128xf32, #tpu.memory_space<vmem_shared>>) target_semaphore(%run_scoped3A : memref<!tpu.dma_semaphore, #tpu.memory_space<semaphore_mem>>)
          %dma_wait3A = arith.constant 9984 : i32
          %dma_wait3A_78 = arith.constant 0 : i32
          %dma_wait3A_79 = tpu.memref_slice %arg15[%dma_wait3A, %dma_wait3A_78] : memref<10000x128xf32, #tpu.memory_space<vmem_shared>> -> memref<16x128xf32, #tpu.memory_space<vmem_shared>>
          %dma_wait3A_80 = arith.constant 9984 : i32
          %dma_wait3A_81 = arith.constant 0 : i32
          %dma_wait3A_82 = tpu.memref_slice %arg7[%dma_wait3A_80, %dma_wait3A_81] : memref<10000x128xf32, #tpu.memory_space<hbm>> -> memref<16x128xf32, #tpu.memory_space<hbm>>
          tpu.wait_dma2 semaphore(%run_scoped3A : memref<!tpu.dma_semaphore, #tpu.memory_space<semaphore_mem>>) src(%dma_wait3A_82 : memref<16x128xf32, #tpu.memory_space<hbm>>) dst(%dma_wait3A_79 : memref<16x128xf32, #tpu.memory_space<vmem_shared>>)
          tpu.yield
        }) : () -> ()
      } else {
      }
      %barrier3A_46 = arith.constant 0 : index
      tpu.barrier barrier_id(%barrier3A_46)
      %mul3A_47 = arith.constant 10000 : i32
      %mul3A_48 = arith.muli %arg1, %mul3A_47 : i32
      %add3A_49 = arith.constant 0 : i32
      %add3A_50 = arith.addi %mul3A_48, %add3A_49 : i32
      %dma_start3A_51 = arith.constant 0 : i32
      %dma_start3A_52 = tpu.memref_slice %arg4[%add3A_50, %dma_start3A_51] : memref<160000x128xf32, #tpu.memory_space<hbm>> -> memref<80x128xf32, #tpu.memory_space<hbm>>
      %dma_start3A_53 = arith.constant 0 : i32
      %dma_start3A_54 = tpu.memref_slice %arg4[%add3A_50, %dma_start3A_53] : memref<160000x128xf32, #tpu.memory_space<hbm>> -> memref<80x128xf32, #tpu.memory_space<hbm>>
      tpu.enqueue_dma source(%dma_start3A_54 : memref<80x128xf32, #tpu.memory_space<hbm>>) target(%arg13 : memref<80x128xf32, #tpu.memory_space<vmem>>) target_semaphore(%arg16 : memref<!tpu.dma_semaphore, #tpu.memory_space<semaphore_mem>>)
      %scan3A_55 = arith.constant 0 : i32
      %scan3A_56 = arith.constant 0 : i32
      %scan3A_57 = arith.constant 125 : i32
      %scan3A_58 = arith.addi %scan3A_56, %scan3A_57 : i32
      %scan3A_59 = arith.constant 1 : i32
      scf.for %scan3A_72 = %scan3A_56 to %scan3A_58 step %scan3A_59  : i32 {
        %rem3A = arith.constant 2 : i32
        %rem3A_73 = arith.remsi %scan3A_72, %rem3A : i32
        %eq3A_74 = arith.constant 0 : i32
        %eq3A_75 = arith.cmpi eq, %rem3A_73, %eq3A_74 : i32
        %convert_element_type3A_76 = arith.extui %eq3A_75 : i1 to i32
        %cond3A_77 = arith.constant 0 : i32
        %cond3A_78 = arith.cmpi ne, %convert_element_type3A_76, %cond3A_77 : i32
        scf.if %cond3A_78 {
          %add3A_86 = arith.constant 1 : i32
          %add3A_87 = arith.addi %scan3A_72, %add3A_86 : i32
          %lt3A = arith.constant 125 : i32
          %lt3A_88 = arith.cmpi slt, %add3A_87, %lt3A : i32
          %convert_element_type3A_89 = arith.extui %lt3A_88 : i1 to i32
          %cond3A_90 = arith.constant 0 : i32
          %cond3A_91 = arith.cmpi ne, %convert_element_type3A_89, %cond3A_90 : i32
          scf.if %cond3A_91 {
            %add3A_97 = arith.constant 1 : i32
            %add3A_98 = arith.addi %scan3A_72, %add3A_97 : i32
            %mul3A_99 = arith.constant 10000 : i32
            %mul3A_100 = arith.muli %arg1, %mul3A_99 : i32
            %mul3A_101 = arith.constant 80 : i32
            %mul3A_102 = arith.muli %add3A_98, %mul3A_101 : i32
            %add3A_103 = arith.addi %mul3A_100, %mul3A_102 : i32
            %dma_start3A_104 = arith.constant 0 : i32
            %dma_start3A_105 = tpu.memref_slice %arg4[%add3A_103, %dma_start3A_104] : memref<160000x128xf32, #tpu.memory_space<hbm>> -> memref<80x128xf32, #tpu.memory_space<hbm>>
            %dma_start3A_106 = arith.constant 0 : i32
            %dma_start3A_107 = tpu.memref_slice %arg4[%add3A_103, %dma_start3A_106] : memref<160000x128xf32, #tpu.memory_space<hbm>> -> memref<80x128xf32, #tpu.memory_space<hbm>>
            tpu.enqueue_dma source(%dma_start3A_107 : memref<80x128xf32, #tpu.memory_space<hbm>>) target(%arg14 : memref<80x128xf32, #tpu.memory_space<vmem>>) target_semaphore(%arg17 : memref<!tpu.dma_semaphore, #tpu.memory_space<semaphore_mem>>)
          } else {
          }
          %dma_wait3A = arith.constant 0 : i32
          %dma_wait3A_92 = arith.constant 0 : i32
          %dma_wait3A_93 = tpu.memref_slice %arg4[%dma_wait3A, %dma_wait3A_92] : memref<160000x128xf32, #tpu.memory_space<hbm>> -> memref<80x128xf32, #tpu.memory_space<hbm>>
          %dma_wait3A_94 = arith.constant 0 : i32
          %dma_wait3A_95 = arith.constant 0 : i32
          %dma_wait3A_96 = tpu.memref_slice %arg4[%dma_wait3A_94, %dma_wait3A_95] : memref<160000x128xf32, #tpu.memory_space<hbm>> -> memref<80x128xf32, #tpu.memory_space<hbm>>
          tpu.wait_dma2 semaphore(%arg16 : memref<!tpu.dma_semaphore, #tpu.memory_space<semaphore_mem>>) src(%dma_wait3A_96 : memref<80x128xf32, #tpu.memory_space<hbm>>) dst(%arg13 : memref<80x128xf32, #tpu.memory_space<vmem>>)
          "tpu.region"() ({
            %run_scoped3A = tpu.sem_alloc : memref<!tpu.dma_semaphore, #tpu.memory_space<semaphore_mem>>
            %dma_start3A_97 = arith.constant 0 : i32
            %dma_start3A_98 = tpu.memref_slice %arg12[%scan3A_72, %dma_start3A_97] : memref<125x80xi32, #tpu.memory_space<vmem>> -> memref<1x80xi32, #tpu.memory_space<vmem>>
            %dma_start3A_99 = tpu.memref_squeeze %dma_start3A_98 : memref<1x80xi32, #tpu.memory_space<vmem>> -> memref<80xi32, #tpu.memory_space<vmem>>
            %dma_start3A_100 = arith.constant 0 : i32
            %dma_start3A_101 = arith.constant 0 : i32
            %dma_start3A_102 = tpu.memref_slice %arg15[%dma_start3A_100, %dma_start3A_101] : memref<10000x128xf32, #tpu.memory_space<vmem_shared>> -> memref<10000x128xf32, #tpu.memory_space<vmem_shared>>
            tpu.enqueue_indirect_dma source(%arg13 : memref<80x128xf32, #tpu.memory_space<vmem>>) target(%dma_start3A_102 : memref<10000x128xf32, #tpu.memory_space<vmem_shared>>) offsets(%dma_start3A_99 : memref<80xi32, #tpu.memory_space<vmem>>) semaphore(%run_scoped3A : memref<!tpu.dma_semaphore, #tpu.memory_space<semaphore_mem>>) {add = true}
            %dma_wait3A_103 = arith.constant 0 : i32
            %dma_wait3A_104 = tpu.memref_slice %arg12[%scan3A_72, %dma_wait3A_103] : memref<125x80xi32, #tpu.memory_space<vmem>> -> memref<1x80xi32, #tpu.memory_space<vmem>>
            %dma_wait3A_105 = tpu.memref_squeeze %dma_wait3A_104 : memref<1x80xi32, #tpu.memory_space<vmem>> -> memref<80xi32, #tpu.memory_space<vmem>>
            %dma_wait3A_106 = arith.constant 0 : i32
            %dma_wait3A_107 = arith.constant 0 : i32
            %dma_wait3A_108 = tpu.memref_slice %arg15[%dma_wait3A_106, %dma_wait3A_107] : memref<10000x128xf32, #tpu.memory_space<vmem_shared>> -> memref<10000x128xf32, #tpu.memory_space<vmem_shared>>
            tpu.wait_indirect_dma semaphore(%run_scoped3A : memref<!tpu.dma_semaphore, #tpu.memory_space<semaphore_mem>>) src(%arg13 : memref<80x128xf32, #tpu.memory_space<vmem>>) dst(%dma_wait3A_108 : memref<10000x128xf32, #tpu.memory_space<vmem_shared>>)
            tpu.yield
          }) : () -> ()
        } else {
        }
        %rem3A_79 = arith.constant 2 : i32
        %rem3A_80 = arith.remsi %scan3A_72, %rem3A_79 : i32
        %eq3A_81 = arith.constant 1 : i32
        %eq3A_82 = arith.cmpi eq, %rem3A_80, %eq3A_81 : i32
        %convert_element_type3A_83 = arith.extui %eq3A_82 : i1 to i32
        %cond3A_84 = arith.constant 0 : i32
        %cond3A_85 = arith.cmpi ne, %convert_element_type3A_83, %cond3A_84 : i32
        scf.if %cond3A_85 {
          %add3A_86 = arith.constant 1 : i32
          %add3A_87 = arith.addi %scan3A_72, %add3A_86 : i32
          %lt3A = arith.constant 125 : i32
          %lt3A_88 = arith.cmpi slt, %add3A_87, %lt3A : i32
          %convert_element_type3A_89 = arith.extui %lt3A_88 : i1 to i32
          %cond3A_90 = arith.constant 0 : i32
          %cond3A_91 = arith.cmpi ne, %convert_element_type3A_89, %cond3A_90 : i32
          scf.if %cond3A_91 {
            %add3A_97 = arith.constant 1 : i32
            %add3A_98 = arith.addi %scan3A_72, %add3A_97 : i32
            %mul3A_99 = arith.constant 10000 : i32
            %mul3A_100 = arith.muli %arg1, %mul3A_99 : i32
            %mul3A_101 = arith.constant 80 : i32
            %mul3A_102 = arith.muli %add3A_98, %mul3A_101 : i32
            %add3A_103 = arith.addi %mul3A_100, %mul3A_102 : i32
            %dma_start3A_104 = arith.constant 0 : i32
            %dma_start3A_105 = tpu.memref_slice %arg4[%add3A_103, %dma_start3A_104] : memref<160000x128xf32, #tpu.memory_space<hbm>> -> memref<80x128xf32, #tpu.memory_space<hbm>>
            %dma_start3A_106 = arith.constant 0 : i32
            %dma_start3A_107 = tpu.memref_slice %arg4[%add3A_103, %dma_start3A_106] : memref<160000x128xf32, #tpu.memory_space<hbm>> -> memref<80x128xf32, #tpu.memory_space<hbm>>
            tpu.enqueue_dma source(%dma_start3A_107 : memref<80x128xf32, #tpu.memory_space<hbm>>) target(%arg13 : memref<80x128xf32, #tpu.memory_space<vmem>>) target_semaphore(%arg16 : memref<!tpu.dma_semaphore, #tpu.memory_space<semaphore_mem>>)
          } else {
          }
          %dma_wait3A = arith.constant 0 : i32
          %dma_wait3A_92 = arith.constant 0 : i32
          %dma_wait3A_93 = tpu.memref_slice %arg4[%dma_wait3A, %dma_wait3A_92] : memref<160000x128xf32, #tpu.memory_space<hbm>> -> memref<80x128xf32, #tpu.memory_space<hbm>>
          %dma_wait3A_94 = arith.constant 0 : i32
          %dma_wait3A_95 = arith.constant 0 : i32
          %dma_wait3A_96 = tpu.memref_slice %arg4[%dma_wait3A_94, %dma_wait3A_95] : memref<160000x128xf32, #tpu.memory_space<hbm>> -> memref<80x128xf32, #tpu.memory_space<hbm>>
          tpu.wait_dma2 semaphore(%arg17 : memref<!tpu.dma_semaphore, #tpu.memory_space<semaphore_mem>>) src(%dma_wait3A_96 : memref<80x128xf32, #tpu.memory_space<hbm>>) dst(%arg14 : memref<80x128xf32, #tpu.memory_space<vmem>>)
          "tpu.region"() ({
            %run_scoped3A = tpu.sem_alloc : memref<!tpu.dma_semaphore, #tpu.memory_space<semaphore_mem>>
            %dma_start3A_97 = arith.constant 0 : i32
            %dma_start3A_98 = tpu.memref_slice %arg12[%scan3A_72, %dma_start3A_97] : memref<125x80xi32, #tpu.memory_space<vmem>> -> memref<1x80xi32, #tpu.memory_space<vmem>>
            %dma_start3A_99 = tpu.memref_squeeze %dma_start3A_98 : memref<1x80xi32, #tpu.memory_space<vmem>> -> memref<80xi32, #tpu.memory_space<vmem>>
            %dma_start3A_100 = arith.constant 0 : i32
            %dma_start3A_101 = arith.constant 0 : i32
            %dma_start3A_102 = tpu.memref_slice %arg15[%dma_start3A_100, %dma_start3A_101] : memref<10000x128xf32, #tpu.memory_space<vmem_shared>> -> memref<10000x128xf32, #tpu.memory_space<vmem_shared>>
            tpu.enqueue_indirect_dma source(%arg14 : memref<80x128xf32, #tpu.memory_space<vmem>>) target(%dma_start3A_102 : memref<10000x128xf32, #tpu.memory_space<vmem_shared>>) offsets(%dma_start3A_99 : memref<80xi32, #tpu.memory_space<vmem>>) semaphore(%run_scoped3A : memref<!tpu.dma_semaphore, #tpu.memory_space<semaphore_mem>>) {add = true}
            %dma_wait3A_103 = arith.constant 0 : i32
            %dma_wait3A_104 = tpu.memref_slice %arg12[%scan3A_72, %dma_wait3A_103] : memref<125x80xi32, #tpu.memory_space<vmem>> -> memref<1x80xi32, #tpu.memory_space<vmem>>
            %dma_wait3A_105 = tpu.memref_squeeze %dma_wait3A_104 : memref<1x80xi32, #tpu.memory_space<vmem>> -> memref<80xi32, #tpu.memory_space<vmem>>
            %dma_wait3A_106 = arith.constant 0 : i32
            %dma_wait3A_107 = arith.constant 0 : i32
            %dma_wait3A_108 = tpu.memref_slice %arg15[%dma_wait3A_106, %dma_wait3A_107] : memref<10000x128xf32, #tpu.memory_space<vmem_shared>> -> memref<10000x128xf32, #tpu.memory_space<vmem_shared>>
            tpu.wait_indirect_dma semaphore(%run_scoped3A : memref<!tpu.dma_semaphore, #tpu.memory_space<semaphore_mem>>) src(%arg14 : memref<80x128xf32, #tpu.memory_space<vmem>>) dst(%dma_wait3A_108 : memref<10000x128xf32, #tpu.memory_space<vmem_shared>>)
            tpu.yield
          }) : () -> ()
        } else {
        }
      }
      %scan3A_60 = arith.constant 125 : i32
      %barrier3A_61 = arith.constant 0 : index
      tpu.barrier barrier_id(%barrier3A_61)
      %mul3A_62 = arith.constant 624 : i32
      %mul3A_63 = arith.muli %arg1, %mul3A_62 : i32
      %mul3A_64 = arith.constant 624 : i32
      %mul3A_65 = arith.muli %arg1, %mul3A_64 : i32
      "tpu.region"() ({
        %run_scoped3A = tpu.sem_alloc : memref<!tpu.dma_semaphore, #tpu.memory_space<semaphore_mem>>
        %dma_start3A_72 = arith.constant 0 : i32
        %dma_start3A_73 = tpu.memref_slice %arg9[%mul3A_65, %dma_start3A_72] : memref<10000x128xf32, #tpu.memory_space<hbm>> -> memref<624x128xf32, #tpu.memory_space<hbm>>
        %dma_start3A_74 = arith.constant 0 : i32
        %dma_start3A_75 = tpu.memref_slice %arg15[%mul3A_63, %dma_start3A_74] : memref<10000x128xf32, #tpu.memory_space<vmem_shared>> -> memref<624x128xf32, #tpu.memory_space<vmem_shared>>
        tpu.enqueue_dma source(%dma_start3A_75 : memref<624x128xf32, #tpu.memory_space<vmem_shared>>) target(%dma_start3A_73 : memref<624x128xf32, #tpu.memory_space<hbm>>) target_semaphore(%run_scoped3A : memref<!tpu.dma_semaphore, #tpu.memory_space<semaphore_mem>>)
        %dma_wait3A = arith.constant 0 : i32
        %dma_wait3A_76 = tpu.memref_slice %arg9[%mul3A_65, %dma_wait3A] : memref<10000x128xf32, #tpu.memory_space<hbm>> -> memref<624x128xf32, #tpu.memory_space<hbm>>
        %dma_wait3A_77 = arith.constant 0 : i32
        %dma_wait3A_78 = tpu.memref_slice %arg15[%mul3A_63, %dma_wait3A_77] : memref<10000x128xf32, #tpu.memory_space<vmem_shared>> -> memref<624x128xf32, #tpu.memory_space<vmem_shared>>
        tpu.wait_dma2 semaphore(%run_scoped3A : memref<!tpu.dma_semaphore, #tpu.memory_space<semaphore_mem>>) src(%dma_wait3A_78 : memref<624x128xf32, #tpu.memory_space<vmem_shared>>) dst(%dma_wait3A_76 : memref<624x128xf32, #tpu.memory_space<hbm>>)
        tpu.yield
      }) : () -> ()
      %eq3A_66 = arith.constant 0 : i32
      %eq3A_67 = arith.cmpi eq, %arg1, %eq3A_66 : i32
      %convert_element_type3A_68 = arith.extui %eq3A_67 : i1 to i32
      %cond3A_69 = arith.constant 0 : i32
      %cond3A_70 = arith.cmpi ne, %convert_element_type3A_68, %cond3A_69 : i32
      scf.if %cond3A_70 {
        "tpu.region"() ({
          %run_scoped3A = tpu.sem_alloc : memref<!tpu.dma_semaphore, #tpu.memory_space<semaphore_mem>>
          %dma_start3A_72 = arith.constant 9984 : i32
          %dma_start3A_73 = arith.constant 0 : i32
          %dma_start3A_74 = tpu.memref_slice %arg9[%dma_start3A_72, %dma_start3A_73] : memref<10000x128xf32, #tpu.memory_space<hbm>> -> memref<16x128xf32, #tpu.memory_space<hbm>>
          %dma_start3A_75 = arith.constant 9984 : i32
          %dma_start3A_76 = arith.constant 0 : i32
          %dma_start3A_77 = tpu.memref_slice %arg15[%dma_start3A_75, %dma_start3A_76] : memref<10000x128xf32, #tpu.memory_space<vmem_shared>> -> memref<16x128xf32, #tpu.memory_space<vmem_shared>>
          tpu.enqueue_dma source(%dma_start3A_77 : memref<16x128xf32, #tpu.memory_space<vmem_shared>>) target(%dma_start3A_74 : memref<16x128xf32, #tpu.memory_space<hbm>>) target_semaphore(%run_scoped3A : memref<!tpu.dma_semaphore, #tpu.memory_space<semaphore_mem>>)
          %dma_wait3A = arith.constant 9984 : i32
          %dma_wait3A_78 = arith.constant 0 : i32
          %dma_wait3A_79 = tpu.memref_slice %arg9[%dma_wait3A, %dma_wait3A_78] : memref<10000x128xf32, #tpu.memory_space<hbm>> -> memref<16x128xf32, #tpu.memory_space<hbm>>
          %dma_wait3A_80 = arith.constant 9984 : i32
          %dma_wait3A_81 = arith.constant 0 : i32
          %dma_wait3A_82 = tpu.memref_slice %arg15[%dma_wait3A_80, %dma_wait3A_81] : memref<10000x128xf32, #tpu.memory_space<vmem_shared>> -> memref<16x128xf32, #tpu.memory_space<vmem_shared>>
          tpu.wait_dma2 semaphore(%run_scoped3A : memref<!tpu.dma_semaphore, #tpu.memory_space<semaphore_mem>>) src(%dma_wait3A_82 : memref<16x128xf32, #tpu.memory_space<vmem_shared>>) dst(%dma_wait3A_79 : memref<16x128xf32, #tpu.memory_space<hbm>>)
          tpu.yield
        }) : () -> ()
      } else {
      }
      %barrier3A_71 = arith.constant 0 : index
      tpu.barrier barrier_id(%barrier3A_71)
    } else {
    }
    %eq3A_2 = arith.constant 1 : i32
    %eq3A_3 = arith.cmpi eq, %arg0, %eq3A_2 : i32
    %convert_element_type3A_4 = arith.extui %eq3A_3 : i1 to i32
    %cond3A_5 = arith.constant 0 : i32
    %cond3A_6 = arith.cmpi ne, %convert_element_type3A_4, %cond3A_5 : i32
    scf.if %cond3A_6 {
      %mul3A = arith.constant 624 : i32
      %mul3A_7 = arith.muli %arg1, %mul3A : i32
      %mul3A_8 = arith.constant 624 : i32
      %mul3A_9 = arith.muli %arg1, %mul3A_8 : i32
      "tpu.region"() ({
        %run_scoped3A = tpu.sem_alloc : memref<!tpu.dma_semaphore, #tpu.memory_space<semaphore_mem>>
        %dma_start3A_72 = arith.constant 0 : i32
        %dma_start3A_73 = tpu.memref_slice %arg15[%mul3A_9, %dma_start3A_72] : memref<10000x128xf32, #tpu.memory_space<vmem_shared>> -> memref<624x128xf32, #tpu.memory_space<vmem_shared>>
        %dma_start3A_74 = arith.constant 0 : i32
        %dma_start3A_75 = tpu.memref_slice %arg7[%mul3A_7, %dma_start3A_74] : memref<10000x128xf32, #tpu.memory_space<hbm>> -> memref<624x128xf32, #tpu.memory_space<hbm>>
        tpu.enqueue_dma source(%dma_start3A_75 : memref<624x128xf32, #tpu.memory_space<hbm>>) target(%dma_start3A_73 : memref<624x128xf32, #tpu.memory_space<vmem_shared>>) target_semaphore(%run_scoped3A : memref<!tpu.dma_semaphore, #tpu.memory_space<semaphore_mem>>)
        %dma_wait3A = arith.constant 0 : i32
        %dma_wait3A_76 = tpu.memref_slice %arg15[%mul3A_9, %dma_wait3A] : memref<10000x128xf32, #tpu.memory_space<vmem_shared>> -> memref<624x128xf32, #tpu.memory_space<vmem_shared>>
        %dma_wait3A_77 = arith.constant 0 : i32
        %dma_wait3A_78 = tpu.memref_slice %arg7[%mul3A_7, %dma_wait3A_77] : memref<10000x128xf32, #tpu.memory_space<hbm>> -> memref<624x128xf32, #tpu.memory_space<hbm>>
        tpu.wait_dma2 semaphore(%run_scoped3A : memref<!tpu.dma_semaphore, #tpu.memory_space<semaphore_mem>>) src(%dma_wait3A_78 : memref<624x128xf32, #tpu.memory_space<hbm>>) dst(%dma_wait3A_76 : memref<624x128xf32, #tpu.memory_space<vmem_shared>>)
        tpu.yield
      }) : () -> ()
      %eq3A_10 = arith.constant 0 : i32
      %eq3A_11 = arith.cmpi eq, %arg1, %eq3A_10 : i32
      %convert_element_type3A_12 = arith.extui %eq3A_11 : i1 to i32
      %cond3A_13 = arith.constant 0 : i32
      %cond3A_14 = arith.cmpi ne, %convert_element_type3A_12, %cond3A_13 : i32
      scf.if %cond3A_14 {
        "tpu.region"() ({
          %run_scoped3A = tpu.sem_alloc : memref<!tpu.dma_semaphore, #tpu.memory_space<semaphore_mem>>
          %dma_start3A_72 = arith.constant 9984 : i32
          %dma_start3A_73 = arith.constant 0 : i32
          %dma_start3A_74 = tpu.memref_slice %arg15[%dma_start3A_72, %dma_start3A_73] : memref<10000x128xf32, #tpu.memory_space<vmem_shared>> -> memref<16x128xf32, #tpu.memory_space<vmem_shared>>
          %dma_start3A_75 = arith.constant 9984 : i32
          %dma_start3A_76 = arith.constant 0 : i32
          %dma_start3A_77 = tpu.memref_slice %arg7[%dma_start3A_75, %dma_start3A_76] : memref<10000x128xf32, #tpu.memory_space<hbm>> -> memref<16x128xf32, #tpu.memory_space<hbm>>
          tpu.enqueue_dma source(%dma_start3A_77 : memref<16x128xf32, #tpu.memory_space<hbm>>) target(%dma_start3A_74 : memref<16x128xf32, #tpu.memory_space<vmem_shared>>) target_semaphore(%run_scoped3A : memref<!tpu.dma_semaphore, #tpu.memory_space<semaphore_mem>>)
          %dma_wait3A = arith.constant 9984 : i32
          %dma_wait3A_78 = arith.constant 0 : i32
          %dma_wait3A_79 = tpu.memref_slice %arg15[%dma_wait3A, %dma_wait3A_78] : memref<10000x128xf32, #tpu.memory_space<vmem_shared>> -> memref<16x128xf32, #tpu.memory_space<vmem_shared>>
          %dma_wait3A_80 = arith.constant 9984 : i32
          %dma_wait3A_81 = arith.constant 0 : i32
          %dma_wait3A_82 = tpu.memref_slice %arg7[%dma_wait3A_80, %dma_wait3A_81] : memref<10000x128xf32, #tpu.memory_space<hbm>> -> memref<16x128xf32, #tpu.memory_space<hbm>>
          tpu.wait_dma2 semaphore(%run_scoped3A : memref<!tpu.dma_semaphore, #tpu.memory_space<semaphore_mem>>) src(%dma_wait3A_82 : memref<16x128xf32, #tpu.memory_space<hbm>>) dst(%dma_wait3A_79 : memref<16x128xf32, #tpu.memory_space<vmem_shared>>)
          tpu.yield
        }) : () -> ()
      } else {
      }
      %barrier3A = arith.constant 0 : index
      tpu.barrier barrier_id(%barrier3A)
      %mul3A_15 = arith.constant 10000 : i32
      %mul3A_16 = arith.muli %arg1, %mul3A_15 : i32
      %add3A = arith.constant 0 : i32
      %add3A_17 = arith.addi %mul3A_16, %add3A : i32
      %dma_start3A = arith.constant 0 : i32
      %dma_start3A_18 = tpu.memref_slice %arg5[%add3A_17, %dma_start3A] : memref<160000x128xf32, #tpu.memory_space<hbm>> -> memref<80x128xf32, #tpu.memory_space<hbm>>
      %dma_start3A_19 = arith.constant 0 : i32
      %dma_start3A_20 = tpu.memref_slice %arg5[%add3A_17, %dma_start3A_19] : memref<160000x128xf32, #tpu.memory_space<hbm>> -> memref<80x128xf32, #tpu.memory_space<hbm>>
      tpu.enqueue_dma source(%dma_start3A_20 : memref<80x128xf32, #tpu.memory_space<hbm>>) target(%arg13 : memref<80x128xf32, #tpu.memory_space<vmem>>) target_semaphore(%arg16 : memref<!tpu.dma_semaphore, #tpu.memory_space<semaphore_mem>>)
      %scan3A = arith.constant 0 : i32
      %scan3A_21 = arith.constant 0 : i32
      %scan3A_22 = arith.constant 125 : i32
      %scan3A_23 = arith.addi %scan3A_21, %scan3A_22 : i32
      %scan3A_24 = arith.constant 1 : i32
      scf.for %scan3A_72 = %scan3A_21 to %scan3A_23 step %scan3A_24  : i32 {
        %rem3A = arith.constant 2 : i32
        %rem3A_73 = arith.remsi %scan3A_72, %rem3A : i32
        %eq3A_74 = arith.constant 0 : i32
        %eq3A_75 = arith.cmpi eq, %rem3A_73, %eq3A_74 : i32
        %convert_element_type3A_76 = arith.extui %eq3A_75 : i1 to i32
        %cond3A_77 = arith.constant 0 : i32
        %cond3A_78 = arith.cmpi ne, %convert_element_type3A_76, %cond3A_77 : i32
        scf.if %cond3A_78 {
          %add3A_86 = arith.constant 1 : i32
          %add3A_87 = arith.addi %scan3A_72, %add3A_86 : i32
          %lt3A = arith.constant 125 : i32
          %lt3A_88 = arith.cmpi slt, %add3A_87, %lt3A : i32
          %convert_element_type3A_89 = arith.extui %lt3A_88 : i1 to i32
          %cond3A_90 = arith.constant 0 : i32
          %cond3A_91 = arith.cmpi ne, %convert_element_type3A_89, %cond3A_90 : i32
          scf.if %cond3A_91 {
            %add3A_97 = arith.constant 1 : i32
            %add3A_98 = arith.addi %scan3A_72, %add3A_97 : i32
            %mul3A_99 = arith.constant 10000 : i32
            %mul3A_100 = arith.muli %arg1, %mul3A_99 : i32
            %mul3A_101 = arith.constant 80 : i32
            %mul3A_102 = arith.muli %add3A_98, %mul3A_101 : i32
            %add3A_103 = arith.addi %mul3A_100, %mul3A_102 : i32
            %dma_start3A_104 = arith.constant 0 : i32
            %dma_start3A_105 = tpu.memref_slice %arg5[%add3A_103, %dma_start3A_104] : memref<160000x128xf32, #tpu.memory_space<hbm>> -> memref<80x128xf32, #tpu.memory_space<hbm>>
            %dma_start3A_106 = arith.constant 0 : i32
            %dma_start3A_107 = tpu.memref_slice %arg5[%add3A_103, %dma_start3A_106] : memref<160000x128xf32, #tpu.memory_space<hbm>> -> memref<80x128xf32, #tpu.memory_space<hbm>>
            tpu.enqueue_dma source(%dma_start3A_107 : memref<80x128xf32, #tpu.memory_space<hbm>>) target(%arg14 : memref<80x128xf32, #tpu.memory_space<vmem>>) target_semaphore(%arg17 : memref<!tpu.dma_semaphore, #tpu.memory_space<semaphore_mem>>)
          } else {
          }
          %dma_wait3A = arith.constant 0 : i32
          %dma_wait3A_92 = arith.constant 0 : i32
          %dma_wait3A_93 = tpu.memref_slice %arg5[%dma_wait3A, %dma_wait3A_92] : memref<160000x128xf32, #tpu.memory_space<hbm>> -> memref<80x128xf32, #tpu.memory_space<hbm>>
          %dma_wait3A_94 = arith.constant 0 : i32
          %dma_wait3A_95 = arith.constant 0 : i32
          %dma_wait3A_96 = tpu.memref_slice %arg5[%dma_wait3A_94, %dma_wait3A_95] : memref<160000x128xf32, #tpu.memory_space<hbm>> -> memref<80x128xf32, #tpu.memory_space<hbm>>
          tpu.wait_dma2 semaphore(%arg16 : memref<!tpu.dma_semaphore, #tpu.memory_space<semaphore_mem>>) src(%dma_wait3A_96 : memref<80x128xf32, #tpu.memory_space<hbm>>) dst(%arg13 : memref<80x128xf32, #tpu.memory_space<vmem>>)
          "tpu.region"() ({
            %run_scoped3A = tpu.sem_alloc : memref<!tpu.dma_semaphore, #tpu.memory_space<semaphore_mem>>
            %dma_start3A_97 = arith.constant 0 : i32
            %dma_start3A_98 = tpu.memref_slice %arg12[%scan3A_72, %dma_start3A_97] : memref<125x80xi32, #tpu.memory_space<vmem>> -> memref<1x80xi32, #tpu.memory_space<vmem>>
            %dma_start3A_99 = tpu.memref_squeeze %dma_start3A_98 : memref<1x80xi32, #tpu.memory_space<vmem>> -> memref<80xi32, #tpu.memory_space<vmem>>
            %dma_start3A_100 = arith.constant 0 : i32
            %dma_start3A_101 = arith.constant 0 : i32
            %dma_start3A_102 = tpu.memref_slice %arg15[%dma_start3A_100, %dma_start3A_101] : memref<10000x128xf32, #tpu.memory_space<vmem_shared>> -> memref<10000x128xf32, #tpu.memory_space<vmem_shared>>
            tpu.enqueue_indirect_dma source(%arg13 : memref<80x128xf32, #tpu.memory_space<vmem>>) target(%dma_start3A_102 : memref<10000x128xf32, #tpu.memory_space<vmem_shared>>) offsets(%dma_start3A_99 : memref<80xi32, #tpu.memory_space<vmem>>) semaphore(%run_scoped3A : memref<!tpu.dma_semaphore, #tpu.memory_space<semaphore_mem>>) {add = true}
            %dma_wait3A_103 = arith.constant 0 : i32
            %dma_wait3A_104 = tpu.memref_slice %arg12[%scan3A_72, %dma_wait3A_103] : memref<125x80xi32, #tpu.memory_space<vmem>> -> memref<1x80xi32, #tpu.memory_space<vmem>>
            %dma_wait3A_105 = tpu.memref_squeeze %dma_wait3A_104 : memref<1x80xi32, #tpu.memory_space<vmem>> -> memref<80xi32, #tpu.memory_space<vmem>>
            %dma_wait3A_106 = arith.constant 0 : i32
            %dma_wait3A_107 = arith.constant 0 : i32
            %dma_wait3A_108 = tpu.memref_slice %arg15[%dma_wait3A_106, %dma_wait3A_107] : memref<10000x128xf32, #tpu.memory_space<vmem_shared>> -> memref<10000x128xf32, #tpu.memory_space<vmem_shared>>
            tpu.wait_indirect_dma semaphore(%run_scoped3A : memref<!tpu.dma_semaphore, #tpu.memory_space<semaphore_mem>>) src(%arg13 : memref<80x128xf32, #tpu.memory_space<vmem>>) dst(%dma_wait3A_108 : memref<10000x128xf32, #tpu.memory_space<vmem_shared>>)
            tpu.yield
          }) : () -> ()
        } else {
        }
        %rem3A_79 = arith.constant 2 : i32
        %rem3A_80 = arith.remsi %scan3A_72, %rem3A_79 : i32
        %eq3A_81 = arith.constant 1 : i32
        %eq3A_82 = arith.cmpi eq, %rem3A_80, %eq3A_81 : i32
        %convert_element_type3A_83 = arith.extui %eq3A_82 : i1 to i32
        %cond3A_84 = arith.constant 0 : i32
        %cond3A_85 = arith.cmpi ne, %convert_element_type3A_83, %cond3A_84 : i32
        scf.if %cond3A_85 {
          %add3A_86 = arith.constant 1 : i32
          %add3A_87 = arith.addi %scan3A_72, %add3A_86 : i32
          %lt3A = arith.constant 125 : i32
          %lt3A_88 = arith.cmpi slt, %add3A_87, %lt3A : i32
          %convert_element_type3A_89 = arith.extui %lt3A_88 : i1 to i32
          %cond3A_90 = arith.constant 0 : i32
          %cond3A_91 = arith.cmpi ne, %convert_element_type3A_89, %cond3A_90 : i32
          scf.if %cond3A_91 {
            %add3A_97 = arith.constant 1 : i32
            %add3A_98 = arith.addi %scan3A_72, %add3A_97 : i32
            %mul3A_99 = arith.constant 10000 : i32
            %mul3A_100 = arith.muli %arg1, %mul3A_99 : i32
            %mul3A_101 = arith.constant 80 : i32
            %mul3A_102 = arith.muli %add3A_98, %mul3A_101 : i32
            %add3A_103 = arith.addi %mul3A_100, %mul3A_102 : i32
            %dma_start3A_104 = arith.constant 0 : i32
            %dma_start3A_105 = tpu.memref_slice %arg5[%add3A_103, %dma_start3A_104] : memref<160000x128xf32, #tpu.memory_space<hbm>> -> memref<80x128xf32, #tpu.memory_space<hbm>>
            %dma_start3A_106 = arith.constant 0 : i32
            %dma_start3A_107 = tpu.memref_slice %arg5[%add3A_103, %dma_start3A_106] : memref<160000x128xf32, #tpu.memory_space<hbm>> -> memref<80x128xf32, #tpu.memory_space<hbm>>
            tpu.enqueue_dma source(%dma_start3A_107 : memref<80x128xf32, #tpu.memory_space<hbm>>) target(%arg13 : memref<80x128xf32, #tpu.memory_space<vmem>>) target_semaphore(%arg16 : memref<!tpu.dma_semaphore, #tpu.memory_space<semaphore_mem>>)
          } else {
          }
          %dma_wait3A = arith.constant 0 : i32
          %dma_wait3A_92 = arith.constant 0 : i32
          %dma_wait3A_93 = tpu.memref_slice %arg5[%dma_wait3A, %dma_wait3A_92] : memref<160000x128xf32, #tpu.memory_space<hbm>> -> memref<80x128xf32, #tpu.memory_space<hbm>>
          %dma_wait3A_94 = arith.constant 0 : i32
          %dma_wait3A_95 = arith.constant 0 : i32
          %dma_wait3A_96 = tpu.memref_slice %arg5[%dma_wait3A_94, %dma_wait3A_95] : memref<160000x128xf32, #tpu.memory_space<hbm>> -> memref<80x128xf32, #tpu.memory_space<hbm>>
          tpu.wait_dma2 semaphore(%arg17 : memref<!tpu.dma_semaphore, #tpu.memory_space<semaphore_mem>>) src(%dma_wait3A_96 : memref<80x128xf32, #tpu.memory_space<hbm>>) dst(%arg14 : memref<80x128xf32, #tpu.memory_space<vmem>>)
          "tpu.region"() ({
            %run_scoped3A = tpu.sem_alloc : memref<!tpu.dma_semaphore, #tpu.memory_space<semaphore_mem>>
            %dma_start3A_97 = arith.constant 0 : i32
            %dma_start3A_98 = tpu.memref_slice %arg12[%scan3A_72, %dma_start3A_97] : memref<125x80xi32, #tpu.memory_space<vmem>> -> memref<1x80xi32, #tpu.memory_space<vmem>>
            %dma_start3A_99 = tpu.memref_squeeze %dma_start3A_98 : memref<1x80xi32, #tpu.memory_space<vmem>> -> memref<80xi32, #tpu.memory_space<vmem>>
            %dma_start3A_100 = arith.constant 0 : i32
            %dma_start3A_101 = arith.constant 0 : i32
            %dma_start3A_102 = tpu.memref_slice %arg15[%dma_start3A_100, %dma_start3A_101] : memref<10000x128xf32, #tpu.memory_space<vmem_shared>> -> memref<10000x128xf32, #tpu.memory_space<vmem_shared>>
            tpu.enqueue_indirect_dma source(%arg14 : memref<80x128xf32, #tpu.memory_space<vmem>>) target(%dma_start3A_102 : memref<10000x128xf32, #tpu.memory_space<vmem_shared>>) offsets(%dma_start3A_99 : memref<80xi32, #tpu.memory_space<vmem>>) semaphore(%run_scoped3A : memref<!tpu.dma_semaphore, #tpu.memory_space<semaphore_mem>>) {add = true}
            %dma_wait3A_103 = arith.constant 0 : i32
            %dma_wait3A_104 = tpu.memref_slice %arg12[%scan3A_72, %dma_wait3A_103] : memref<125x80xi32, #tpu.memory_space<vmem>> -> memref<1x80xi32, #tpu.memory_space<vmem>>
            %dma_wait3A_105 = tpu.memref_squeeze %dma_wait3A_104 : memref<1x80xi32, #tpu.memory_space<vmem>> -> memref<80xi32, #tpu.memory_space<vmem>>
            %dma_wait3A_106 = arith.constant 0 : i32
            %dma_wait3A_107 = arith.constant 0 : i32
            %dma_wait3A_108 = tpu.memref_slice %arg15[%dma_wait3A_106, %dma_wait3A_107] : memref<10000x128xf32, #tpu.memory_space<vmem_shared>> -> memref<10000x128xf32, #tpu.memory_space<vmem_shared>>
            tpu.wait_indirect_dma semaphore(%run_scoped3A : memref<!tpu.dma_semaphore, #tpu.memory_space<semaphore_mem>>) src(%arg14 : memref<80x128xf32, #tpu.memory_space<vmem>>) dst(%dma_wait3A_108 : memref<10000x128xf32, #tpu.memory_space<vmem_shared>>)
            tpu.yield
          }) : () -> ()
        } else {
        }
      }
      %scan3A_25 = arith.constant 125 : i32
      %barrier3A_26 = arith.constant 0 : index
      tpu.barrier barrier_id(%barrier3A_26)
      %mul3A_27 = arith.constant 624 : i32
      %mul3A_28 = arith.muli %arg1, %mul3A_27 : i32
      %mul3A_29 = arith.constant 624 : i32
      %mul3A_30 = arith.muli %arg1, %mul3A_29 : i32
      "tpu.region"() ({
        %run_scoped3A = tpu.sem_alloc : memref<!tpu.dma_semaphore, #tpu.memory_space<semaphore_mem>>
        %dma_start3A_72 = arith.constant 0 : i32
        %dma_start3A_73 = tpu.memref_slice %arg10[%mul3A_30, %dma_start3A_72] : memref<10000x128xf32, #tpu.memory_space<hbm>> -> memref<624x128xf32, #tpu.memory_space<hbm>>
        %dma_start3A_74 = arith.constant 0 : i32
        %dma_start3A_75 = tpu.memref_slice %arg15[%mul3A_28, %dma_start3A_74] : memref<10000x128xf32, #tpu.memory_space<vmem_shared>> -> memref<624x128xf32, #tpu.memory_space<vmem_shared>>
        tpu.enqueue_dma source(%dma_start3A_75 : memref<624x128xf32, #tpu.memory_space<vmem_shared>>) target(%dma_start3A_73 : memref<624x128xf32, #tpu.memory_space<hbm>>) target_semaphore(%run_scoped3A : memref<!tpu.dma_semaphore, #tpu.memory_space<semaphore_mem>>)
        %dma_wait3A = arith.constant 0 : i32
        %dma_wait3A_76 = tpu.memref_slice %arg10[%mul3A_30, %dma_wait3A] : memref<10000x128xf32, #tpu.memory_space<hbm>> -> memref<624x128xf32, #tpu.memory_space<hbm>>
        %dma_wait3A_77 = arith.constant 0 : i32
        %dma_wait3A_78 = tpu.memref_slice %arg15[%mul3A_28, %dma_wait3A_77] : memref<10000x128xf32, #tpu.memory_space<vmem_shared>> -> memref<624x128xf32, #tpu.memory_space<vmem_shared>>
        tpu.wait_dma2 semaphore(%run_scoped3A : memref<!tpu.dma_semaphore, #tpu.memory_space<semaphore_mem>>) src(%dma_wait3A_78 : memref<624x128xf32, #tpu.memory_space<vmem_shared>>) dst(%dma_wait3A_76 : memref<624x128xf32, #tpu.memory_space<hbm>>)
        tpu.yield
      }) : () -> ()
      %eq3A_31 = arith.constant 0 : i32
      %eq3A_32 = arith.cmpi eq, %arg1, %eq3A_31 : i32
      %convert_element_type3A_33 = arith.extui %eq3A_32 : i1 to i32
      %cond3A_34 = arith.constant 0 : i32
      %cond3A_35 = arith.cmpi ne, %convert_element_type3A_33, %cond3A_34 : i32
      scf.if %cond3A_35 {
        "tpu.region"() ({
          %run_scoped3A = tpu.sem_alloc : memref<!tpu.dma_semaphore, #tpu.memory_space<semaphore_mem>>
          %dma_start3A_72 = arith.constant 9984 : i32
          %dma_start3A_73 = arith.constant 0 : i32
          %dma_start3A_74 = tpu.memref_slice %arg10[%dma_start3A_72, %dma_start3A_73] : memref<10000x128xf32, #tpu.memory_space<hbm>> -> memref<16x128xf32, #tpu.memory_space<hbm>>
          %dma_start3A_75 = arith.constant 9984 : i32
          %dma_start3A_76 = arith.constant 0 : i32
          %dma_start3A_77 = tpu.memref_slice %arg15[%dma_start3A_75, %dma_start3A_76] : memref<10000x128xf32, #tpu.memory_space<vmem_shared>> -> memref<16x128xf32, #tpu.memory_space<vmem_shared>>
          tpu.enqueue_dma source(%dma_start3A_77 : memref<16x128xf32, #tpu.memory_space<vmem_shared>>) target(%dma_start3A_74 : memref<16x128xf32, #tpu.memory_space<hbm>>) target_semaphore(%run_scoped3A : memref<!tpu.dma_semaphore, #tpu.memory_space<semaphore_mem>>)
          %dma_wait3A = arith.constant 9984 : i32
          %dma_wait3A_78 = arith.constant 0 : i32
          %dma_wait3A_79 = tpu.memref_slice %arg10[%dma_wait3A, %dma_wait3A_78] : memref<10000x128xf32, #tpu.memory_space<hbm>> -> memref<16x128xf32, #tpu.memory_space<hbm>>
          %dma_wait3A_80 = arith.constant 9984 : i32
          %dma_wait3A_81 = arith.constant 0 : i32
          %dma_wait3A_82 = tpu.memref_slice %arg15[%dma_wait3A_80, %dma_wait3A_81] : memref<10000x128xf32, #tpu.memory_space<vmem_shared>> -> memref<16x128xf32, #tpu.memory_space<vmem_shared>>
          tpu.wait_dma2 semaphore(%run_scoped3A : memref<!tpu.dma_semaphore, #tpu.memory_space<semaphore_mem>>) src(%dma_wait3A_82 : memref<16x128xf32, #tpu.memory_space<vmem_shared>>) dst(%dma_wait3A_79 : memref<16x128xf32, #tpu.memory_space<hbm>>)
          tpu.yield
        }) : () -> ()
      } else {
      }
      %barrier3A_36 = arith.constant 0 : index
      tpu.barrier barrier_id(%barrier3A_36)
      %mul3A_37 = arith.constant 624 : i32
      %mul3A_38 = arith.muli %arg1, %mul3A_37 : i32
      %mul3A_39 = arith.constant 624 : i32
      %mul3A_40 = arith.muli %arg1, %mul3A_39 : i32
      "tpu.region"() ({
        %run_scoped3A = tpu.sem_alloc : memref<!tpu.dma_semaphore, #tpu.memory_space<semaphore_mem>>
        %dma_start3A_72 = arith.constant 0 : i32
        %dma_start3A_73 = tpu.memref_slice %arg15[%mul3A_40, %dma_start3A_72] : memref<10000x128xf32, #tpu.memory_space<vmem_shared>> -> memref<624x128xf32, #tpu.memory_space<vmem_shared>>
        %dma_start3A_74 = arith.constant 0 : i32
        %dma_start3A_75 = tpu.memref_slice %arg7[%mul3A_38, %dma_start3A_74] : memref<10000x128xf32, #tpu.memory_space<hbm>> -> memref<624x128xf32, #tpu.memory_space<hbm>>
        tpu.enqueue_dma source(%dma_start3A_75 : memref<624x128xf32, #tpu.memory_space<hbm>>) target(%dma_start3A_73 : memref<624x128xf32, #tpu.memory_space<vmem_shared>>) target_semaphore(%run_scoped3A : memref<!tpu.dma_semaphore, #tpu.memory_space<semaphore_mem>>)
        %dma_wait3A = arith.constant 0 : i32
        %dma_wait3A_76 = tpu.memref_slice %arg15[%mul3A_40, %dma_wait3A] : memref<10000x128xf32, #tpu.memory_space<vmem_shared>> -> memref<624x128xf32, #tpu.memory_space<vmem_shared>>
        %dma_wait3A_77 = arith.constant 0 : i32
        %dma_wait3A_78 = tpu.memref_slice %arg7[%mul3A_38, %dma_wait3A_77] : memref<10000x128xf32, #tpu.memory_space<hbm>> -> memref<624x128xf32, #tpu.memory_space<hbm>>
        tpu.wait_dma2 semaphore(%run_scoped3A : memref<!tpu.dma_semaphore, #tpu.memory_space<semaphore_mem>>) src(%dma_wait3A_78 : memref<624x128xf32, #tpu.memory_space<hbm>>) dst(%dma_wait3A_76 : memref<624x128xf32, #tpu.memory_space<vmem_shared>>)
        tpu.yield
      }) : () -> ()
      %eq3A_41 = arith.constant 0 : i32
      %eq3A_42 = arith.cmpi eq, %arg1, %eq3A_41 : i32
      %convert_element_type3A_43 = arith.extui %eq3A_42 : i1 to i32
      %cond3A_44 = arith.constant 0 : i32
      %cond3A_45 = arith.cmpi ne, %convert_element_type3A_43, %cond3A_44 : i32
      scf.if %cond3A_45 {
        "tpu.region"() ({
          %run_scoped3A = tpu.sem_alloc : memref<!tpu.dma_semaphore, #tpu.memory_space<semaphore_mem>>
          %dma_start3A_72 = arith.constant 9984 : i32
          %dma_start3A_73 = arith.constant 0 : i32
          %dma_start3A_74 = tpu.memref_slice %arg15[%dma_start3A_72, %dma_start3A_73] : memref<10000x128xf32, #tpu.memory_space<vmem_shared>> -> memref<16x128xf32, #tpu.memory_space<vmem_shared>>
          %dma_start3A_75 = arith.constant 9984 : i32
          %dma_start3A_76 = arith.constant 0 : i32
          %dma_start3A_77 = tpu.memref_slice %arg7[%dma_start3A_75, %dma_start3A_76] : memref<10000x128xf32, #tpu.memory_space<hbm>> -> memref<16x128xf32, #tpu.memory_space<hbm>>
          tpu.enqueue_dma source(%dma_start3A_77 : memref<16x128xf32, #tpu.memory_space<hbm>>) target(%dma_start3A_74 : memref<16x128xf32, #tpu.memory_space<vmem_shared>>) target_semaphore(%run_scoped3A : memref<!tpu.dma_semaphore, #tpu.memory_space<semaphore_mem>>)
          %dma_wait3A = arith.constant 9984 : i32
          %dma_wait3A_78 = arith.constant 0 : i32
          %dma_wait3A_79 = tpu.memref_slice %arg15[%dma_wait3A, %dma_wait3A_78] : memref<10000x128xf32, #tpu.memory_space<vmem_shared>> -> memref<16x128xf32, #tpu.memory_space<vmem_shared>>
          %dma_wait3A_80 = arith.constant 9984 : i32
          %dma_wait3A_81 = arith.constant 0 : i32
          %dma_wait3A_82 = tpu.memref_slice %arg7[%dma_wait3A_80, %dma_wait3A_81] : memref<10000x128xf32, #tpu.memory_space<hbm>> -> memref<16x128xf32, #tpu.memory_space<hbm>>
          tpu.wait_dma2 semaphore(%run_scoped3A : memref<!tpu.dma_semaphore, #tpu.memory_space<semaphore_mem>>) src(%dma_wait3A_82 : memref<16x128xf32, #tpu.memory_space<hbm>>) dst(%dma_wait3A_79 : memref<16x128xf32, #tpu.memory_space<vmem_shared>>)
          tpu.yield
        }) : () -> ()
      } else {
      }
      %barrier3A_46 = arith.constant 0 : index
      tpu.barrier barrier_id(%barrier3A_46)
      %mul3A_47 = arith.constant 10000 : i32
      %mul3A_48 = arith.muli %arg1, %mul3A_47 : i32
      %add3A_49 = arith.constant 0 : i32
      %add3A_50 = arith.addi %mul3A_48, %add3A_49 : i32
      %dma_start3A_51 = arith.constant 0 : i32
      %dma_start3A_52 = tpu.memref_slice %arg6[%add3A_50, %dma_start3A_51] : memref<160000x128xf32, #tpu.memory_space<hbm>> -> memref<80x128xf32, #tpu.memory_space<hbm>>
      %dma_start3A_53 = arith.constant 0 : i32
      %dma_start3A_54 = tpu.memref_slice %arg6[%add3A_50, %dma_start3A_53] : memref<160000x128xf32, #tpu.memory_space<hbm>> -> memref<80x128xf32, #tpu.memory_space<hbm>>
      tpu.enqueue_dma source(%dma_start3A_54 : memref<80x128xf32, #tpu.memory_space<hbm>>) target(%arg13 : memref<80x128xf32, #tpu.memory_space<vmem>>) target_semaphore(%arg16 : memref<!tpu.dma_semaphore, #tpu.memory_space<semaphore_mem>>)
      %scan3A_55 = arith.constant 0 : i32
      %scan3A_56 = arith.constant 0 : i32
      %scan3A_57 = arith.constant 125 : i32
      %scan3A_58 = arith.addi %scan3A_56, %scan3A_57 : i32
      %scan3A_59 = arith.constant 1 : i32
      scf.for %scan3A_72 = %scan3A_56 to %scan3A_58 step %scan3A_59  : i32 {
        %rem3A = arith.constant 2 : i32
        %rem3A_73 = arith.remsi %scan3A_72, %rem3A : i32
        %eq3A_74 = arith.constant 0 : i32
        %eq3A_75 = arith.cmpi eq, %rem3A_73, %eq3A_74 : i32
        %convert_element_type3A_76 = arith.extui %eq3A_75 : i1 to i32
        %cond3A_77 = arith.constant 0 : i32
        %cond3A_78 = arith.cmpi ne, %convert_element_type3A_76, %cond3A_77 : i32
        scf.if %cond3A_78 {
          %add3A_86 = arith.constant 1 : i32
          %add3A_87 = arith.addi %scan3A_72, %add3A_86 : i32
          %lt3A = arith.constant 125 : i32
          %lt3A_88 = arith.cmpi slt, %add3A_87, %lt3A : i32
          %convert_element_type3A_89 = arith.extui %lt3A_88 : i1 to i32
          %cond3A_90 = arith.constant 0 : i32
          %cond3A_91 = arith.cmpi ne, %convert_element_type3A_89, %cond3A_90 : i32
          scf.if %cond3A_91 {
            %add3A_97 = arith.constant 1 : i32
            %add3A_98 = arith.addi %scan3A_72, %add3A_97 : i32
            %mul3A_99 = arith.constant 10000 : i32
            %mul3A_100 = arith.muli %arg1, %mul3A_99 : i32
            %mul3A_101 = arith.constant 80 : i32
            %mul3A_102 = arith.muli %add3A_98, %mul3A_101 : i32
            %add3A_103 = arith.addi %mul3A_100, %mul3A_102 : i32
            %dma_start3A_104 = arith.constant 0 : i32
            %dma_start3A_105 = tpu.memref_slice %arg6[%add3A_103, %dma_start3A_104] : memref<160000x128xf32, #tpu.memory_space<hbm>> -> memref<80x128xf32, #tpu.memory_space<hbm>>
            %dma_start3A_106 = arith.constant 0 : i32
            %dma_start3A_107 = tpu.memref_slice %arg6[%add3A_103, %dma_start3A_106] : memref<160000x128xf32, #tpu.memory_space<hbm>> -> memref<80x128xf32, #tpu.memory_space<hbm>>
            tpu.enqueue_dma source(%dma_start3A_107 : memref<80x128xf32, #tpu.memory_space<hbm>>) target(%arg14 : memref<80x128xf32, #tpu.memory_space<vmem>>) target_semaphore(%arg17 : memref<!tpu.dma_semaphore, #tpu.memory_space<semaphore_mem>>)
          } else {
          }
          %dma_wait3A = arith.constant 0 : i32
          %dma_wait3A_92 = arith.constant 0 : i32
          %dma_wait3A_93 = tpu.memref_slice %arg6[%dma_wait3A, %dma_wait3A_92] : memref<160000x128xf32, #tpu.memory_space<hbm>> -> memref<80x128xf32, #tpu.memory_space<hbm>>
          %dma_wait3A_94 = arith.constant 0 : i32
          %dma_wait3A_95 = arith.constant 0 : i32
          %dma_wait3A_96 = tpu.memref_slice %arg6[%dma_wait3A_94, %dma_wait3A_95] : memref<160000x128xf32, #tpu.memory_space<hbm>> -> memref<80x128xf32, #tpu.memory_space<hbm>>
          tpu.wait_dma2 semaphore(%arg16 : memref<!tpu.dma_semaphore, #tpu.memory_space<semaphore_mem>>) src(%dma_wait3A_96 : memref<80x128xf32, #tpu.memory_space<hbm>>) dst(%arg13 : memref<80x128xf32, #tpu.memory_space<vmem>>)
          "tpu.region"() ({
            %run_scoped3A = tpu.sem_alloc : memref<!tpu.dma_semaphore, #tpu.memory_space<semaphore_mem>>
            %dma_start3A_97 = arith.constant 0 : i32
            %dma_start3A_98 = tpu.memref_slice %arg12[%scan3A_72, %dma_start3A_97] : memref<125x80xi32, #tpu.memory_space<vmem>> -> memref<1x80xi32, #tpu.memory_space<vmem>>
            %dma_start3A_99 = tpu.memref_squeeze %dma_start3A_98 : memref<1x80xi32, #tpu.memory_space<vmem>> -> memref<80xi32, #tpu.memory_space<vmem>>
            %dma_start3A_100 = arith.constant 0 : i32
            %dma_start3A_101 = arith.constant 0 : i32
            %dma_start3A_102 = tpu.memref_slice %arg15[%dma_start3A_100, %dma_start3A_101] : memref<10000x128xf32, #tpu.memory_space<vmem_shared>> -> memref<10000x128xf32, #tpu.memory_space<vmem_shared>>
            tpu.enqueue_indirect_dma source(%arg13 : memref<80x128xf32, #tpu.memory_space<vmem>>) target(%dma_start3A_102 : memref<10000x128xf32, #tpu.memory_space<vmem_shared>>) offsets(%dma_start3A_99 : memref<80xi32, #tpu.memory_space<vmem>>) semaphore(%run_scoped3A : memref<!tpu.dma_semaphore, #tpu.memory_space<semaphore_mem>>) {add = true}
            %dma_wait3A_103 = arith.constant 0 : i32
            %dma_wait3A_104 = tpu.memref_slice %arg12[%scan3A_72, %dma_wait3A_103] : memref<125x80xi32, #tpu.memory_space<vmem>> -> memref<1x80xi32, #tpu.memory_space<vmem>>
            %dma_wait3A_105 = tpu.memref_squeeze %dma_wait3A_104 : memref<1x80xi32, #tpu.memory_space<vmem>> -> memref<80xi32, #tpu.memory_space<vmem>>
            %dma_wait3A_106 = arith.constant 0 : i32
            %dma_wait3A_107 = arith.constant 0 : i32
            %dma_wait3A_108 = tpu.memref_slice %arg15[%dma_wait3A_106, %dma_wait3A_107] : memref<10000x128xf32, #tpu.memory_space<vmem_shared>> -> memref<10000x128xf32, #tpu.memory_space<vmem_shared>>
            tpu.wait_indirect_dma semaphore(%run_scoped3A : memref<!tpu.dma_semaphore, #tpu.memory_space<semaphore_mem>>) src(%arg13 : memref<80x128xf32, #tpu.memory_space<vmem>>) dst(%dma_wait3A_108 : memref<10000x128xf32, #tpu.memory_space<vmem_shared>>)
            tpu.yield
          }) : () -> ()
        } else {
        }
        %rem3A_79 = arith.constant 2 : i32
        %rem3A_80 = arith.remsi %scan3A_72, %rem3A_79 : i32
        %eq3A_81 = arith.constant 1 : i32
        %eq3A_82 = arith.cmpi eq, %rem3A_80, %eq3A_81 : i32
        %convert_element_type3A_83 = arith.extui %eq3A_82 : i1 to i32
        %cond3A_84 = arith.constant 0 : i32
        %cond3A_85 = arith.cmpi ne, %convert_element_type3A_83, %cond3A_84 : i32
        scf.if %cond3A_85 {
          %add3A_86 = arith.constant 1 : i32
          %add3A_87 = arith.addi %scan3A_72, %add3A_86 : i32
          %lt3A = arith.constant 125 : i32
          %lt3A_88 = arith.cmpi slt, %add3A_87, %lt3A : i32
          %convert_element_type3A_89 = arith.extui %lt3A_88 : i1 to i32
          %cond3A_90 = arith.constant 0 : i32
          %cond3A_91 = arith.cmpi ne, %convert_element_type3A_89, %cond3A_90 : i32
          scf.if %cond3A_91 {
            %add3A_97 = arith.constant 1 : i32
            %add3A_98 = arith.addi %scan3A_72, %add3A_97 : i32
            %mul3A_99 = arith.constant 10000 : i32
            %mul3A_100 = arith.muli %arg1, %mul3A_99 : i32
            %mul3A_101 = arith.constant 80 : i32
            %mul3A_102 = arith.muli %add3A_98, %mul3A_101 : i32
            %add3A_103 = arith.addi %mul3A_100, %mul3A_102 : i32
            %dma_start3A_104 = arith.constant 0 : i32
            %dma_start3A_105 = tpu.memref_slice %arg6[%add3A_103, %dma_start3A_104] : memref<160000x128xf32, #tpu.memory_space<hbm>> -> memref<80x128xf32, #tpu.memory_space<hbm>>
            %dma_start3A_106 = arith.constant 0 : i32
            %dma_start3A_107 = tpu.memref_slice %arg6[%add3A_103, %dma_start3A_106] : memref<160000x128xf32, #tpu.memory_space<hbm>> -> memref<80x128xf32, #tpu.memory_space<hbm>>
            tpu.enqueue_dma source(%dma_start3A_107 : memref<80x128xf32, #tpu.memory_space<hbm>>) target(%arg13 : memref<80x128xf32, #tpu.memory_space<vmem>>) target_semaphore(%arg16 : memref<!tpu.dma_semaphore, #tpu.memory_space<semaphore_mem>>)
          } else {
          }
          %dma_wait3A = arith.constant 0 : i32
          %dma_wait3A_92 = arith.constant 0 : i32
          %dma_wait3A_93 = tpu.memref_slice %arg6[%dma_wait3A, %dma_wait3A_92] : memref<160000x128xf32, #tpu.memory_space<hbm>> -> memref<80x128xf32, #tpu.memory_space<hbm>>
          %dma_wait3A_94 = arith.constant 0 : i32
          %dma_wait3A_95 = arith.constant 0 : i32
          %dma_wait3A_96 = tpu.memref_slice %arg6[%dma_wait3A_94, %dma_wait3A_95] : memref<160000x128xf32, #tpu.memory_space<hbm>> -> memref<80x128xf32, #tpu.memory_space<hbm>>
          tpu.wait_dma2 semaphore(%arg17 : memref<!tpu.dma_semaphore, #tpu.memory_space<semaphore_mem>>) src(%dma_wait3A_96 : memref<80x128xf32, #tpu.memory_space<hbm>>) dst(%arg14 : memref<80x128xf32, #tpu.memory_space<vmem>>)
          "tpu.region"() ({
            %run_scoped3A = tpu.sem_alloc : memref<!tpu.dma_semaphore, #tpu.memory_space<semaphore_mem>>
            %dma_start3A_97 = arith.constant 0 : i32
            %dma_start3A_98 = tpu.memref_slice %arg12[%scan3A_72, %dma_start3A_97] : memref<125x80xi32, #tpu.memory_space<vmem>> -> memref<1x80xi32, #tpu.memory_space<vmem>>
            %dma_start3A_99 = tpu.memref_squeeze %dma_start3A_98 : memref<1x80xi32, #tpu.memory_space<vmem>> -> memref<80xi32, #tpu.memory_space<vmem>>
            %dma_start3A_100 = arith.constant 0 : i32
            %dma_start3A_101 = arith.constant 0 : i32
            %dma_start3A_102 = tpu.memref_slice %arg15[%dma_start3A_100, %dma_start3A_101] : memref<10000x128xf32, #tpu.memory_space<vmem_shared>> -> memref<10000x128xf32, #tpu.memory_space<vmem_shared>>
            tpu.enqueue_indirect_dma source(%arg14 : memref<80x128xf32, #tpu.memory_space<vmem>>) target(%dma_start3A_102 : memref<10000x128xf32, #tpu.memory_space<vmem_shared>>) offsets(%dma_start3A_99 : memref<80xi32, #tpu.memory_space<vmem>>) semaphore(%run_scoped3A : memref<!tpu.dma_semaphore, #tpu.memory_space<semaphore_mem>>) {add = true}
            %dma_wait3A_103 = arith.constant 0 : i32
            %dma_wait3A_104 = tpu.memref_slice %arg12[%scan3A_72, %dma_wait3A_103] : memref<125x80xi32, #tpu.memory_space<vmem>> -> memref<1x80xi32, #tpu.memory_space<vmem>>
            %dma_wait3A_105 = tpu.memref_squeeze %dma_wait3A_104 : memref<1x80xi32, #tpu.memory_space<vmem>> -> memref<80xi32, #tpu.memory_space<vmem>>
            %dma_wait3A_106 = arith.constant 0 : i32
            %dma_wait3A_107 = arith.constant 0 : i32
            %dma_wait3A_108 = tpu.memref_slice %arg15[%dma_wait3A_106, %dma_wait3A_107] : memref<10000x128xf32, #tpu.memory_space<vmem_shared>> -> memref<10000x128xf32, #tpu.memory_space<vmem_shared>>
            tpu.wait_indirect_dma semaphore(%run_scoped3A : memref<!tpu.dma_semaphore, #tpu.memory_space<semaphore_mem>>) src(%arg14 : memref<80x128xf32, #tpu.memory_space<vmem>>) dst(%dma_wait3A_108 : memref<10000x128xf32, #tpu.memory_space<vmem_shared>>)
            tpu.yield
          }) : () -> ()
        } else {
        }
      }
      %scan3A_60 = arith.constant 125 : i32
      %barrier3A_61 = arith.constant 0 : index
      tpu.barrier barrier_id(%barrier3A_61)
      %mul3A_62 = arith.constant 624 : i32
      %mul3A_63 = arith.muli %arg1, %mul3A_62 : i32
      %mul3A_64 = arith.constant 624 : i32
      %mul3A_65 = arith.muli %arg1, %mul3A_64 : i32
      "tpu.region"() ({
        %run_scoped3A = tpu.sem_alloc : memref<!tpu.dma_semaphore, #tpu.memory_space<semaphore_mem>>
        %dma_start3A_72 = arith.constant 0 : i32
        %dma_start3A_73 = tpu.memref_slice %arg11[%mul3A_65, %dma_start3A_72] : memref<10000x128xf32, #tpu.memory_space<hbm>> -> memref<624x128xf32, #tpu.memory_space<hbm>>
        %dma_start3A_74 = arith.constant 0 : i32
        %dma_start3A_75 = tpu.memref_slice %arg15[%mul3A_63, %dma_start3A_74] : memref<10000x128xf32, #tpu.memory_space<vmem_shared>> -> memref<624x128xf32, #tpu.memory_space<vmem_shared>>
        tpu.enqueue_dma source(%dma_start3A_75 : memref<624x128xf32, #tpu.memory_space<vmem_shared>>) target(%dma_start3A_73 : memref<624x128xf32, #tpu.memory_space<hbm>>) target_semaphore(%run_scoped3A : memref<!tpu.dma_semaphore, #tpu.memory_space<semaphore_mem>>)
        %dma_wait3A = arith.constant 0 : i32
        %dma_wait3A_76 = tpu.memref_slice %arg11[%mul3A_65, %dma_wait3A] : memref<10000x128xf32, #tpu.memory_space<hbm>> -> memref<624x128xf32, #tpu.memory_space<hbm>>
        %dma_wait3A_77 = arith.constant 0 : i32
        %dma_wait3A_78 = tpu.memref_slice %arg15[%mul3A_63, %dma_wait3A_77] : memref<10000x128xf32, #tpu.memory_space<vmem_shared>> -> memref<624x128xf32, #tpu.memory_space<vmem_shared>>
        tpu.wait_dma2 semaphore(%run_scoped3A : memref<!tpu.dma_semaphore, #tpu.memory_space<semaphore_mem>>) src(%dma_wait3A_78 : memref<624x128xf32, #tpu.memory_space<vmem_shared>>) dst(%dma_wait3A_76 : memref<624x128xf32, #tpu.memory_space<hbm>>)
        tpu.yield
      }) : () -> ()
      %eq3A_66 = arith.constant 0 : i32
      %eq3A_67 = arith.cmpi eq, %arg1, %eq3A_66 : i32
      %convert_element_type3A_68 = arith.extui %eq3A_67 : i1 to i32
      %cond3A_69 = arith.constant 0 : i32
      %cond3A_70 = arith.cmpi ne, %convert_element_type3A_68, %cond3A_69 : i32
      scf.if %cond3A_70 {
        "tpu.region"() ({
          %run_scoped3A = tpu.sem_alloc : memref<!tpu.dma_semaphore, #tpu.memory_space<semaphore_mem>>
          %dma_start3A_72 = arith.constant 9984 : i32
          %dma_start3A_73 = arith.constant 0 : i32
          %dma_start3A_74 = tpu.memref_slice %arg11[%dma_start3A_72, %dma_start3A_73] : memref<10000x128xf32, #tpu.memory_space<hbm>> -> memref<16x128xf32, #tpu.memory_space<hbm>>
          %dma_start3A_75 = arith.constant 9984 : i32
          %dma_start3A_76 = arith.constant 0 : i32
          %dma_start3A_77 = tpu.memref_slice %arg15[%dma_start3A_75, %dma_start3A_76] : memref<10000x128xf32, #tpu.memory_space<vmem_shared>> -> memref<16x128xf32, #tpu.memory_space<vmem_shared>>
          tpu.enqueue_dma source(%dma_start3A_77 : memref<16x128xf32, #tpu.memory_space<vmem_shared>>) target(%dma_start3A_74 : memref<16x128xf32, #tpu.memory_space<hbm>>) target_semaphore(%run_scoped3A : memref<!tpu.dma_semaphore, #tpu.memory_space<semaphore_mem>>)
          %dma_wait3A = arith.constant 9984 : i32
          %dma_wait3A_78 = arith.constant 0 : i32
          %dma_wait3A_79 = tpu.memref_slice %arg11[%dma_wait3A, %dma_wait3A_78] : memref<10000x128xf32, #tpu.memory_space<hbm>> -> memref<16x128xf32, #tpu.memory_space<hbm>>
          %dma_wait3A_80 = arith.constant 9984 : i32
          %dma_wait3A_81 = arith.constant 0 : i32
          %dma_wait3A_82 = tpu.memref_slice %arg15[%dma_wait3A_80, %dma_wait3A_81] : memref<10000x128xf32, #tpu.memory_space<vmem_shared>> -> memref<16x128xf32, #tpu.memory_space<vmem_shared>>
          tpu.wait_dma2 semaphore(%run_scoped3A : memref<!tpu.dma_semaphore, #tpu.memory_space<semaphore_mem>>) src(%dma_wait3A_82 : memref<16x128xf32, #tpu.memory_space<vmem_shared>>) dst(%dma_wait3A_79 : memref<16x128xf32, #tpu.memory_space<hbm>>)
          tpu.yield
        }) : () -> ()
      } else {
      }
      %barrier3A_71 = arith.constant 0 : index
      tpu.barrier barrier_id(%barrier3A_71)
    } else {
    }
    return
  }
}

module attributes {stable_mosaic.version = 14 : i64} {
  func.func @_node_body(%arg0: i32, %arg1: memref<400x128xf32, #tpu.memory_space<vmem>>, %arg2: memref<400x128xf32, #tpu.memory_space<vmem>>, %arg3: memref<400x128xf32, #tpu.memory_space<vmem>>, %arg4: memref<400x128xf32, #tpu.memory_space<vmem>>, %arg5: memref<1x50x128xf32, #tpu.memory_space<vmem>>, %arg6: memref<128x128xf32, #tpu.memory_space<vmem>>, %arg7: memref<1x128xf32, #tpu.memory_space<vmem>>, %arg8: memref<128x128xf32, #tpu.memory_space<vmem>>, %arg9: memref<1x128xf32, #tpu.memory_space<vmem>>, %arg10: memref<128x128xf32, #tpu.memory_space<vmem>>, %arg11: memref<1x128xf32, #tpu.memory_space<vmem>>, %arg12: memref<128x128xf32, #tpu.memory_space<vmem>>, %arg13: memref<128x128xf32, #tpu.memory_space<vmem>>, %arg14: memref<128x128xf32, #tpu.memory_space<vmem>>, %arg15: memref<128x128xf32, #tpu.memory_space<vmem>>, %arg16: memref<128x384xf32, #tpu.memory_space<vmem>>, %arg17: memref<400x640xi32, #tpu.memory_space<vmem>>, %arg18: memref<400x512xi32, #tpu.memory_space<vmem>>, %arg19: memref<400x128xf32, #tpu.memory_space<vmem>>, %arg20: memref<400x384xf32, #tpu.memory_space<vmem>>, %arg21: memref<1x50x128xf32, #tpu.memory_space<vmem>>) attributes {dimension_semantics = [#tpu.dimension_semantics<arbitrary>], iteration_bounds = array<i64: 25>, scalar_prefetch = 0 : i64, scratch_operands = 0 : i64, tpu.core_type = #tpu.core_type<tc>, window_params = [{transform_indices = @transform_0, window_bounds = array<i64: 400, 128>}, {transform_indices = @transform_1, window_bounds = array<i64: 400, 128>}, {transform_indices = @transform_2, window_bounds = array<i64: 400, 128>}, {transform_indices = @transform_3, window_bounds = array<i64: 400, 128>}, {transform_indices = @transform_4, window_bounds = array<i64: 1, 50, 128>}, {pipeline_mode = #tpu.pipeline_mode<synchronous>, transform_indices = @transform_5, window_bounds = array<i64: 128, 128>}, {pipeline_mode = #tpu.pipeline_mode<synchronous>, transform_indices = @transform_6, window_bounds = array<i64: 1, 128>}, {pipeline_mode = #tpu.pipeline_mode<synchronous>, transform_indices = @transform_7, window_bounds = array<i64: 128, 128>}, {pipeline_mode = #tpu.pipeline_mode<synchronous>, transform_indices = @transform_8, window_bounds = array<i64: 1, 128>}, {pipeline_mode = #tpu.pipeline_mode<synchronous>, transform_indices = @transform_9, window_bounds = array<i64: 128, 128>}, {pipeline_mode = #tpu.pipeline_mode<synchronous>, transform_indices = @transform_10, window_bounds = array<i64: 1, 128>}, {pipeline_mode = #tpu.pipeline_mode<synchronous>, transform_indices = @transform_11, window_bounds = array<i64: 128, 128>}, {pipeline_mode = #tpu.pipeline_mode<synchronous>, transform_indices = @transform_12, window_bounds = array<i64: 128, 128>}, {pipeline_mode = #tpu.pipeline_mode<synchronous>, transform_indices = @transform_13, window_bounds = array<i64: 128, 128>}, {pipeline_mode = #tpu.pipeline_mode<synchronous>, transform_indices = @transform_14, window_bounds = array<i64: 128, 128>}, {pipeline_mode = #tpu.pipeline_mode<synchronous>, transform_indices = @transform_15, window_bounds = array<i64: 128, 384>}, {transform_indices = @transform_16, window_bounds = array<i64: 400, 640>}, {transform_indices = @transform_17, window_bounds = array<i64: 400, 512>}, {transform_indices = @transform_18, window_bounds = array<i64: 400, 128>}, {transform_indices = @transform_19, window_bounds = array<i64: 400, 384>}, {transform_indices = @transform_20, window_bounds = array<i64: 1, 50, 128>}]} {
    %get3A = arith.constant 0 : index
    %get3A_0 = arith.constant 0 : index
    %get3A_1 = arith.constant 0 : index
    %get3A_2 = vector.load %arg5[%get3A, %get3A_0, %get3A_1] : memref<1x50x128xf32, #tpu.memory_space<vmem>>, vector<1x50x128xf32>
    %lt3A = arith.constant 5.000000e+00 : f32
    %lt3A_3 = vector.broadcast %lt3A : f32 to vector<1x50x128xf32>
    %lt3A_4 = arith.cmpf olt, %get3A_2, %lt3A_3 : vector<1x50x128xf32>
    %mul3A = arith.constant 3.14159274 : f32
    %mul3A_5 = vector.broadcast %mul3A : f32 to vector<1x50x128xf32>
    %mul3A_6 = arith.mulf %mul3A_5, %get3A_2 : vector<1x50x128xf32>
    %div3A = arith.constant 5.000000e+00 : f32
    %div3A_7 = vector.broadcast %div3A : f32 to vector<1x50x128xf32>
    %div3A_8 = arith.divf %mul3A_6, %div3A_7 : vector<1x50x128xf32>
    %cos3A = math.cos %div3A_8 : vector<1x50x128xf32>
    %add3A = arith.constant 1.000000e+00 : f32
    %add3A_9 = vector.broadcast %add3A : f32 to vector<1x50x128xf32>
    %add3A_10 = arith.addf %cos3A, %add3A_9 : vector<1x50x128xf32>
    %mul3A_11 = arith.constant 5.000000e-01 : f32
    %mul3A_12 = vector.broadcast %mul3A_11 : f32 to vector<1x50x128xf32>
    %mul3A_13 = arith.mulf %mul3A_12, %add3A_10 : vector<1x50x128xf32>
    %jit3A = arith.constant 0.000000e+00 : f32
    %broadcast_in_dim3A = vector.broadcast %jit3A : f32 to vector<1x50x128xf32>
    %select_n3A = arith.select %lt3A_4, %mul3A_13, %broadcast_in_dim3A : vector<1x50x128xi1>, vector<1x50x128xf32>
    %swap3A = arith.constant 0 : index
    %swap3A_14 = arith.constant 0 : index
    %swap3A_15 = arith.constant 0 : index
    %swap3A_16 = vector.load %arg21[%swap3A, %swap3A_14, %swap3A_15] : memref<1x50x128xf32, #tpu.memory_space<vmem>>, vector<1x50x128xf32>
    tpu.vector_store %arg21[%swap3A, %swap3A_14, %swap3A_15], %select_n3A {strides = array<i32>} : memref<1x50x128xf32, #tpu.memory_space<vmem>>, vector<1x50x128xf32>,
    %get3A_17 = arith.constant 0 : index
    %get3A_18 = arith.constant 0 : index
    %get3A_19 = vector.load %arg1[%get3A_17, %get3A_18] : memref<400x128xf32, #tpu.memory_space<vmem>>, vector<400x128xf32>
    %get3A_20 = arith.constant 0 : index
    %get3A_21 = arith.constant 0 : index
    %get3A_22 = vector.load %arg6[%get3A_20, %get3A_21] : memref<128x128xf32, #tpu.memory_space<vmem>>, vector<128x128xf32>
    %dot_general3A = arith.constant dense<0.000000e+00> : vector<400x128xf32>
    %dot_general3A_23 = tpu.matmul %get3A_19, %get3A_22, %dot_general3A {dimension_numbers = #tpu.dot_dimension_numbers<[1], [0], [0], [1], [0, 0, 1, 1], [], []>, transpose_lhs_hint = false} : vector<400x128xf32>, vector<128x128xf32>, vector<400x128xf32> -> vector<400x128xf32>
    %get3A_24 = arith.constant 0 : index
    %get3A_25 = arith.constant 0 : index
    %get3A_26 = vector.load %arg7[%get3A_24, %get3A_25] : memref<1x128xf32, #tpu.memory_space<vmem>>, vector<1x128xf32>
    %add3A_27 = vector.broadcast %get3A_26 : vector<1x128xf32> to vector<400x128xf32>
    %add3A_28 = arith.addf %dot_general3A_23, %add3A_27 : vector<400x128xf32>
    %get3A_29 = arith.constant 0 : index
    %get3A_30 = arith.constant 0 : index
    %get3A_31 = vector.load %arg8[%get3A_29, %get3A_30] : memref<128x128xf32, #tpu.memory_space<vmem>>, vector<128x128xf32>
    %dot_general3A_32 = arith.constant dense<0.000000e+00> : vector<400x128xf32>
    %dot_general3A_33 = tpu.matmul %get3A_19, %get3A_31, %dot_general3A_32 {dimension_numbers = #tpu.dot_dimension_numbers<[1], [0], [0], [1], [0, 0, 1, 1], [], []>, transpose_lhs_hint = false} : vector<400x128xf32>, vector<128x128xf32>, vector<400x128xf32> -> vector<400x128xf32>
    %get3A_34 = arith.constant 0 : index
    %get3A_35 = arith.constant 0 : index
    %get3A_36 = vector.load %arg9[%get3A_34, %get3A_35] : memref<1x128xf32, #tpu.memory_space<vmem>>, vector<1x128xf32>
    %add3A_37 = vector.broadcast %get3A_36 : vector<1x128xf32> to vector<400x128xf32>
    %add3A_38 = arith.addf %dot_general3A_33, %add3A_37 : vector<400x128xf32>
    %get3A_39 = arith.constant 0 : index
    %get3A_40 = arith.constant 0 : index
    %get3A_41 = vector.load %arg10[%get3A_39, %get3A_40] : memref<128x128xf32, #tpu.memory_space<vmem>>, vector<128x128xf32>
    %dot_general3A_42 = arith.constant dense<0.000000e+00> : vector<400x128xf32>
    %dot_general3A_43 = tpu.matmul %get3A_19, %get3A_41, %dot_general3A_42 {dimension_numbers = #tpu.dot_dimension_numbers<[1], [0], [0], [1], [0, 0, 1, 1], [], []>, transpose_lhs_hint = false} : vector<400x128xf32>, vector<128x128xf32>, vector<400x128xf32> -> vector<400x128xf32>
    %get3A_44 = arith.constant 0 : index
    %get3A_45 = arith.constant 0 : index
    %get3A_46 = vector.load %arg11[%get3A_44, %get3A_45] : memref<1x128xf32, #tpu.memory_space<vmem>>, vector<1x128xf32>
    %add3A_47 = vector.broadcast %get3A_46 : vector<1x128xf32> to vector<400x128xf32>
    %add3A_48 = arith.addf %dot_general3A_43, %add3A_47 : vector<400x128xf32>
    %get3A_49 = arith.constant 0 : index
    %get3A_50 = arith.constant 0 : index
    %get3A_51 = vector.load %arg2[%get3A_49, %get3A_50] : memref<400x128xf32, #tpu.memory_space<vmem>>, vector<400x128xf32>
    %get3A_52 = arith.constant 0 : index
    %get3A_53 = arith.constant 0 : index
    %get3A_54 = vector.load %arg3[%get3A_52, %get3A_53] : memref<400x128xf32, #tpu.memory_space<vmem>>, vector<400x128xf32>
    %get3A_55 = arith.constant 0 : index
    %get3A_56 = arith.constant 0 : index
    %get3A_57 = vector.load %arg4[%get3A_55, %get3A_56] : memref<400x128xf32, #tpu.memory_space<vmem>>, vector<400x128xf32>
    %get3A_58 = arith.constant 0 : index
    %get3A_59 = arith.constant 0 : index
    %get3A_60 = vector.load %arg12[%get3A_58, %get3A_59] : memref<128x128xf32, #tpu.memory_space<vmem>>, vector<128x128xf32>
    %dot_general3A_61 = arith.constant dense<0.000000e+00> : vector<400x128xf32>
    %dot_general3A_62 = tpu.matmul %get3A_51, %get3A_60, %dot_general3A_61 {dimension_numbers = #tpu.dot_dimension_numbers<[1], [0], [0], [1], [0, 0, 1, 1], [], []>, transpose_lhs_hint = false} : vector<400x128xf32>, vector<128x128xf32>, vector<400x128xf32> -> vector<400x128xf32>
    %get3A_63 = arith.constant 0 : index
    %get3A_64 = arith.constant 0 : index
    %get3A_65 = vector.load %arg12[%get3A_63, %get3A_64] : memref<128x128xf32, #tpu.memory_space<vmem>>, vector<128x128xf32>
    %dot_general3A_66 = arith.constant dense<0.000000e+00> : vector<400x128xf32>
    %dot_general3A_67 = tpu.matmul %get3A_54, %get3A_65, %dot_general3A_66 {dimension_numbers = #tpu.dot_dimension_numbers<[1], [0], [0], [1], [0, 0, 1, 1], [], []>, transpose_lhs_hint = false} : vector<400x128xf32>, vector<128x128xf32>, vector<400x128xf32> -> vector<400x128xf32>
    %get3A_68 = arith.constant 0 : index
    %get3A_69 = arith.constant 0 : index
    %get3A_70 = vector.load %arg12[%get3A_68, %get3A_69] : memref<128x128xf32, #tpu.memory_space<vmem>>, vector<128x128xf32>
    %dot_general3A_71 = arith.constant dense<0.000000e+00> : vector<400x128xf32>
    %dot_general3A_72 = tpu.matmul %get3A_57, %get3A_70, %dot_general3A_71 {dimension_numbers = #tpu.dot_dimension_numbers<[1], [0], [0], [1], [0, 0, 1, 1], [], []>, transpose_lhs_hint = false} : vector<400x128xf32>, vector<128x128xf32>, vector<400x128xf32> -> vector<400x128xf32>
    %get3A_73 = arith.constant 0 : index
    %get3A_74 = arith.constant 0 : index
    %get3A_75 = vector.load %arg13[%get3A_73, %get3A_74] : memref<128x128xf32, #tpu.memory_space<vmem>>, vector<128x128xf32>
    %dot_general3A_76 = arith.constant dense<0.000000e+00> : vector<400x128xf32>
    %dot_general3A_77 = tpu.matmul %get3A_51, %get3A_75, %dot_general3A_76 {dimension_numbers = #tpu.dot_dimension_numbers<[1], [0], [0], [1], [0, 0, 1, 1], [], []>, transpose_lhs_hint = false} : vector<400x128xf32>, vector<128x128xf32>, vector<400x128xf32> -> vector<400x128xf32>
    %get3A_78 = arith.constant 0 : index
    %get3A_79 = arith.constant 0 : index
    %get3A_80 = vector.load %arg13[%get3A_78, %get3A_79] : memref<128x128xf32, #tpu.memory_space<vmem>>, vector<128x128xf32>
    %dot_general3A_81 = arith.constant dense<0.000000e+00> : vector<400x128xf32>
    %dot_general3A_82 = tpu.matmul %get3A_54, %get3A_80, %dot_general3A_81 {dimension_numbers = #tpu.dot_dimension_numbers<[1], [0], [0], [1], [0, 0, 1, 1], [], []>, transpose_lhs_hint = false} : vector<400x128xf32>, vector<128x128xf32>, vector<400x128xf32> -> vector<400x128xf32>
    %get3A_83 = arith.constant 0 : index
    %get3A_84 = arith.constant 0 : index
    %get3A_85 = vector.load %arg13[%get3A_83, %get3A_84] : memref<128x128xf32, #tpu.memory_space<vmem>>, vector<128x128xf32>
    %dot_general3A_86 = arith.constant dense<0.000000e+00> : vector<400x128xf32>
    %dot_general3A_87 = tpu.matmul %get3A_57, %get3A_85, %dot_general3A_86 {dimension_numbers = #tpu.dot_dimension_numbers<[1], [0], [0], [1], [0, 0, 1, 1], [], []>, transpose_lhs_hint = false} : vector<400x128xf32>, vector<128x128xf32>, vector<400x128xf32> -> vector<400x128xf32>
    %get3A_88 = arith.constant 0 : index
    %get3A_89 = arith.constant 0 : index
    %get3A_90 = vector.load %arg14[%get3A_88, %get3A_89] : memref<128x128xf32, #tpu.memory_space<vmem>>, vector<128x128xf32>
    %dot_general3A_91 = arith.constant dense<0.000000e+00> : vector<400x128xf32>
    %dot_general3A_92 = tpu.matmul %get3A_51, %get3A_90, %dot_general3A_91 {dimension_numbers = #tpu.dot_dimension_numbers<[1], [0], [0], [1], [0, 0, 1, 1], [], []>, transpose_lhs_hint = false} : vector<400x128xf32>, vector<128x128xf32>, vector<400x128xf32> -> vector<400x128xf32>
    %get3A_93 = arith.constant 0 : index
    %get3A_94 = arith.constant 0 : index
    %get3A_95 = vector.load %arg14[%get3A_93, %get3A_94] : memref<128x128xf32, #tpu.memory_space<vmem>>, vector<128x128xf32>
    %dot_general3A_96 = arith.constant dense<0.000000e+00> : vector<400x128xf32>
    %dot_general3A_97 = tpu.matmul %get3A_54, %get3A_95, %dot_general3A_96 {dimension_numbers = #tpu.dot_dimension_numbers<[1], [0], [0], [1], [0, 0, 1, 1], [], []>, transpose_lhs_hint = false} : vector<400x128xf32>, vector<128x128xf32>, vector<400x128xf32> -> vector<400x128xf32>
    %get3A_98 = arith.constant 0 : index
    %get3A_99 = arith.constant 0 : index
    %get3A_100 = vector.load %arg14[%get3A_98, %get3A_99] : memref<128x128xf32, #tpu.memory_space<vmem>>, vector<128x128xf32>
    %dot_general3A_101 = arith.constant dense<0.000000e+00> : vector<400x128xf32>
    %dot_general3A_102 = tpu.matmul %get3A_57, %get3A_100, %dot_general3A_101 {dimension_numbers = #tpu.dot_dimension_numbers<[1], [0], [0], [1], [0, 0, 1, 1], [], []>, transpose_lhs_hint = false} : vector<400x128xf32>, vector<128x128xf32>, vector<400x128xf32> -> vector<400x128xf32>
    %get3A_103 = arith.constant 0 : index
    %get3A_104 = arith.constant 0 : index
    %get3A_105 = vector.load %arg15[%get3A_103, %get3A_104] : memref<128x128xf32, #tpu.memory_space<vmem>>, vector<128x128xf32>
    %dot_general3A_106 = arith.constant dense<0.000000e+00> : vector<400x128xf32>
    %dot_general3A_107 = tpu.matmul %get3A_51, %get3A_105, %dot_general3A_106 {dimension_numbers = #tpu.dot_dimension_numbers<[1], [0], [0], [1], [0, 0, 1, 1], [], []>, transpose_lhs_hint = false} : vector<400x128xf32>, vector<128x128xf32>, vector<400x128xf32> -> vector<400x128xf32>
    %get3A_108 = arith.constant 0 : index
    %get3A_109 = arith.constant 0 : index
    %get3A_110 = vector.load %arg15[%get3A_108, %get3A_109] : memref<128x128xf32, #tpu.memory_space<vmem>>, vector<128x128xf32>
    %dot_general3A_111 = arith.constant dense<0.000000e+00> : vector<400x128xf32>
    %dot_general3A_112 = tpu.matmul %get3A_54, %get3A_110, %dot_general3A_111 {dimension_numbers = #tpu.dot_dimension_numbers<[1], [0], [0], [1], [0, 0, 1, 1], [], []>, transpose_lhs_hint = false} : vector<400x128xf32>, vector<128x128xf32>, vector<400x128xf32> -> vector<400x128xf32>
    %get3A_113 = arith.constant 0 : index
    %get3A_114 = arith.constant 0 : index
    %get3A_115 = vector.load %arg15[%get3A_113, %get3A_114] : memref<128x128xf32, #tpu.memory_space<vmem>>, vector<128x128xf32>
    %dot_general3A_116 = arith.constant dense<0.000000e+00> : vector<400x128xf32>
    %dot_general3A_117 = tpu.matmul %get3A_57, %get3A_115, %dot_general3A_116 {dimension_numbers = #tpu.dot_dimension_numbers<[1], [0], [0], [1], [0, 0, 1, 1], [], []>, transpose_lhs_hint = false} : vector<400x128xf32>, vector<128x128xf32>, vector<400x128xf32> -> vector<400x128xf32>
    %convert_element_type3A = arith.truncf %add3A_28 : vector<400x128xf32> to vector<400x128xbf16>
    %convert_element_type3A_118 = arith.extf %convert_element_type3A : vector<400x128xbf16> to vector<400x128xf32>
    %bitcast_convert_type3A = tpu.bitcast %convert_element_type3A_118 : vector<400x128xf32> -> vector<400x128xi32>
    %convert_element_type3A_119 = arith.truncf %dot_general3A_62 : vector<400x128xf32> to vector<400x128xbf16>
    %convert_element_type3A_120 = arith.extf %convert_element_type3A_119 : vector<400x128xbf16> to vector<400x128xf32>
    %bitcast_convert_type3A_121 = tpu.bitcast %convert_element_type3A_120 : vector<400x128xf32> -> vector<400x128xi32>
    %and3A = arith.constant -65536 : i32
    %and3A_122 = vector.broadcast %and3A : i32 to vector<400x128xi32>
    %and3A_123 = arith.andi %bitcast_convert_type3A, %and3A_122 : vector<400x128xi32>
    %shift_right_logical3A = arith.constant 16 : i32
    %shift_right_logical3A_124 = vector.broadcast %shift_right_logical3A : i32 to vector<400x128xi32>
    %shift_right_logical3A_125 = arith.shrui %bitcast_convert_type3A_121, %shift_right_logical3A_124 : vector<400x128xi32>
    %or3A = arith.ori %and3A_123, %shift_right_logical3A_125 : vector<400x128xi32>
    %swap3A_126 = arith.constant 0 : index
    %swap3A_127 = arith.constant 0 : index
    %swap3A_128 = vector.load %arg17[%swap3A_126, %swap3A_127] : memref<400x640xi32, #tpu.memory_space<vmem>>, vector<400x128xi32>
    tpu.vector_store %arg17[%swap3A_126, %swap3A_127], %or3A {strides = array<i32>} : memref<400x640xi32, #tpu.memory_space<vmem>>, vector<400x128xi32>,
    %convert_element_type3A_129 = arith.truncf %dot_general3A_67 : vector<400x128xf32> to vector<400x128xbf16>
    %convert_element_type3A_130 = arith.extf %convert_element_type3A_129 : vector<400x128xbf16> to vector<400x128xf32>
    %bitcast_convert_type3A_131 = tpu.bitcast %convert_element_type3A_130 : vector<400x128xf32> -> vector<400x128xi32>
    %convert_element_type3A_132 = arith.truncf %dot_general3A_72 : vector<400x128xf32> to vector<400x128xbf16>
    %convert_element_type3A_133 = arith.extf %convert_element_type3A_132 : vector<400x128xbf16> to vector<400x128xf32>
    %bitcast_convert_type3A_134 = tpu.bitcast %convert_element_type3A_133 : vector<400x128xf32> -> vector<400x128xi32>
    %and3A_135 = arith.constant -65536 : i32
    %and3A_136 = vector.broadcast %and3A_135 : i32 to vector<400x128xi32>
    %and3A_137 = arith.andi %bitcast_convert_type3A_131, %and3A_136 : vector<400x128xi32>
    %shift_right_logical3A_138 = arith.constant 16 : i32
    %shift_right_logical3A_139 = vector.broadcast %shift_right_logical3A_138 : i32 to vector<400x128xi32>
    %shift_right_logical3A_140 = arith.shrui %bitcast_convert_type3A_134, %shift_right_logical3A_139 : vector<400x128xi32>
    %or3A_141 = arith.ori %and3A_137, %shift_right_logical3A_140 : vector<400x128xi32>
    %swap3A_142 = arith.constant 0 : index
    %swap3A_143 = arith.constant 128 : index
    %swap3A_144 = vector.load %arg17[%swap3A_142, %swap3A_143] : memref<400x640xi32, #tpu.memory_space<vmem>>, vector<400x128xi32>
    tpu.vector_store %arg17[%swap3A_142, %swap3A_143], %or3A_141 {strides = array<i32>} : memref<400x640xi32, #tpu.memory_space<vmem>>, vector<400x128xi32>,
    %convert_element_type3A_145 = arith.truncf %dot_general3A_92 : vector<400x128xf32> to vector<400x128xbf16>
    %convert_element_type3A_146 = arith.extf %convert_element_type3A_145 : vector<400x128xbf16> to vector<400x128xf32>
    %bitcast_convert_type3A_147 = tpu.bitcast %convert_element_type3A_146 : vector<400x128xf32> -> vector<400x128xi32>
    %convert_element_type3A_148 = arith.truncf %dot_general3A_97 : vector<400x128xf32> to vector<400x128xbf16>
    %convert_element_type3A_149 = arith.extf %convert_element_type3A_148 : vector<400x128xbf16> to vector<400x128xf32>
    %bitcast_convert_type3A_150 = tpu.bitcast %convert_element_type3A_149 : vector<400x128xf32> -> vector<400x128xi32>
    %and3A_151 = arith.constant -65536 : i32
    %and3A_152 = vector.broadcast %and3A_151 : i32 to vector<400x128xi32>
    %and3A_153 = arith.andi %bitcast_convert_type3A_147, %and3A_152 : vector<400x128xi32>
    %shift_right_logical3A_154 = arith.constant 16 : i32
    %shift_right_logical3A_155 = vector.broadcast %shift_right_logical3A_154 : i32 to vector<400x128xi32>
    %shift_right_logical3A_156 = arith.shrui %bitcast_convert_type3A_150, %shift_right_logical3A_155 : vector<400x128xi32>
    %or3A_157 = arith.ori %and3A_153, %shift_right_logical3A_156 : vector<400x128xi32>
    %swap3A_158 = arith.constant 0 : index
    %swap3A_159 = arith.constant 256 : index
    %swap3A_160 = vector.load %arg17[%swap3A_158, %swap3A_159] : memref<400x640xi32, #tpu.memory_space<vmem>>, vector<400x128xi32>
    tpu.vector_store %arg17[%swap3A_158, %swap3A_159], %or3A_157 {strides = array<i32>} : memref<400x640xi32, #tpu.memory_space<vmem>>, vector<400x128xi32>,
    %convert_element_type3A_161 = arith.truncf %dot_general3A_102 : vector<400x128xf32> to vector<400x128xbf16>
    %convert_element_type3A_162 = arith.extf %convert_element_type3A_161 : vector<400x128xbf16> to vector<400x128xf32>
    %bitcast_convert_type3A_163 = tpu.bitcast %convert_element_type3A_162 : vector<400x128xf32> -> vector<400x128xi32>
    %convert_element_type3A_164 = arith.truncf %dot_general3A_107 : vector<400x128xf32> to vector<400x128xbf16>
    %convert_element_type3A_165 = arith.extf %convert_element_type3A_164 : vector<400x128xbf16> to vector<400x128xf32>
    %bitcast_convert_type3A_166 = tpu.bitcast %convert_element_type3A_165 : vector<400x128xf32> -> vector<400x128xi32>
    %and3A_167 = arith.constant -65536 : i32
    %and3A_168 = vector.broadcast %and3A_167 : i32 to vector<400x128xi32>
    %and3A_169 = arith.andi %bitcast_convert_type3A_163, %and3A_168 : vector<400x128xi32>
    %shift_right_logical3A_170 = arith.constant 16 : i32
    %shift_right_logical3A_171 = vector.broadcast %shift_right_logical3A_170 : i32 to vector<400x128xi32>
    %shift_right_logical3A_172 = arith.shrui %bitcast_convert_type3A_166, %shift_right_logical3A_171 : vector<400x128xi32>
    %or3A_173 = arith.ori %and3A_169, %shift_right_logical3A_172 : vector<400x128xi32>
    %swap3A_174 = arith.constant 0 : index
    %swap3A_175 = arith.constant 384 : index
    %swap3A_176 = vector.load %arg17[%swap3A_174, %swap3A_175] : memref<400x640xi32, #tpu.memory_space<vmem>>, vector<400x128xi32>
    tpu.vector_store %arg17[%swap3A_174, %swap3A_175], %or3A_173 {strides = array<i32>} : memref<400x640xi32, #tpu.memory_space<vmem>>, vector<400x128xi32>,
    %convert_element_type3A_177 = arith.truncf %dot_general3A_112 : vector<400x128xf32> to vector<400x128xbf16>
    %convert_element_type3A_178 = arith.extf %convert_element_type3A_177 : vector<400x128xbf16> to vector<400x128xf32>
    %bitcast_convert_type3A_179 = tpu.bitcast %convert_element_type3A_178 : vector<400x128xf32> -> vector<400x128xi32>
    %convert_element_type3A_180 = arith.truncf %dot_general3A_117 : vector<400x128xf32> to vector<400x128xbf16>
    %convert_element_type3A_181 = arith.extf %convert_element_type3A_180 : vector<400x128xbf16> to vector<400x128xf32>
    %bitcast_convert_type3A_182 = tpu.bitcast %convert_element_type3A_181 : vector<400x128xf32> -> vector<400x128xi32>
    %and3A_183 = arith.constant -65536 : i32
    %and3A_184 = vector.broadcast %and3A_183 : i32 to vector<400x128xi32>
    %and3A_185 = arith.andi %bitcast_convert_type3A_179, %and3A_184 : vector<400x128xi32>
    %shift_right_logical3A_186 = arith.constant 16 : i32
    %shift_right_logical3A_187 = vector.broadcast %shift_right_logical3A_186 : i32 to vector<400x128xi32>
    %shift_right_logical3A_188 = arith.shrui %bitcast_convert_type3A_182, %shift_right_logical3A_187 : vector<400x128xi32>
    %or3A_189 = arith.ori %and3A_185, %shift_right_logical3A_188 : vector<400x128xi32>
    %swap3A_190 = arith.constant 0 : index
    %swap3A_191 = arith.constant 512 : index
    %swap3A_192 = vector.load %arg17[%swap3A_190, %swap3A_191] : memref<400x640xi32, #tpu.memory_space<vmem>>, vector<400x128xi32>
    tpu.vector_store %arg17[%swap3A_190, %swap3A_191], %or3A_189 {strides = array<i32>} : memref<400x640xi32, #tpu.memory_space<vmem>>, vector<400x128xi32>,
    %convert_element_type3A_193 = arith.truncf %add3A_38 : vector<400x128xf32> to vector<400x128xbf16>
    %convert_element_type3A_194 = arith.extf %convert_element_type3A_193 : vector<400x128xbf16> to vector<400x128xf32>
    %bitcast_convert_type3A_195 = tpu.bitcast %convert_element_type3A_194 : vector<400x128xf32> -> vector<400x128xi32>
    %convert_element_type3A_196 = arith.truncf %add3A_48 : vector<400x128xf32> to vector<400x128xbf16>
    %convert_element_type3A_197 = arith.extf %convert_element_type3A_196 : vector<400x128xbf16> to vector<400x128xf32>
    %bitcast_convert_type3A_198 = tpu.bitcast %convert_element_type3A_197 : vector<400x128xf32> -> vector<400x128xi32>
    %and3A_199 = arith.constant -65536 : i32
    %and3A_200 = vector.broadcast %and3A_199 : i32 to vector<400x128xi32>
    %and3A_201 = arith.andi %bitcast_convert_type3A_195, %and3A_200 : vector<400x128xi32>
    %shift_right_logical3A_202 = arith.constant 16 : i32
    %shift_right_logical3A_203 = vector.broadcast %shift_right_logical3A_202 : i32 to vector<400x128xi32>
    %shift_right_logical3A_204 = arith.shrui %bitcast_convert_type3A_198, %shift_right_logical3A_203 : vector<400x128xi32>
    %or3A_205 = arith.ori %and3A_201, %shift_right_logical3A_204 : vector<400x128xi32>
    %swap3A_206 = arith.constant 0 : index
    %swap3A_207 = arith.constant 0 : index
    %swap3A_208 = vector.load %arg18[%swap3A_206, %swap3A_207] : memref<400x512xi32, #tpu.memory_space<vmem>>, vector<400x128xi32>
    tpu.vector_store %arg18[%swap3A_206, %swap3A_207], %or3A_205 {strides = array<i32>} : memref<400x512xi32, #tpu.memory_space<vmem>>, vector<400x128xi32>,
    %convert_element_type3A_209 = arith.truncf %get3A_51 : vector<400x128xf32> to vector<400x128xbf16>
    %convert_element_type3A_210 = arith.extf %convert_element_type3A_209 : vector<400x128xbf16> to vector<400x128xf32>
    %bitcast_convert_type3A_211 = tpu.bitcast %convert_element_type3A_210 : vector<400x128xf32> -> vector<400x128xi32>
    %convert_element_type3A_212 = arith.truncf %get3A_54 : vector<400x128xf32> to vector<400x128xbf16>
    %convert_element_type3A_213 = arith.extf %convert_element_type3A_212 : vector<400x128xbf16> to vector<400x128xf32>
    %bitcast_convert_type3A_214 = tpu.bitcast %convert_element_type3A_213 : vector<400x128xf32> -> vector<400x128xi32>
    %and3A_215 = arith.constant -65536 : i32
    %and3A_216 = vector.broadcast %and3A_215 : i32 to vector<400x128xi32>
    %and3A_217 = arith.andi %bitcast_convert_type3A_211, %and3A_216 : vector<400x128xi32>
    %shift_right_logical3A_218 = arith.constant 16 : i32
    %shift_right_logical3A_219 = vector.broadcast %shift_right_logical3A_218 : i32 to vector<400x128xi32>
    %shift_right_logical3A_220 = arith.shrui %bitcast_convert_type3A_214, %shift_right_logical3A_219 : vector<400x128xi32>
    %or3A_221 = arith.ori %and3A_217, %shift_right_logical3A_220 : vector<400x128xi32>
    %swap3A_222 = arith.constant 0 : index
    %swap3A_223 = arith.constant 128 : index
    %swap3A_224 = vector.load %arg18[%swap3A_222, %swap3A_223] : memref<400x512xi32, #tpu.memory_space<vmem>>, vector<400x128xi32>
    tpu.vector_store %arg18[%swap3A_222, %swap3A_223], %or3A_221 {strides = array<i32>} : memref<400x512xi32, #tpu.memory_space<vmem>>, vector<400x128xi32>,
    %convert_element_type3A_225 = arith.truncf %get3A_57 : vector<400x128xf32> to vector<400x128xbf16>
    %convert_element_type3A_226 = arith.extf %convert_element_type3A_225 : vector<400x128xbf16> to vector<400x128xf32>
    %bitcast_convert_type3A_227 = tpu.bitcast %convert_element_type3A_226 : vector<400x128xf32> -> vector<400x128xi32>
    %convert_element_type3A_228 = arith.truncf %dot_general3A_77 : vector<400x128xf32> to vector<400x128xbf16>
    %convert_element_type3A_229 = arith.extf %convert_element_type3A_228 : vector<400x128xbf16> to vector<400x128xf32>
    %bitcast_convert_type3A_230 = tpu.bitcast %convert_element_type3A_229 : vector<400x128xf32> -> vector<400x128xi32>
    %and3A_231 = arith.constant -65536 : i32
    %and3A_232 = vector.broadcast %and3A_231 : i32 to vector<400x128xi32>
    %and3A_233 = arith.andi %bitcast_convert_type3A_227, %and3A_232 : vector<400x128xi32>
    %shift_right_logical3A_234 = arith.constant 16 : i32
    %shift_right_logical3A_235 = vector.broadcast %shift_right_logical3A_234 : i32 to vector<400x128xi32>
    %shift_right_logical3A_236 = arith.shrui %bitcast_convert_type3A_230, %shift_right_logical3A_235 : vector<400x128xi32>
    %or3A_237 = arith.ori %and3A_233, %shift_right_logical3A_236 : vector<400x128xi32>
    %swap3A_238 = arith.constant 0 : index
    %swap3A_239 = arith.constant 256 : index
    %swap3A_240 = vector.load %arg18[%swap3A_238, %swap3A_239] : memref<400x512xi32, #tpu.memory_space<vmem>>, vector<400x128xi32>
    tpu.vector_store %arg18[%swap3A_238, %swap3A_239], %or3A_237 {strides = array<i32>} : memref<400x512xi32, #tpu.memory_space<vmem>>, vector<400x128xi32>,
    %convert_element_type3A_241 = arith.truncf %dot_general3A_82 : vector<400x128xf32> to vector<400x128xbf16>
    %convert_element_type3A_242 = arith.extf %convert_element_type3A_241 : vector<400x128xbf16> to vector<400x128xf32>
    %bitcast_convert_type3A_243 = tpu.bitcast %convert_element_type3A_242 : vector<400x128xf32> -> vector<400x128xi32>
    %convert_element_type3A_244 = arith.truncf %dot_general3A_87 : vector<400x128xf32> to vector<400x128xbf16>
    %convert_element_type3A_245 = arith.extf %convert_element_type3A_244 : vector<400x128xbf16> to vector<400x128xf32>
    %bitcast_convert_type3A_246 = tpu.bitcast %convert_element_type3A_245 : vector<400x128xf32> -> vector<400x128xi32>
    %and3A_247 = arith.constant -65536 : i32
    %and3A_248 = vector.broadcast %and3A_247 : i32 to vector<400x128xi32>
    %and3A_249 = arith.andi %bitcast_convert_type3A_243, %and3A_248 : vector<400x128xi32>
    %shift_right_logical3A_250 = arith.constant 16 : i32
    %shift_right_logical3A_251 = vector.broadcast %shift_right_logical3A_250 : i32 to vector<400x128xi32>
    %shift_right_logical3A_252 = arith.shrui %bitcast_convert_type3A_246, %shift_right_logical3A_251 : vector<400x128xi32>
    %or3A_253 = arith.ori %and3A_249, %shift_right_logical3A_252 : vector<400x128xi32>
    %swap3A_254 = arith.constant 0 : index
    %swap3A_255 = arith.constant 384 : index
    %swap3A_256 = vector.load %arg18[%swap3A_254, %swap3A_255] : memref<400x512xi32, #tpu.memory_space<vmem>>, vector<400x128xi32>
    tpu.vector_store %arg18[%swap3A_254, %swap3A_255], %or3A_253 {strides = array<i32>} : memref<400x512xi32, #tpu.memory_space<vmem>>, vector<400x128xi32>,
    %broadcast_in_dim3A_257 = arith.constant 0.000000e+00 : f32
    %broadcast_in_dim3A_258 = vector.broadcast %broadcast_in_dim3A_257 : f32 to vector<400x128xf32>
    %get3A_259 = arith.constant 0 : index
    %get3A_260 = arith.constant 0 : index
    %get3A_261 = vector.load %arg16[%get3A_259, %get3A_260] : memref<128x384xf32, #tpu.memory_space<vmem>>, vector<128x384xf32>
    %dot_general3A_262 = arith.constant dense<0.000000e+00> : vector<400x384xf32>
    %dot_general3A_263 = tpu.matmul %get3A_51, %get3A_261, %dot_general3A_262 {dimension_numbers = #tpu.dot_dimension_numbers<[1], [0], [0], [1], [0, 0, 1, 1], [], []>, transpose_lhs_hint = false} : vector<400x128xf32>, vector<128x384xf32>, vector<400x384xf32> -> vector<400x384xf32>
    %slice3A = vector.extract_strided_slice %dot_general3A_263 {offsets = [0, 0], sizes = [400, 128], strides = [1, 1]} : vector<400x384xf32> to vector<400x128xf32>
    %slice3A_264 = vector.extract_strided_slice %dot_general3A_263 {offsets = [0, 128], sizes = [400, 128], strides = [1, 1]} : vector<400x384xf32> to vector<400x128xf32>
    %mul3A_265 = arith.mulf %slice3A, %slice3A_264 : vector<400x128xf32>
    %add3A_266 = arith.addf %broadcast_in_dim3A_258, %mul3A_265 : vector<400x128xf32>
    %slice3A_267 = vector.extract_strided_slice %dot_general3A_263 {offsets = [0, 256], sizes = [400, 128], strides = [1, 1]} : vector<400x384xf32> to vector<400x128xf32>
    %swap3A_268 = arith.constant 0 : index
    %swap3A_269 = arith.constant 0 : index
    %swap3A_270 = vector.load %arg20[%swap3A_268, %swap3A_269] : memref<400x384xf32, #tpu.memory_space<vmem>>, vector<400x128xf32>
    tpu.vector_store %arg20[%swap3A_268, %swap3A_269], %slice3A_267 {strides = array<i32>} : memref<400x384xf32, #tpu.memory_space<vmem>>, vector<400x128xf32>,
    %get3A_271 = arith.constant 0 : index
    %get3A_272 = arith.constant 0 : index
    %get3A_273 = vector.load %arg16[%get3A_271, %get3A_272] : memref<128x384xf32, #tpu.memory_space<vmem>>, vector<128x384xf32>
    %dot_general3A_274 = arith.constant dense<0.000000e+00> : vector<400x384xf32>
    %dot_general3A_275 = tpu.matmul %get3A_54, %get3A_273, %dot_general3A_274 {dimension_numbers = #tpu.dot_dimension_numbers<[1], [0], [0], [1], [0, 0, 1, 1], [], []>, transpose_lhs_hint = false} : vector<400x128xf32>, vector<128x384xf32>, vector<400x384xf32> -> vector<400x384xf32>
    %slice3A_276 = vector.extract_strided_slice %dot_general3A_275 {offsets = [0, 0], sizes = [400, 128], strides = [1, 1]} : vector<400x384xf32> to vector<400x128xf32>
    %slice3A_277 = vector.extract_strided_slice %dot_general3A_275 {offsets = [0, 128], sizes = [400, 128], strides = [1, 1]} : vector<400x384xf32> to vector<400x128xf32>
    %mul3A_278 = arith.mulf %slice3A_276, %slice3A_277 : vector<400x128xf32>
    %add3A_279 = arith.addf %add3A_266, %mul3A_278 : vector<400x128xf32>
    %slice3A_280 = vector.extract_strided_slice %dot_general3A_275 {offsets = [0, 256], sizes = [400, 128], strides = [1, 1]} : vector<400x384xf32> to vector<400x128xf32>
    %swap3A_281 = arith.constant 0 : index
    %swap3A_282 = arith.constant 128 : index
    %swap3A_283 = vector.load %arg20[%swap3A_281, %swap3A_282] : memref<400x384xf32, #tpu.memory_space<vmem>>, vector<400x128xf32>
    tpu.vector_store %arg20[%swap3A_281, %swap3A_282], %slice3A_280 {strides = array<i32>} : memref<400x384xf32, #tpu.memory_space<vmem>>, vector<400x128xf32>,
    %get3A_284 = arith.constant 0 : index
    %get3A_285 = arith.constant 0 : index
    %get3A_286 = vector.load %arg16[%get3A_284, %get3A_285] : memref<128x384xf32, #tpu.memory_space<vmem>>, vector<128x384xf32>
    %dot_general3A_287 = arith.constant dense<0.000000e+00> : vector<400x384xf32>
    %dot_general3A_288 = tpu.matmul %get3A_57, %get3A_286, %dot_general3A_287 {dimension_numbers = #tpu.dot_dimension_numbers<[1], [0], [0], [1], [0, 0, 1, 1], [], []>, transpose_lhs_hint = false} : vector<400x128xf32>, vector<128x384xf32>, vector<400x384xf32> -> vector<400x384xf32>
    %slice3A_289 = vector.extract_strided_slice %dot_general3A_288 {offsets = [0, 0], sizes = [400, 128], strides = [1, 1]} : vector<400x384xf32> to vector<400x128xf32>
    %slice3A_290 = vector.extract_strided_slice %dot_general3A_288 {offsets = [0, 128], sizes = [400, 128], strides = [1, 1]} : vector<400x384xf32> to vector<400x128xf32>
    %mul3A_291 = arith.mulf %slice3A_289, %slice3A_290 : vector<400x128xf32>
    %add3A_292 = arith.addf %add3A_279, %mul3A_291 : vector<400x128xf32>
    %slice3A_293 = vector.extract_strided_slice %dot_general3A_288 {offsets = [0, 256], sizes = [400, 128], strides = [1, 1]} : vector<400x384xf32> to vector<400x128xf32>
    %swap3A_294 = arith.constant 0 : index
    %swap3A_295 = arith.constant 256 : index
    %swap3A_296 = vector.load %arg20[%swap3A_294, %swap3A_295] : memref<400x384xf32, #tpu.memory_space<vmem>>, vector<400x128xf32>
    tpu.vector_store %arg20[%swap3A_294, %swap3A_295], %slice3A_293 {strides = array<i32>} : memref<400x384xf32, #tpu.memory_space<vmem>>, vector<400x128xf32>,
    %swap3A_297 = arith.constant 0 : index
    %swap3A_298 = arith.constant 0 : index
    %swap3A_299 = vector.load %arg19[%swap3A_297, %swap3A_298] : memref<400x128xf32, #tpu.memory_space<vmem>>, vector<400x128xf32>
    tpu.vector_store %arg19[%swap3A_297, %swap3A_298], %add3A_292 {strides = array<i32>} : memref<400x128xf32, #tpu.memory_space<vmem>>, vector<400x128xf32>,
    return
  }
  func.func @transform_0(%arg0: i32) -> (i32, i32) {
    %c0_i32 = arith.constant 0 : i32
    %c0_i32_0 = arith.constant 0 : i32
    return %arg0, %c0_i32 : i32, i32
  }
  func.func @transform_1(%arg0: i32) -> (i32, i32) {
    %c0_i32 = arith.constant 0 : i32
    %c0_i32_0 = arith.constant 0 : i32
    return %arg0, %c0_i32 : i32, i32
  }
  func.func @transform_2(%arg0: i32) -> (i32, i32) {
    %c0_i32 = arith.constant 0 : i32
    %c0_i32_0 = arith.constant 0 : i32
    return %arg0, %c0_i32 : i32, i32
  }
  func.func @transform_3(%arg0: i32) -> (i32, i32) {
    %c0_i32 = arith.constant 0 : i32
    %c0_i32_0 = arith.constant 0 : i32
    return %arg0, %c0_i32 : i32, i32
  }
  func.func @transform_4(%arg0: i32) -> (i32, i32, i32) {
    %c0_i32 = arith.constant 0 : i32
    %c0_i32_0 = arith.constant 0 : i32
    %c0_i32_1 = arith.constant 0 : i32
    return %arg0, %c0_i32, %c0_i32_0 : i32, i32, i32
  }
  func.func @transform_5(%arg0: i32) -> (i32, i32) {
    %c0_i32 = arith.constant 0 : i32
    %c0_i32_0 = arith.constant 0 : i32
    %c0_i32_1 = arith.constant 0 : i32
    return %c0_i32, %c0_i32_0 : i32, i32
  }
  func.func @transform_6(%arg0: i32) -> (i32, i32) {
    %c0_i32 = arith.constant 0 : i32
    %c0_i32_0 = arith.constant 0 : i32
    %c0_i32_1 = arith.constant 0 : i32
    return %c0_i32, %c0_i32_0 : i32, i32
  }
  func.func @transform_7(%arg0: i32) -> (i32, i32) {
    %c0_i32 = arith.constant 0 : i32
    %c0_i32_0 = arith.constant 0 : i32
    %c0_i32_1 = arith.constant 0 : i32
    return %c0_i32, %c0_i32_0 : i32, i32
  }
  func.func @transform_8(%arg0: i32) -> (i32, i32) {
    %c0_i32 = arith.constant 0 : i32
    %c0_i32_0 = arith.constant 0 : i32
    %c0_i32_1 = arith.constant 0 : i32
    return %c0_i32, %c0_i32_0 : i32, i32
  }
  func.func @transform_9(%arg0: i32) -> (i32, i32) {
    %c0_i32 = arith.constant 0 : i32
    %c0_i32_0 = arith.constant 0 : i32
    %c0_i32_1 = arith.constant 0 : i32
    return %c0_i32, %c0_i32_0 : i32, i32
  }
  func.func @transform_10(%arg0: i32) -> (i32, i32) {
    %c0_i32 = arith.constant 0 : i32
    %c0_i32_0 = arith.constant 0 : i32
    %c0_i32_1 = arith.constant 0 : i32
    return %c0_i32, %c0_i32_0 : i32, i32
  }
  func.func @transform_11(%arg0: i32) -> (i32, i32) {
    %c0_i32 = arith.constant 0 : i32
    %c0_i32_0 = arith.constant 0 : i32
    %c0_i32_1 = arith.constant 0 : i32
    return %c0_i32, %c0_i32_0 : i32, i32
  }
  func.func @transform_12(%arg0: i32) -> (i32, i32) {
    %c0_i32 = arith.constant 0 : i32
    %c0_i32_0 = arith.constant 0 : i32
    %c0_i32_1 = arith.constant 0 : i32
    return %c0_i32, %c0_i32_0 : i32, i32
  }
  func.func @transform_13(%arg0: i32) -> (i32, i32) {
    %c0_i32 = arith.constant 0 : i32
    %c0_i32_0 = arith.constant 0 : i32
    %c0_i32_1 = arith.constant 0 : i32
    return %c0_i32, %c0_i32_0 : i32, i32
  }
  func.func @transform_14(%arg0: i32) -> (i32, i32) {
    %c0_i32 = arith.constant 0 : i32
    %c0_i32_0 = arith.constant 0 : i32
    %c0_i32_1 = arith.constant 0 : i32
    return %c0_i32, %c0_i32_0 : i32, i32
  }
  func.func @transform_15(%arg0: i32) -> (i32, i32) {
    %c0_i32 = arith.constant 0 : i32
    %c0_i32_0 = arith.constant 0 : i32
    %c0_i32_1 = arith.constant 0 : i32
    return %c0_i32, %c0_i32_0 : i32, i32
  }
  func.func @transform_16(%arg0: i32) -> (i32, i32) {
    %c0_i32 = arith.constant 0 : i32
    %c0_i32_0 = arith.constant 0 : i32
    return %arg0, %c0_i32 : i32, i32
  }
  func.func @transform_17(%arg0: i32) -> (i32, i32) {
    %c0_i32 = arith.constant 0 : i32
    %c0_i32_0 = arith.constant 0 : i32
    return %arg0, %c0_i32 : i32, i32
  }
  func.func @transform_18(%arg0: i32) -> (i32, i32) {
    %c0_i32 = arith.constant 0 : i32
    %c0_i32_0 = arith.constant 0 : i32
    return %arg0, %c0_i32 : i32, i32
  }
  func.func @transform_19(%arg0: i32) -> (i32, i32) {
    %c0_i32 = arith.constant 0 : i32
    %c0_i32_0 = arith.constant 0 : i32
    return %arg0, %c0_i32 : i32, i32
  }
  func.func @transform_20(%arg0: i32) -> (i32, i32, i32) {
    %c0_i32 = arith.constant 0 : i32
    %c0_i32_0 = arith.constant 0 : i32
    %c0_i32_1 = arith.constant 0 : i32
    return %arg0, %c0_i32, %c0_i32_0 : i32, i32, i32
  }
}

module attributes {stable_mosaic.version = 14 : i64} {
  func.func @_edge_body(%arg0: i32, %arg1: memref<640x640xi32, #tpu.memory_space<vmem>>, %arg2: memref<640x512xi32, #tpu.memory_space<vmem>>, %arg3: memref<640x128xf32, #tpu.memory_space<vmem>>, %arg4: memref<640x1xf32, #tpu.memory_space<vmem>>, %arg5: memref<640x1xf32, #tpu.memory_space<vmem>>, %arg6: memref<640x1xf32, #tpu.memory_space<vmem>>, %arg7: memref<640x1xf32, #tpu.memory_space<vmem>>, %arg8: memref<128x128xf32, #tpu.memory_space<vmem>>, %arg9: memref<1x128xf32, #tpu.memory_space<vmem>>, %arg10: memref<128x128xf32, #tpu.memory_space<vmem>>, %arg11: memref<1x128xf32, #tpu.memory_space<vmem>>, %arg12: memref<128x256xf32, #tpu.memory_space<vmem>>, %arg13: memref<1x256xf32, #tpu.memory_space<vmem>>, %arg14: memref<128x256xf32, #tpu.memory_space<vmem>>, %arg15: memref<1x256xf32, #tpu.memory_space<vmem>>, %arg16: memref<128x128xf32, #tpu.memory_space<vmem>>, %arg17: memref<640x128xf32, #tpu.memory_space<vmem>>, %arg18: memref<640x128xf32, #tpu.memory_space<vmem>>, %arg19: memref<640x128xf32, #tpu.memory_space<vmem>>, %arg20: memref<640x128xf32, #tpu.memory_space<vmem>>, %arg21: memref<640x128xf32, #tpu.memory_space<vmem>>) attributes {dimension_semantics = [#tpu.dimension_semantics<arbitrary>], iteration_bounds = array<i64: 250>, scalar_prefetch = 0 : i64, scratch_operands = 0 : i64, tpu.core_type = #tpu.core_type<tc>, window_params = [{transform_indices = @transform_0, window_bounds = array<i64: 640, 640>}, {transform_indices = @transform_1, window_bounds = array<i64: 640, 512>}, {transform_indices = @transform_2, window_bounds = array<i64: 640, 128>}, {transform_indices = @transform_3, window_bounds = array<i64: 640, 1>}, {transform_indices = @transform_4, window_bounds = array<i64: 640, 1>}, {transform_indices = @transform_5, window_bounds = array<i64: 640, 1>}, {transform_indices = @transform_6, window_bounds = array<i64: 640, 1>}, {pipeline_mode = #tpu.pipeline_mode<synchronous>, transform_indices = @transform_7, window_bounds = array<i64: 128, 128>}, {pipeline_mode = #tpu.pipeline_mode<synchronous>, transform_indices = @transform_8, window_bounds = array<i64: 1, 128>}, {pipeline_mode = #tpu.pipeline_mode<synchronous>, transform_indices = @transform_9, window_bounds = array<i64: 128, 128>}, {pipeline_mode = #tpu.pipeline_mode<synchronous>, transform_indices = @transform_10, window_bounds = array<i64: 1, 128>}, {pipeline_mode = #tpu.pipeline_mode<synchronous>, transform_indices = @transform_11, window_bounds = array<i64: 128, 256>}, {pipeline_mode = #tpu.pipeline_mode<synchronous>, transform_indices = @transform_12, window_bounds = array<i64: 1, 256>}, {pipeline_mode = #tpu.pipeline_mode<synchronous>, transform_indices = @transform_13, window_bounds = array<i64: 128, 256>}, {pipeline_mode = #tpu.pipeline_mode<synchronous>, transform_indices = @transform_14, window_bounds = array<i64: 1, 256>}, {pipeline_mode = #tpu.pipeline_mode<synchronous>, transform_indices = @transform_15, window_bounds = array<i64: 128, 128>}, {transform_indices = @transform_16, window_bounds = array<i64: 640, 128>}, {transform_indices = @transform_17, window_bounds = array<i64: 640, 128>}, {transform_indices = @transform_18, window_bounds = array<i64: 640, 128>}, {transform_indices = @transform_19, window_bounds = array<i64: 640, 128>}, {transform_indices = @transform_20, window_bounds = array<i64: 640, 128>}]} {
    %get3A = arith.constant 0 : index
    %get3A_0 = arith.constant 0 : index
    %get3A_1 = vector.load %arg1[%get3A, %get3A_0] : memref<640x640xi32, #tpu.memory_space<vmem>>, vector<640x640xi32>
    %get3A_2 = arith.constant 0 : index
    %get3A_3 = arith.constant 0 : index
    %get3A_4 = vector.load %arg2[%get3A_2, %get3A_3] : memref<640x512xi32, #tpu.memory_space<vmem>>, vector<640x512xi32>
    %slice3A = vector.extract_strided_slice %get3A_1 {offsets = [0, 0], sizes = [640, 128], strides = [1, 1]} : vector<640x640xi32> to vector<640x128xi32>
    %and3A = arith.constant -65536 : i32
    %and3A_5 = vector.broadcast %and3A : i32 to vector<640x128xi32>
    %and3A_6 = arith.andi %slice3A, %and3A_5 : vector<640x128xi32>
    %bitcast_convert_type3A = tpu.bitcast %and3A_6 : vector<640x128xi32> -> vector<640x128xf32>
    %slice3A_7 = vector.extract_strided_slice %get3A_1 {offsets = [0, 0], sizes = [640, 128], strides = [1, 1]} : vector<640x640xi32> to vector<640x128xi32>
    %shift_left3A = arith.constant 16 : i32
    %shift_left3A_8 = vector.broadcast %shift_left3A : i32 to vector<640x128xi32>
    %shift_left3A_9 = arith.shli %slice3A_7, %shift_left3A_8 : vector<640x128xi32>
    %bitcast_convert_type3A_10 = tpu.bitcast %shift_left3A_9 : vector<640x128xi32> -> vector<640x128xf32>
    %slice3A_11 = vector.extract_strided_slice %get3A_1 {offsets = [0, 128], sizes = [640, 128], strides = [1, 1]} : vector<640x640xi32> to vector<640x128xi32>
    %and3A_12 = arith.constant -65536 : i32
    %and3A_13 = vector.broadcast %and3A_12 : i32 to vector<640x128xi32>
    %and3A_14 = arith.andi %slice3A_11, %and3A_13 : vector<640x128xi32>
    %bitcast_convert_type3A_15 = tpu.bitcast %and3A_14 : vector<640x128xi32> -> vector<640x128xf32>
    %slice3A_16 = vector.extract_strided_slice %get3A_1 {offsets = [0, 128], sizes = [640, 128], strides = [1, 1]} : vector<640x640xi32> to vector<640x128xi32>
    %shift_left3A_17 = arith.constant 16 : i32
    %shift_left3A_18 = vector.broadcast %shift_left3A_17 : i32 to vector<640x128xi32>
    %shift_left3A_19 = arith.shli %slice3A_16, %shift_left3A_18 : vector<640x128xi32>
    %bitcast_convert_type3A_20 = tpu.bitcast %shift_left3A_19 : vector<640x128xi32> -> vector<640x128xf32>
    %slice3A_21 = vector.extract_strided_slice %get3A_1 {offsets = [0, 256], sizes = [640, 128], strides = [1, 1]} : vector<640x640xi32> to vector<640x128xi32>
    %and3A_22 = arith.constant -65536 : i32
    %and3A_23 = vector.broadcast %and3A_22 : i32 to vector<640x128xi32>
    %and3A_24 = arith.andi %slice3A_21, %and3A_23 : vector<640x128xi32>
    %bitcast_convert_type3A_25 = tpu.bitcast %and3A_24 : vector<640x128xi32> -> vector<640x128xf32>
    %slice3A_26 = vector.extract_strided_slice %get3A_1 {offsets = [0, 256], sizes = [640, 128], strides = [1, 1]} : vector<640x640xi32> to vector<640x128xi32>
    %shift_left3A_27 = arith.constant 16 : i32
    %shift_left3A_28 = vector.broadcast %shift_left3A_27 : i32 to vector<640x128xi32>
    %shift_left3A_29 = arith.shli %slice3A_26, %shift_left3A_28 : vector<640x128xi32>
    %bitcast_convert_type3A_30 = tpu.bitcast %shift_left3A_29 : vector<640x128xi32> -> vector<640x128xf32>
    %slice3A_31 = vector.extract_strided_slice %get3A_1 {offsets = [0, 384], sizes = [640, 128], strides = [1, 1]} : vector<640x640xi32> to vector<640x128xi32>
    %and3A_32 = arith.constant -65536 : i32
    %and3A_33 = vector.broadcast %and3A_32 : i32 to vector<640x128xi32>
    %and3A_34 = arith.andi %slice3A_31, %and3A_33 : vector<640x128xi32>
    %bitcast_convert_type3A_35 = tpu.bitcast %and3A_34 : vector<640x128xi32> -> vector<640x128xf32>
    %slice3A_36 = vector.extract_strided_slice %get3A_1 {offsets = [0, 384], sizes = [640, 128], strides = [1, 1]} : vector<640x640xi32> to vector<640x128xi32>
    %shift_left3A_37 = arith.constant 16 : i32
    %shift_left3A_38 = vector.broadcast %shift_left3A_37 : i32 to vector<640x128xi32>
    %shift_left3A_39 = arith.shli %slice3A_36, %shift_left3A_38 : vector<640x128xi32>
    %bitcast_convert_type3A_40 = tpu.bitcast %shift_left3A_39 : vector<640x128xi32> -> vector<640x128xf32>
    %slice3A_41 = vector.extract_strided_slice %get3A_1 {offsets = [0, 512], sizes = [640, 128], strides = [1, 1]} : vector<640x640xi32> to vector<640x128xi32>
    %and3A_42 = arith.constant -65536 : i32
    %and3A_43 = vector.broadcast %and3A_42 : i32 to vector<640x128xi32>
    %and3A_44 = arith.andi %slice3A_41, %and3A_43 : vector<640x128xi32>
    %bitcast_convert_type3A_45 = tpu.bitcast %and3A_44 : vector<640x128xi32> -> vector<640x128xf32>
    %slice3A_46 = vector.extract_strided_slice %get3A_1 {offsets = [0, 512], sizes = [640, 128], strides = [1, 1]} : vector<640x640xi32> to vector<640x128xi32>
    %shift_left3A_47 = arith.constant 16 : i32
    %shift_left3A_48 = vector.broadcast %shift_left3A_47 : i32 to vector<640x128xi32>
    %shift_left3A_49 = arith.shli %slice3A_46, %shift_left3A_48 : vector<640x128xi32>
    %bitcast_convert_type3A_50 = tpu.bitcast %shift_left3A_49 : vector<640x128xi32> -> vector<640x128xf32>
    %slice3A_51 = vector.extract_strided_slice %get3A_4 {offsets = [0, 0], sizes = [640, 128], strides = [1, 1]} : vector<640x512xi32> to vector<640x128xi32>
    %and3A_52 = arith.constant -65536 : i32
    %and3A_53 = vector.broadcast %and3A_52 : i32 to vector<640x128xi32>
    %and3A_54 = arith.andi %slice3A_51, %and3A_53 : vector<640x128xi32>
    %bitcast_convert_type3A_55 = tpu.bitcast %and3A_54 : vector<640x128xi32> -> vector<640x128xf32>
    %slice3A_56 = vector.extract_strided_slice %get3A_4 {offsets = [0, 0], sizes = [640, 128], strides = [1, 1]} : vector<640x512xi32> to vector<640x128xi32>
    %shift_left3A_57 = arith.constant 16 : i32
    %shift_left3A_58 = vector.broadcast %shift_left3A_57 : i32 to vector<640x128xi32>
    %shift_left3A_59 = arith.shli %slice3A_56, %shift_left3A_58 : vector<640x128xi32>
    %bitcast_convert_type3A_60 = tpu.bitcast %shift_left3A_59 : vector<640x128xi32> -> vector<640x128xf32>
    %slice3A_61 = vector.extract_strided_slice %get3A_4 {offsets = [0, 128], sizes = [640, 128], strides = [1, 1]} : vector<640x512xi32> to vector<640x128xi32>
    %and3A_62 = arith.constant -65536 : i32
    %and3A_63 = vector.broadcast %and3A_62 : i32 to vector<640x128xi32>
    %and3A_64 = arith.andi %slice3A_61, %and3A_63 : vector<640x128xi32>
    %bitcast_convert_type3A_65 = tpu.bitcast %and3A_64 : vector<640x128xi32> -> vector<640x128xf32>
    %slice3A_66 = vector.extract_strided_slice %get3A_4 {offsets = [0, 128], sizes = [640, 128], strides = [1, 1]} : vector<640x512xi32> to vector<640x128xi32>
    %shift_left3A_67 = arith.constant 16 : i32
    %shift_left3A_68 = vector.broadcast %shift_left3A_67 : i32 to vector<640x128xi32>
    %shift_left3A_69 = arith.shli %slice3A_66, %shift_left3A_68 : vector<640x128xi32>
    %bitcast_convert_type3A_70 = tpu.bitcast %shift_left3A_69 : vector<640x128xi32> -> vector<640x128xf32>
    %slice3A_71 = vector.extract_strided_slice %get3A_4 {offsets = [0, 256], sizes = [640, 128], strides = [1, 1]} : vector<640x512xi32> to vector<640x128xi32>
    %and3A_72 = arith.constant -65536 : i32
    %and3A_73 = vector.broadcast %and3A_72 : i32 to vector<640x128xi32>
    %and3A_74 = arith.andi %slice3A_71, %and3A_73 : vector<640x128xi32>
    %bitcast_convert_type3A_75 = tpu.bitcast %and3A_74 : vector<640x128xi32> -> vector<640x128xf32>
    %slice3A_76 = vector.extract_strided_slice %get3A_4 {offsets = [0, 256], sizes = [640, 128], strides = [1, 1]} : vector<640x512xi32> to vector<640x128xi32>
    %shift_left3A_77 = arith.constant 16 : i32
    %shift_left3A_78 = vector.broadcast %shift_left3A_77 : i32 to vector<640x128xi32>
    %shift_left3A_79 = arith.shli %slice3A_76, %shift_left3A_78 : vector<640x128xi32>
    %bitcast_convert_type3A_80 = tpu.bitcast %shift_left3A_79 : vector<640x128xi32> -> vector<640x128xf32>
    %slice3A_81 = vector.extract_strided_slice %get3A_4 {offsets = [0, 384], sizes = [640, 128], strides = [1, 1]} : vector<640x512xi32> to vector<640x128xi32>
    %and3A_82 = arith.constant -65536 : i32
    %and3A_83 = vector.broadcast %and3A_82 : i32 to vector<640x128xi32>
    %and3A_84 = arith.andi %slice3A_81, %and3A_83 : vector<640x128xi32>
    %bitcast_convert_type3A_85 = tpu.bitcast %and3A_84 : vector<640x128xi32> -> vector<640x128xf32>
    %slice3A_86 = vector.extract_strided_slice %get3A_4 {offsets = [0, 384], sizes = [640, 128], strides = [1, 1]} : vector<640x512xi32> to vector<640x128xi32>
    %shift_left3A_87 = arith.constant 16 : i32
    %shift_left3A_88 = vector.broadcast %shift_left3A_87 : i32 to vector<640x128xi32>
    %shift_left3A_89 = arith.shli %slice3A_86, %shift_left3A_88 : vector<640x128xi32>
    %bitcast_convert_type3A_90 = tpu.bitcast %shift_left3A_89 : vector<640x128xi32> -> vector<640x128xf32>
    %get3A_91 = arith.constant 0 : index
    %get3A_92 = arith.constant 0 : index
    %get3A_93 = vector.load %arg3[%get3A_91, %get3A_92] : memref<640x128xf32, #tpu.memory_space<vmem>>, vector<640x128xf32>
    %get3A_94 = arith.constant 0 : index
    %get3A_95 = arith.constant 0 : index
    %get3A_96 = vector.load %arg8[%get3A_94, %get3A_95] : memref<128x128xf32, #tpu.memory_space<vmem>>, vector<128x128xf32>
    %dot_general3A = arith.constant dense<0.000000e+00> : vector<640x128xf32>
    %dot_general3A_97 = tpu.matmul %get3A_93, %get3A_96, %dot_general3A {dimension_numbers = #tpu.dot_dimension_numbers<[1], [0], [0], [1], [0, 0, 1, 1], [], []>, transpose_lhs_hint = false} : vector<640x128xf32>, vector<128x128xf32>, vector<640x128xf32> -> vector<640x128xf32>
    %get3A_98 = arith.constant 0 : index
    %get3A_99 = arith.constant 0 : index
    %get3A_100 = vector.load %arg9[%get3A_98, %get3A_99] : memref<1x128xf32, #tpu.memory_space<vmem>>, vector<1x128xf32>
    %add3A = vector.broadcast %get3A_100 : vector<1x128xf32> to vector<640x128xf32>
    %add3A_101 = arith.addf %dot_general3A_97, %add3A : vector<640x128xf32>
    %logistic3A = arith.negf %add3A_101 : vector<640x128xf32>
    %logistic3A_102 = math.exp %logistic3A : vector<640x128xf32>
    %logistic3A_103 = arith.constant 1.000000e+00 : f32
    %logistic3A_104 = vector.broadcast %logistic3A_103 : f32 to vector<640x128xf32>
    %logistic3A_105 = arith.addf %logistic3A_104, %logistic3A_102 : vector<640x128xf32>
    %logistic3A_106 = arith.divf %logistic3A_104, %logistic3A_105 : vector<640x128xf32>
    %mul3A = arith.mulf %add3A_101, %logistic3A_106 : vector<640x128xf32>
    %get3A_107 = arith.constant 0 : index
    %get3A_108 = arith.constant 0 : index
    %get3A_109 = vector.load %arg10[%get3A_107, %get3A_108] : memref<128x128xf32, #tpu.memory_space<vmem>>, vector<128x128xf32>
    %dot_general3A_110 = arith.constant dense<0.000000e+00> : vector<640x128xf32>
    %dot_general3A_111 = tpu.matmul %get3A_93, %get3A_109, %dot_general3A_110 {dimension_numbers = #tpu.dot_dimension_numbers<[1], [0], [0], [1], [0, 0, 1, 1], [], []>, transpose_lhs_hint = false} : vector<640x128xf32>, vector<128x128xf32>, vector<640x128xf32> -> vector<640x128xf32>
    %get3A_112 = arith.constant 0 : index
    %get3A_113 = arith.constant 0 : index
    %get3A_114 = vector.load %arg11[%get3A_112, %get3A_113] : memref<1x128xf32, #tpu.memory_space<vmem>>, vector<1x128xf32>
    %add3A_115 = vector.broadcast %get3A_114 : vector<1x128xf32> to vector<640x128xf32>
    %add3A_116 = arith.addf %dot_general3A_111, %add3A_115 : vector<640x128xf32>
    %logistic3A_117 = arith.negf %add3A_116 : vector<640x128xf32>
    %logistic3A_118 = math.exp %logistic3A_117 : vector<640x128xf32>
    %logistic3A_119 = arith.constant 1.000000e+00 : f32
    %logistic3A_120 = vector.broadcast %logistic3A_119 : f32 to vector<640x128xf32>
    %logistic3A_121 = arith.addf %logistic3A_120, %logistic3A_118 : vector<640x128xf32>
    %logistic3A_122 = arith.divf %logistic3A_120, %logistic3A_121 : vector<640x128xf32>
    %mul3A_123 = arith.mulf %add3A_116, %logistic3A_122 : vector<640x128xf32>
    %get3A_124 = arith.constant 0 : index
    %get3A_125 = arith.constant 0 : index
    %get3A_126 = vector.load %arg12[%get3A_124, %get3A_125] : memref<128x256xf32, #tpu.memory_space<vmem>>, vector<128x256xf32>
    %dot_general3A_127 = arith.constant dense<0.000000e+00> : vector<640x256xf32>
    %dot_general3A_128 = tpu.matmul %get3A_93, %get3A_126, %dot_general3A_127 {dimension_numbers = #tpu.dot_dimension_numbers<[1], [0], [0], [1], [0, 0, 1, 1], [], []>, transpose_lhs_hint = false} : vector<640x128xf32>, vector<128x256xf32>, vector<640x256xf32> -> vector<640x256xf32>
    %get3A_129 = arith.constant 0 : index
    %get3A_130 = arith.constant 0 : index
    %get3A_131 = vector.load %arg13[%get3A_129, %get3A_130] : memref<1x256xf32, #tpu.memory_space<vmem>>, vector<1x256xf32>
    %add3A_132 = vector.broadcast %get3A_131 : vector<1x256xf32> to vector<640x256xf32>
    %add3A_133 = arith.addf %dot_general3A_128, %add3A_132 : vector<640x256xf32>
    %logistic3A_134 = arith.negf %add3A_133 : vector<640x256xf32>
    %logistic3A_135 = math.exp %logistic3A_134 : vector<640x256xf32>
    %logistic3A_136 = arith.constant 1.000000e+00 : f32
    %logistic3A_137 = vector.broadcast %logistic3A_136 : f32 to vector<640x256xf32>
    %logistic3A_138 = arith.addf %logistic3A_137, %logistic3A_135 : vector<640x256xf32>
    %logistic3A_139 = arith.divf %logistic3A_137, %logistic3A_138 : vector<640x256xf32>
    %mul3A_140 = arith.mulf %add3A_133, %logistic3A_139 : vector<640x256xf32>
    %mul3A_141 = arith.mulf %bitcast_convert_type3A, %bitcast_convert_type3A_55 : vector<640x128xf32>
    %mul3A_142 = arith.mulf %mul3A_141, %mul3A : vector<640x128xf32>
    %get3A_143 = arith.constant 0 : index
    %get3A_144 = arith.constant 0 : index
    %get3A_145 = vector.load %arg16[%get3A_143, %get3A_144] : memref<128x128xf32, #tpu.memory_space<vmem>>, vector<128x128xf32>
    %dot_general3A_146 = arith.constant dense<0.000000e+00> : vector<640x128xf32>
    %dot_general3A_147 = tpu.matmul %mul3A_142, %get3A_145, %dot_general3A_146 {dimension_numbers = #tpu.dot_dimension_numbers<[1], [0], [0], [1], [0, 0, 1, 1], [], []>, transpose_lhs_hint = false} : vector<640x128xf32>, vector<128x128xf32>, vector<640x128xf32> -> vector<640x128xf32>
    %logistic3A_148 = arith.negf %dot_general3A_147 : vector<640x128xf32>
    %logistic3A_149 = math.exp %logistic3A_148 : vector<640x128xf32>
    %logistic3A_150 = arith.constant 1.000000e+00 : f32
    %logistic3A_151 = vector.broadcast %logistic3A_150 : f32 to vector<640x128xf32>
    %logistic3A_152 = arith.addf %logistic3A_151, %logistic3A_149 : vector<640x128xf32>
    %logistic3A_153 = arith.divf %logistic3A_151, %logistic3A_152 : vector<640x128xf32>
    %mul3A_154 = arith.mulf %dot_general3A_147, %logistic3A_153 : vector<640x128xf32>
    %get3A_155 = arith.constant 0 : index
    %get3A_156 = arith.constant 0 : index
    %get3A_157 = vector.load %arg4[%get3A_155, %get3A_156] : memref<640x1xf32, #tpu.memory_space<vmem>>, vector<640x1xf32>
    %mul3A_158 = vector.broadcast %get3A_157 : vector<640x1xf32> to vector<640x128xf32>
    %mul3A_159 = arith.mulf %mul3A_154, %mul3A_158 : vector<640x128xf32>
    %mul3A_160 = arith.mulf %bitcast_convert_type3A_60, %mul3A_123 : vector<640x128xf32>
    %mul3A_161 = arith.mulf %mul3A_160, %mul3A_159 : vector<640x128xf32>
    %swap3A = arith.constant 0 : index
    %swap3A_162 = arith.constant 0 : index
    %swap3A_163 = vector.load %arg17[%swap3A, %swap3A_162] : memref<640x128xf32, #tpu.memory_space<vmem>>, vector<640x128xf32>
    tpu.vector_store %arg17[%swap3A, %swap3A_162], %mul3A_161 {strides = array<i32>} : memref<640x128xf32, #tpu.memory_space<vmem>>, vector<640x128xf32>,
    %get3A_164 = arith.constant 0 : index
    %get3A_165 = arith.constant 0 : index
    %get3A_166 = vector.load %arg14[%get3A_164, %get3A_165] : memref<128x256xf32, #tpu.memory_space<vmem>>, vector<128x256xf32>
    %dot_general3A_167 = arith.constant dense<0.000000e+00> : vector<640x256xf32>
    %dot_general3A_168 = tpu.matmul %mul3A_161, %get3A_166, %dot_general3A_167 {dimension_numbers = #tpu.dot_dimension_numbers<[1], [0], [0], [1], [0, 0, 1, 1], [], []>, transpose_lhs_hint = false} : vector<640x128xf32>, vector<128x256xf32>, vector<640x256xf32> -> vector<640x256xf32>
    %get3A_169 = arith.constant 0 : index
    %get3A_170 = arith.constant 0 : index
    %get3A_171 = vector.load %arg15[%get3A_169, %get3A_170] : memref<1x256xf32, #tpu.memory_space<vmem>>, vector<1x256xf32>
    %add3A_172 = vector.broadcast %get3A_171 : vector<1x256xf32> to vector<640x256xf32>
    %add3A_173 = arith.addf %dot_general3A_168, %add3A_172 : vector<640x256xf32>
    %logistic3A_174 = arith.negf %add3A_173 : vector<640x256xf32>
    %logistic3A_175 = math.exp %logistic3A_174 : vector<640x256xf32>
    %logistic3A_176 = arith.constant 1.000000e+00 : f32
    %logistic3A_177 = vector.broadcast %logistic3A_176 : f32 to vector<640x256xf32>
    %logistic3A_178 = arith.addf %logistic3A_177, %logistic3A_175 : vector<640x256xf32>
    %logistic3A_179 = arith.divf %logistic3A_177, %logistic3A_178 : vector<640x256xf32>
    %mul3A_180 = arith.mulf %add3A_173, %logistic3A_179 : vector<640x256xf32>
    %slice3A_181 = vector.extract_strided_slice %mul3A_180 {offsets = [0, 0], sizes = [640, 128], strides = [1, 1]} : vector<640x256xf32> to vector<640x128xf32>
    %slice3A_182 = vector.extract_strided_slice %mul3A_180 {offsets = [0, 128], sizes = [640, 128], strides = [1, 1]} : vector<640x256xf32> to vector<640x128xf32>
    %get3A_183 = arith.constant 0 : index
    %get3A_184 = arith.constant 0 : index
    %get3A_185 = vector.load %arg5[%get3A_183, %get3A_184] : memref<640x1xf32, #tpu.memory_space<vmem>>, vector<640x1xf32>
    %get3A_186 = arith.constant 0 : index
    %get3A_187 = arith.constant 0 : index
    %get3A_188 = vector.load %arg6[%get3A_186, %get3A_187] : memref<640x1xf32, #tpu.memory_space<vmem>>, vector<640x1xf32>
    %get3A_189 = arith.constant 0 : index
    %get3A_190 = arith.constant 0 : index
    %get3A_191 = vector.load %arg7[%get3A_189, %get3A_190] : memref<640x1xf32, #tpu.memory_space<vmem>>, vector<640x1xf32>
    %broadcast_in_dim3A = arith.constant 0.000000e+00 : f32
    %broadcast_in_dim3A_192 = vector.broadcast %broadcast_in_dim3A : f32 to vector<640x128xf32>
    %broadcast_in_dim3A_193 = arith.constant 0.000000e+00 : f32
    %broadcast_in_dim3A_194 = vector.broadcast %broadcast_in_dim3A_193 : f32 to vector<640x128xf32>
    %broadcast_in_dim3A_195 = arith.constant 0.000000e+00 : f32
    %broadcast_in_dim3A_196 = vector.broadcast %broadcast_in_dim3A_195 : f32 to vector<640x128xf32>
    %broadcast_in_dim3A_197 = arith.constant 0.000000e+00 : f32
    %broadcast_in_dim3A_198 = vector.broadcast %broadcast_in_dim3A_197 : f32 to vector<640x128xf32>
    %mul3A_199 = arith.mulf %bitcast_convert_type3A_65, %slice3A_181 : vector<640x128xf32>
    %mul3A_200 = vector.broadcast %get3A_185 : vector<640x1xf32> to vector<640x128xf32>
    %mul3A_201 = arith.mulf %slice3A_182, %mul3A_200 : vector<640x128xf32>
    %add3A_202 = arith.addf %mul3A_199, %mul3A_201 : vector<640x128xf32>
    %swap3A_203 = arith.constant 0 : index
    %swap3A_204 = arith.constant 0 : index
    %swap3A_205 = vector.load %arg18[%swap3A_203, %swap3A_204] : memref<640x128xf32, #tpu.memory_space<vmem>>, vector<640x128xf32>
    tpu.vector_store %arg18[%swap3A_203, %swap3A_204], %add3A_202 {strides = array<i32>} : memref<640x128xf32, #tpu.memory_space<vmem>>, vector<640x128xf32>,
    %mul3A_206 = vector.broadcast %get3A_185 : vector<640x1xf32> to vector<640x128xf32>
    %mul3A_207 = arith.mulf %bitcast_convert_type3A_10, %mul3A_206 : vector<640x128xf32>
    %add3A_208 = arith.addf %broadcast_in_dim3A_192, %mul3A_207 : vector<640x128xf32>
    %mul3A_209 = vector.broadcast %get3A_185 : vector<640x1xf32> to vector<640x128xf32>
    %mul3A_210 = arith.mulf %bitcast_convert_type3A_80, %mul3A_209 : vector<640x128xf32>
    %add3A_211 = arith.addf %broadcast_in_dim3A_194, %mul3A_210 : vector<640x128xf32>
    %mul3A_212 = vector.broadcast %get3A_185 : vector<640x1xf32> to vector<640x128xf32>
    %mul3A_213 = arith.mulf %bitcast_convert_type3A_25, %mul3A_212 : vector<640x128xf32>
    %add3A_214 = arith.addf %broadcast_in_dim3A_196, %mul3A_213 : vector<640x128xf32>
    %mul3A_215 = vector.broadcast %get3A_185 : vector<640x1xf32> to vector<640x128xf32>
    %mul3A_216 = arith.mulf %bitcast_convert_type3A_40, %mul3A_215 : vector<640x128xf32>
    %add3A_217 = arith.addf %broadcast_in_dim3A_198, %mul3A_216 : vector<640x128xf32>
    %mul3A_218 = arith.mulf %bitcast_convert_type3A_70, %slice3A_181 : vector<640x128xf32>
    %mul3A_219 = vector.broadcast %get3A_188 : vector<640x1xf32> to vector<640x128xf32>
    %mul3A_220 = arith.mulf %slice3A_182, %mul3A_219 : vector<640x128xf32>
    %add3A_221 = arith.addf %mul3A_218, %mul3A_220 : vector<640x128xf32>
    %swap3A_222 = arith.constant 0 : index
    %swap3A_223 = arith.constant 0 : index
    %swap3A_224 = vector.load %arg19[%swap3A_222, %swap3A_223] : memref<640x128xf32, #tpu.memory_space<vmem>>, vector<640x128xf32>
    tpu.vector_store %arg19[%swap3A_222, %swap3A_223], %add3A_221 {strides = array<i32>} : memref<640x128xf32, #tpu.memory_space<vmem>>, vector<640x128xf32>,
    %mul3A_225 = vector.broadcast %get3A_188 : vector<640x1xf32> to vector<640x128xf32>
    %mul3A_226 = arith.mulf %bitcast_convert_type3A_15, %mul3A_225 : vector<640x128xf32>
    %add3A_227 = arith.addf %add3A_208, %mul3A_226 : vector<640x128xf32>
    %mul3A_228 = vector.broadcast %get3A_188 : vector<640x1xf32> to vector<640x128xf32>
    %mul3A_229 = arith.mulf %bitcast_convert_type3A_85, %mul3A_228 : vector<640x128xf32>
    %add3A_230 = arith.addf %add3A_211, %mul3A_229 : vector<640x128xf32>
    %mul3A_231 = vector.broadcast %get3A_188 : vector<640x1xf32> to vector<640x128xf32>
    %mul3A_232 = arith.mulf %bitcast_convert_type3A_30, %mul3A_231 : vector<640x128xf32>
    %add3A_233 = arith.addf %add3A_214, %mul3A_232 : vector<640x128xf32>
    %mul3A_234 = vector.broadcast %get3A_188 : vector<640x1xf32> to vector<640x128xf32>
    %mul3A_235 = arith.mulf %bitcast_convert_type3A_45, %mul3A_234 : vector<640x128xf32>
    %add3A_236 = arith.addf %add3A_217, %mul3A_235 : vector<640x128xf32>
    %mul3A_237 = arith.mulf %bitcast_convert_type3A_75, %slice3A_181 : vector<640x128xf32>
    %mul3A_238 = vector.broadcast %get3A_191 : vector<640x1xf32> to vector<640x128xf32>
    %mul3A_239 = arith.mulf %slice3A_182, %mul3A_238 : vector<640x128xf32>
    %add3A_240 = arith.addf %mul3A_237, %mul3A_239 : vector<640x128xf32>
    %swap3A_241 = arith.constant 0 : index
    %swap3A_242 = arith.constant 0 : index
    %swap3A_243 = vector.load %arg20[%swap3A_241, %swap3A_242] : memref<640x128xf32, #tpu.memory_space<vmem>>, vector<640x128xf32>
    tpu.vector_store %arg20[%swap3A_241, %swap3A_242], %add3A_240 {strides = array<i32>} : memref<640x128xf32, #tpu.memory_space<vmem>>, vector<640x128xf32>,
    %mul3A_244 = vector.broadcast %get3A_191 : vector<640x1xf32> to vector<640x128xf32>
    %mul3A_245 = arith.mulf %bitcast_convert_type3A_20, %mul3A_244 : vector<640x128xf32>
    %add3A_246 = arith.addf %add3A_227, %mul3A_245 : vector<640x128xf32>
    %mul3A_247 = vector.broadcast %get3A_191 : vector<640x1xf32> to vector<640x128xf32>
    %mul3A_248 = arith.mulf %bitcast_convert_type3A_90, %mul3A_247 : vector<640x128xf32>
    %add3A_249 = arith.addf %add3A_230, %mul3A_248 : vector<640x128xf32>
    %mul3A_250 = vector.broadcast %get3A_191 : vector<640x1xf32> to vector<640x128xf32>
    %mul3A_251 = arith.mulf %bitcast_convert_type3A_35, %mul3A_250 : vector<640x128xf32>
    %add3A_252 = arith.addf %add3A_233, %mul3A_251 : vector<640x128xf32>
    %mul3A_253 = vector.broadcast %get3A_191 : vector<640x1xf32> to vector<640x128xf32>
    %mul3A_254 = arith.mulf %bitcast_convert_type3A_50, %mul3A_253 : vector<640x128xf32>
    %add3A_255 = arith.addf %add3A_236, %mul3A_254 : vector<640x128xf32>
    %neg3A = arith.constant 0.000000e+00 : f32
    %neg3A_256 = vector.broadcast %neg3A : f32 to vector<640x128xf32>
    %neg3A_257 = arith.subf %neg3A_256, %add3A_246 : vector<640x128xf32>
    %mul3A_258 = arith.mulf %neg3A_257, %add3A_249 : vector<640x128xf32>
    %neg3A_259 = arith.constant 0.000000e+00 : f32
    %neg3A_260 = vector.broadcast %neg3A_259 : f32 to vector<640x128xf32>
    %neg3A_261 = arith.subf %neg3A_260, %add3A_252 : vector<640x128xf32>
    %mul3A_262 = arith.mulf %neg3A_261, %add3A_255 : vector<640x128xf32>
    %mul3A_263 = arith.mulf %bitcast_convert_type3A_10, %bitcast_convert_type3A_80 : vector<640x128xf32>
    %add3A_264 = arith.addf %mul3A_258, %mul3A_263 : vector<640x128xf32>
    %mul3A_265 = arith.mulf %bitcast_convert_type3A_25, %bitcast_convert_type3A_40 : vector<640x128xf32>
    %add3A_266 = arith.addf %mul3A_262, %mul3A_265 : vector<640x128xf32>
    %mul3A_267 = arith.mulf %bitcast_convert_type3A_15, %bitcast_convert_type3A_85 : vector<640x128xf32>
    %add3A_268 = arith.addf %add3A_264, %mul3A_267 : vector<640x128xf32>
    %mul3A_269 = arith.mulf %bitcast_convert_type3A_30, %bitcast_convert_type3A_45 : vector<640x128xf32>
    %add3A_270 = arith.addf %add3A_266, %mul3A_269 : vector<640x128xf32>
    %mul3A_271 = arith.mulf %bitcast_convert_type3A_20, %bitcast_convert_type3A_90 : vector<640x128xf32>
    %add3A_272 = arith.addf %add3A_268, %mul3A_271 : vector<640x128xf32>
    %mul3A_273 = arith.mulf %bitcast_convert_type3A_35, %bitcast_convert_type3A_50 : vector<640x128xf32>
    %add3A_274 = arith.addf %add3A_270, %mul3A_273 : vector<640x128xf32>
    %slice3A_275 = vector.extract_strided_slice %mul3A_140 {offsets = [0, 0], sizes = [640, 128], strides = [1, 1]} : vector<640x256xf32> to vector<640x128xf32>
    %mul3A_276 = arith.mulf %slice3A_275, %add3A_272 : vector<640x128xf32>
    %slice3A_277 = vector.extract_strided_slice %mul3A_140 {offsets = [0, 128], sizes = [640, 128], strides = [1, 1]} : vector<640x256xf32> to vector<640x128xf32>
    %mul3A_278 = arith.mulf %slice3A_277, %add3A_274 : vector<640x128xf32>
    %add3A_279 = arith.addf %mul3A_276, %mul3A_278 : vector<640x128xf32>
    %swap3A_280 = arith.constant 0 : index
    %swap3A_281 = arith.constant 0 : index
    %swap3A_282 = vector.load %arg21[%swap3A_280, %swap3A_281] : memref<640x128xf32, #tpu.memory_space<vmem>>, vector<640x128xf32>
    tpu.vector_store %arg21[%swap3A_280, %swap3A_281], %add3A_279 {strides = array<i32>} : memref<640x128xf32, #tpu.memory_space<vmem>>, vector<640x128xf32>,
    return
  }
  func.func @transform_0(%arg0: i32) -> (i32, i32) {
    %c0_i32 = arith.constant 0 : i32
    %c0_i32_0 = arith.constant 0 : i32
    return %arg0, %c0_i32 : i32, i32
  }
  func.func @transform_1(%arg0: i32) -> (i32, i32) {
    %c0_i32 = arith.constant 0 : i32
    %c0_i32_0 = arith.constant 0 : i32
    return %arg0, %c0_i32 : i32, i32
  }
  func.func @transform_2(%arg0: i32) -> (i32, i32) {
    %c0_i32 = arith.constant 0 : i32
    %c0_i32_0 = arith.constant 0 : i32
    return %arg0, %c0_i32 : i32, i32
  }
  func.func @transform_3(%arg0: i32) -> (i32, i32) {
    %c0_i32 = arith.constant 0 : i32
    %c0_i32_0 = arith.constant 0 : i32
    return %arg0, %c0_i32 : i32, i32
  }
  func.func @transform_4(%arg0: i32) -> (i32, i32) {
    %c0_i32 = arith.constant 0 : i32
    %c0_i32_0 = arith.constant 0 : i32
    return %arg0, %c0_i32 : i32, i32
  }
  func.func @transform_5(%arg0: i32) -> (i32, i32) {
    %c0_i32 = arith.constant 0 : i32
    %c0_i32_0 = arith.constant 0 : i32
    return %arg0, %c0_i32 : i32, i32
  }
  func.func @transform_6(%arg0: i32) -> (i32, i32) {
    %c0_i32 = arith.constant 0 : i32
    %c0_i32_0 = arith.constant 0 : i32
    return %arg0, %c0_i32 : i32, i32
  }
  func.func @transform_7(%arg0: i32) -> (i32, i32) {
    %c0_i32 = arith.constant 0 : i32
    %c0_i32_0 = arith.constant 0 : i32
    %c0_i32_1 = arith.constant 0 : i32
    return %c0_i32, %c0_i32_0 : i32, i32
  }
  func.func @transform_8(%arg0: i32) -> (i32, i32) {
    %c0_i32 = arith.constant 0 : i32
    %c0_i32_0 = arith.constant 0 : i32
    %c0_i32_1 = arith.constant 0 : i32
    return %c0_i32, %c0_i32_0 : i32, i32
  }
  func.func @transform_9(%arg0: i32) -> (i32, i32) {
    %c0_i32 = arith.constant 0 : i32
    %c0_i32_0 = arith.constant 0 : i32
    %c0_i32_1 = arith.constant 0 : i32
    return %c0_i32, %c0_i32_0 : i32, i32
  }
  func.func @transform_10(%arg0: i32) -> (i32, i32) {
    %c0_i32 = arith.constant 0 : i32
    %c0_i32_0 = arith.constant 0 : i32
    %c0_i32_1 = arith.constant 0 : i32
    return %c0_i32, %c0_i32_0 : i32, i32
  }
  func.func @transform_11(%arg0: i32) -> (i32, i32) {
    %c0_i32 = arith.constant 0 : i32
    %c0_i32_0 = arith.constant 0 : i32
    %c0_i32_1 = arith.constant 0 : i32
    return %c0_i32, %c0_i32_0 : i32, i32
  }
  func.func @transform_12(%arg0: i32) -> (i32, i32) {
    %c0_i32 = arith.constant 0 : i32
    %c0_i32_0 = arith.constant 0 : i32
    %c0_i32_1 = arith.constant 0 : i32
    return %c0_i32, %c0_i32_0 : i32, i32
  }
  func.func @transform_13(%arg0: i32) -> (i32, i32) {
    %c0_i32 = arith.constant 0 : i32
    %c0_i32_0 = arith.constant 0 : i32
    %c0_i32_1 = arith.constant 0 : i32
    return %c0_i32, %c0_i32_0 : i32, i32
  }
  func.func @transform_14(%arg0: i32) -> (i32, i32) {
    %c0_i32 = arith.constant 0 : i32
    %c0_i32_0 = arith.constant 0 : i32
    %c0_i32_1 = arith.constant 0 : i32
    return %c0_i32, %c0_i32_0 : i32, i32
  }
  func.func @transform_15(%arg0: i32) -> (i32, i32) {
    %c0_i32 = arith.constant 0 : i32
    %c0_i32_0 = arith.constant 0 : i32
    %c0_i32_1 = arith.constant 0 : i32
    return %c0_i32, %c0_i32_0 : i32, i32
  }
  func.func @transform_16(%arg0: i32) -> (i32, i32) {
    %c0_i32 = arith.constant 0 : i32
    %c0_i32_0 = arith.constant 0 : i32
    return %arg0, %c0_i32 : i32, i32
  }
  func.func @transform_17(%arg0: i32) -> (i32, i32) {
    %c0_i32 = arith.constant 0 : i32
    %c0_i32_0 = arith.constant 0 : i32
    return %arg0, %c0_i32 : i32, i32
  }
  func.func @transform_18(%arg0: i32) -> (i32, i32) {
    %c0_i32 = arith.constant 0 : i32
    %c0_i32_0 = arith.constant 0 : i32
    return %arg0, %c0_i32 : i32, i32
  }
  func.func @transform_19(%arg0: i32) -> (i32, i32) {
    %c0_i32 = arith.constant 0 : i32
    %c0_i32_0 = arith.constant 0 : i32
    return %arg0, %c0_i32 : i32, i32
  }
  func.func @transform_20(%arg0: i32) -> (i32, i32) {
    %c0_i32 = arith.constant 0 : i32
    %c0_i32_0 = arith.constant 0 : i32
    return %arg0, %c0_i32 : i32, i32
  }
}

module attributes {stable_mosaic.version = 14 : i64} {
  func.func @_final_body(%arg0: i32, %arg1: memref<400x128xf32, #tpu.memory_space<vmem>>, %arg2: memref<400x128xf32, #tpu.memory_space<vmem>>, %arg3: memref<400x384xf32, #tpu.memory_space<vmem>>, %arg4: memref<400x128xf32, #tpu.memory_space<vmem>>, %arg5: memref<400x128xf32, #tpu.memory_space<vmem>>, %arg6: memref<400x128xf32, #tpu.memory_space<vmem>>, %arg7: memref<128x384xf32, #tpu.memory_space<vmem>>, %arg8: memref<1x384xf32, #tpu.memory_space<vmem>>, %arg9: memref<400x128xf32, #tpu.memory_space<vmem>>, %arg10: memref<400x128xf32, #tpu.memory_space<vmem>>, %arg11: memref<400x128xf32, #tpu.memory_space<vmem>>, %arg12: memref<400x128xf32, #tpu.memory_space<vmem>>) attributes {dimension_semantics = [#tpu.dimension_semantics<arbitrary>], iteration_bounds = array<i64: 25>, scalar_prefetch = 0 : i64, scratch_operands = 0 : i64, tpu.core_type = #tpu.core_type<tc>, window_params = [{transform_indices = @transform_0, window_bounds = array<i64: 400, 128>}, {transform_indices = @transform_1, window_bounds = array<i64: 400, 128>}, {transform_indices = @transform_2, window_bounds = array<i64: 400, 384>}, {transform_indices = @transform_3, window_bounds = array<i64: 400, 128>}, {transform_indices = @transform_4, window_bounds = array<i64: 400, 128>}, {transform_indices = @transform_5, window_bounds = array<i64: 400, 128>}, {pipeline_mode = #tpu.pipeline_mode<synchronous>, transform_indices = @transform_6, window_bounds = array<i64: 128, 384>}, {pipeline_mode = #tpu.pipeline_mode<synchronous>, transform_indices = @transform_7, window_bounds = array<i64: 1, 384>}, {transform_indices = @transform_8, window_bounds = array<i64: 400, 128>}, {transform_indices = @transform_9, window_bounds = array<i64: 400, 128>}, {transform_indices = @transform_10, window_bounds = array<i64: 400, 128>}, {transform_indices = @transform_11, window_bounds = array<i64: 400, 128>}]} {
    %get3A = arith.constant 0 : index
    %get3A_0 = arith.constant 0 : index
    %get3A_1 = vector.load %arg1[%get3A, %get3A_0] : memref<400x128xf32, #tpu.memory_space<vmem>>, vector<400x128xf32>
    %get3A_2 = arith.constant 0 : index
    %get3A_3 = arith.constant 0 : index
    %get3A_4 = vector.load %arg7[%get3A_2, %get3A_3] : memref<128x384xf32, #tpu.memory_space<vmem>>, vector<128x384xf32>
    %dot_general3A = arith.constant dense<0.000000e+00> : vector<400x384xf32>
    %dot_general3A_5 = tpu.matmul %get3A_1, %get3A_4, %dot_general3A {dimension_numbers = #tpu.dot_dimension_numbers<[1], [0], [0], [1], [0, 0, 1, 1], [], []>, transpose_lhs_hint = false} : vector<400x128xf32>, vector<128x384xf32>, vector<400x384xf32> -> vector<400x384xf32>
    %get3A_6 = arith.constant 0 : index
    %get3A_7 = arith.constant 0 : index
    %get3A_8 = vector.load %arg8[%get3A_6, %get3A_7] : memref<1x384xf32, #tpu.memory_space<vmem>>, vector<1x384xf32>
    %add3A = vector.broadcast %get3A_8 : vector<1x384xf32> to vector<400x384xf32>
    %add3A_9 = arith.addf %dot_general3A_5, %add3A : vector<400x384xf32>
    %slice3A = vector.extract_strided_slice %add3A_9 {offsets = [0, 0], sizes = [400, 128], strides = [1, 1]} : vector<400x384xf32> to vector<400x128xf32>
    %get3A_10 = arith.constant 0 : index
    %get3A_11 = arith.constant 0 : index
    %get3A_12 = vector.load %arg2[%get3A_10, %get3A_11] : memref<400x128xf32, #tpu.memory_space<vmem>>, vector<400x128xf32>
    %slice3A_13 = vector.extract_strided_slice %add3A_9 {offsets = [0, 128], sizes = [400, 128], strides = [1, 1]} : vector<400x384xf32> to vector<400x128xf32>
    %mul3A = arith.mulf %get3A_12, %slice3A_13 : vector<400x128xf32>
    %slice3A_14 = vector.extract_strided_slice %add3A_9 {offsets = [0, 256], sizes = [400, 128], strides = [1, 1]} : vector<400x384xf32> to vector<400x128xf32>
    %add3A_15 = arith.addf %mul3A, %slice3A_14 : vector<400x128xf32>
    %swap3A = arith.constant 0 : index
    %swap3A_16 = arith.constant 0 : index
    %swap3A_17 = vector.load %arg9[%swap3A, %swap3A_16] : memref<400x128xf32, #tpu.memory_space<vmem>>, vector<400x128xf32>
    tpu.vector_store %arg9[%swap3A, %swap3A_16], %add3A_15 {strides = array<i32>} : memref<400x128xf32, #tpu.memory_space<vmem>>, vector<400x128xf32>,
    %get3A_18 = arith.constant 0 : index
    %get3A_19 = arith.constant 0 : index
    %get3A_20 = vector.load %arg3[%get3A_18, %get3A_19] : memref<400x384xf32, #tpu.memory_space<vmem>>, vector<400x128xf32>
    %mul3A_21 = arith.mulf %get3A_20, %slice3A : vector<400x128xf32>
    %get3A_22 = arith.constant 0 : index
    %get3A_23 = arith.constant 0 : index
    %get3A_24 = vector.load %arg4[%get3A_22, %get3A_23] : memref<400x128xf32, #tpu.memory_space<vmem>>, vector<400x128xf32>
    %add3A_25 = arith.addf %mul3A_21, %get3A_24 : vector<400x128xf32>
    %swap3A_26 = arith.constant 0 : index
    %swap3A_27 = arith.constant 0 : index
    %swap3A_28 = vector.load %arg10[%swap3A_26, %swap3A_27] : memref<400x128xf32, #tpu.memory_space<vmem>>, vector<400x128xf32>
    tpu.vector_store %arg10[%swap3A_26, %swap3A_27], %add3A_25 {strides = array<i32>} : memref<400x128xf32, #tpu.memory_space<vmem>>, vector<400x128xf32>,
    %get3A_29 = arith.constant 0 : index
    %get3A_30 = arith.constant 128 : index
    %get3A_31 = vector.load %arg3[%get3A_29, %get3A_30] : memref<400x384xf32, #tpu.memory_space<vmem>>, vector<400x128xf32>
    %mul3A_32 = arith.mulf %get3A_31, %slice3A : vector<400x128xf32>
    %get3A_33 = arith.constant 0 : index
    %get3A_34 = arith.constant 0 : index
    %get3A_35 = vector.load %arg5[%get3A_33, %get3A_34] : memref<400x128xf32, #tpu.memory_space<vmem>>, vector<400x128xf32>
    %add3A_36 = arith.addf %mul3A_32, %get3A_35 : vector<400x128xf32>
    %swap3A_37 = arith.constant 0 : index
    %swap3A_38 = arith.constant 0 : index
    %swap3A_39 = vector.load %arg11[%swap3A_37, %swap3A_38] : memref<400x128xf32, #tpu.memory_space<vmem>>, vector<400x128xf32>
    tpu.vector_store %arg11[%swap3A_37, %swap3A_38], %add3A_36 {strides = array<i32>} : memref<400x128xf32, #tpu.memory_space<vmem>>, vector<400x128xf32>,
    %get3A_40 = arith.constant 0 : index
    %get3A_41 = arith.constant 256 : index
    %get3A_42 = vector.load %arg3[%get3A_40, %get3A_41] : memref<400x384xf32, #tpu.memory_space<vmem>>, vector<400x128xf32>
    %mul3A_43 = arith.mulf %get3A_42, %slice3A : vector<400x128xf32>
    %get3A_44 = arith.constant 0 : index
    %get3A_45 = arith.constant 0 : index
    %get3A_46 = vector.load %arg6[%get3A_44, %get3A_45] : memref<400x128xf32, #tpu.memory_space<vmem>>, vector<400x128xf32>
    %add3A_47 = arith.addf %mul3A_43, %get3A_46 : vector<400x128xf32>
    %swap3A_48 = arith.constant 0 : index
    %swap3A_49 = arith.constant 0 : index
    %swap3A_50 = vector.load %arg12[%swap3A_48, %swap3A_49] : memref<400x128xf32, #tpu.memory_space<vmem>>, vector<400x128xf32>
    tpu.vector_store %arg12[%swap3A_48, %swap3A_49], %add3A_47 {strides = array<i32>} : memref<400x128xf32, #tpu.memory_space<vmem>>, vector<400x128xf32>,
    return
  }
  func.func @transform_0(%arg0: i32) -> (i32, i32) {
    %c0_i32 = arith.constant 0 : i32
    %c0_i32_0 = arith.constant 0 : i32
    return %arg0, %c0_i32 : i32, i32
  }
  func.func @transform_1(%arg0: i32) -> (i32, i32) {
    %c0_i32 = arith.constant 0 : i32
    %c0_i32_0 = arith.constant 0 : i32
    return %arg0, %c0_i32 : i32, i32
  }
  func.func @transform_2(%arg0: i32) -> (i32, i32) {
    %c0_i32 = arith.constant 0 : i32
    %c0_i32_0 = arith.constant 0 : i32
    return %arg0, %c0_i32 : i32, i32
  }
  func.func @transform_3(%arg0: i32) -> (i32, i32) {
    %c0_i32 = arith.constant 0 : i32
    %c0_i32_0 = arith.constant 0 : i32
    return %arg0, %c0_i32 : i32, i32
  }
  func.func @transform_4(%arg0: i32) -> (i32, i32) {
    %c0_i32 = arith.constant 0 : i32
    %c0_i32_0 = arith.constant 0 : i32
    return %arg0, %c0_i32 : i32, i32
  }
  func.func @transform_5(%arg0: i32) -> (i32, i32) {
    %c0_i32 = arith.constant 0 : i32
    %c0_i32_0 = arith.constant 0 : i32
    return %arg0, %c0_i32 : i32, i32
  }
  func.func @transform_6(%arg0: i32) -> (i32, i32) {
    %c0_i32 = arith.constant 0 : i32
    %c0_i32_0 = arith.constant 0 : i32
    %c0_i32_1 = arith.constant 0 : i32
    return %c0_i32, %c0_i32_0 : i32, i32
  }
  func.func @transform_7(%arg0: i32) -> (i32, i32) {
    %c0_i32 = arith.constant 0 : i32
    %c0_i32_0 = arith.constant 0 : i32
    %c0_i32_1 = arith.constant 0 : i32
    return %c0_i32, %c0_i32_0 : i32, i32
  }
  func.func @transform_8(%arg0: i32) -> (i32, i32) {
    %c0_i32 = arith.constant 0 : i32
    %c0_i32_0 = arith.constant 0 : i32
    return %arg0, %c0_i32 : i32, i32
  }
  func.func @transform_9(%arg0: i32) -> (i32, i32) {
    %c0_i32 = arith.constant 0 : i32
    %c0_i32_0 = arith.constant 0 : i32
    return %arg0, %c0_i32 : i32, i32
  }
  func.func @transform_10(%arg0: i32) -> (i32, i32) {
    %c0_i32 = arith.constant 0 : i32
    %c0_i32_0 = arith.constant 0 : i32
    return %arg0, %c0_i32 : i32, i32
  }
  func.func @transform_11(%arg0: i32) -> (i32, i32) {
    %c0_i32 = arith.constant 0 : i32
    %c0_i32_0 = arith.constant 0 : i32
    return %arg0, %c0_i32 : i32, i32
  }
}

</mosaic_0001>

<sc_bundles>
// kernel: kernel.10.cloned.1.call-start
scs
__scs_entry_jumppad:
0x0: {  	(pc) =	sbr.rel $0x88, $3  }
0x1: {  	(tag) =	ssettag $0x0;
	lr =	simm.s32 $0x1  }
0x2: {  	[smem:$0x3F86] =	sst lr;
	_ =	strace $0xD0000000  }
0x3: {  	_ = 	snop  }
0x4: {  	_ = 	snop  }
0x5: {  	_ = 	snop  }
0x6: {  	_ = 	snop  }
0x7: {  	_ = 	snop  }
__scs_overlays_trampoline_lowered:
0x8: {  	[smem:$0x3F95] =	sst s0  }
0x9: {  	[smem:$0x3F96] =	sst s1  }
0xa: {  	[smem:$0x3F97] =	sst s2  }
0xb: {  	[smem:$0x3F98] =	sst s3  }
0xc: {  	[smem:$0x3F99] =	sst s4  }
0xd: {  	[smem:$0x3F9A] =	sst s5  }
0xe: {  	[smem:$0x3F9B] =	sst s6  }
0xf: {  	[smem:$0x3F9C] =	sst s7  }
0x10: {  	[smem:$0x3F9D] =	sst s8  }
0x11: {  	[smem:$0x3F9E] =	sst s9;
	s0 =	simm.s32 @!p0 $0x0  }
0x12: {  	s1 =	sld [smem:$0x3F84];
	s0 =	simm.s32 @p0 $0x1  }
0x13: {  	[smem:$0x3F9F] =	sst s0;
	s0 =	simm.s32 @!p1 $0x0  }
0x14: {  	s2 =	sld [smem:$0x3F83];
	s0 =	simm.s32 @p1 $0x1  }
0x15: {  	[smem:$0x3FA0] =	sst s0;
	s0 =	simm.s32 @!p2 $0x0  }
0x16: {  	s3 =	sld [smem:$0x3FDB];
	s0 =	simm.s32 @p2 $0x1  }
0x17: {  	s4 =	simm.s32 $0x1BF5;
	[smem:$0x3FA2] =	sst s0  }
0x18: {  	s0 =	sld [smem:$0x3F85];
	_ =	swait.ge [sflag:s4], $0x0  }
0x19: {  	s7 =	sld [smem:$0x3F86]  }
0x1a: {  	s8 =	sadd.s32 $0xFFFFE003, lr  }
0x1b: {  	s9 =	sadd.s32 $0xFFFFFEF7, lr;
	s5 =	simm.s32 $0xFFFFFFFF;
	p2 =	slt.u32 s8, $0xFFFFF086  }
0x1c: {  	p1 =	slt.u32 s9, $0xF7A;
	s5 =	simm.s32 @!p2 $0x0  }
0x1d: {  	s5 =	simm.s32 @p1 $0x1;
	p0 =	seq.s32 s7, s2  }
0x1e: {  	s7 =	smul.u32 @!p0 $0xF7A, s2;
	p2 =	seq.s32 @!p0 s5, $0x0  }
0x1f: {  	s9 =	smul.u32 $0xF7A, s1;
	s8 =	simm.s32 @!p0 $0x1BF5;
	p2 =	por !p2, p0  }
0x20: {  	[sflag:s8] =	ssyncset.s32 @!p0 $0xFFFFF086;
	s6 =	sadd.s32 @!p0 s3, s7;
	s7 =	simm.s32 @!p0 $0x108  }
0x21: {  	s3 =	sadd.s32 s3, s9;
	s6 =	sadd.s32 @!p0 $0x88, s6;
	s7 =	simm.s32 @p2 $0x1082  }
0x22: {  	[simem:s7], [sflag:s8] =	dma.local @!p0 [hbm:s6], $0xF7A  }
0x23: {  	s9 =	sor.u32 $0xD0000000, s2;
	s6 =	simm.s32 $0x108;
	_ =	swait.ge @!p0 [sflag:s8], $0x0  }
0x24: {  	s3 =	sadd.s32 $0x88, s3;
	s6 =	simm.s32 @!p1 $0x1082;
	[sflag:s4] =	ssyncset.s32 $0xFFFFF086  }
0x25: {  	[simem:s6], [sflag:s4] =	dma.local [hbm:s3], $0xF7A  }
0x26: {  	[smem:$0x3F86] =	sst s1;
	(tag) =	ssettag s2;
	_ =	strace s9  }
0x27: {  	s1 =	sld [smem:$0x3F96]  }
0x28: {  	s2 =	sld [smem:$0x3F97]  }
0x29: {  	s4 =	sld [smem:$0x3F99]  }
0x2a: {  	p0 =	seq.s32 s5, $0x0;
	s5 =	sld [smem:$0x3F9A]  }
0x2b: {  	s6 =	sld [smem:$0x3F9B]  }
0x2c: {  	s7 =	sld [smem:$0x3F9C]  }
0x2d: {  	s3 =	simm.s32 $0x108;
	s8 =	sld [smem:$0x3F9D]  }
0x2e: {  	s3 =	simm.s32 @!p0 $0x1082;
	s9 =	sld [smem:$0x3F9E]  }
0x2f: {  	lr =	sadd.s32 s0, s3;
	s0 =	sld [smem:$0x3F95]  }
0x30: {  	s3 =	sld [smem:$0x3F98]  }
0x31: {  	[smem:$0x3FA1] =	sst s10  }
0x32: {  	s10 =	sld [smem:$0x3F9F];
	_ =	sdelay $0x3  }
0x33: {  	p0 =	seq.s32 s10, $0x1;
	s10 =	sld [smem:$0x3FA1];
	_ =	sdelay $0x3  }
0x34: {  	[smem:$0x3FA1] =	sst s10  }
0x35: {  	s10 =	sld [smem:$0x3FA0];
	_ =	sdelay $0x3  }
0x36: {  	p1 =	seq.s32 s10, $0x1;
	s10 =	sld [smem:$0x3FA1];
	_ =	sdelay $0x3  }
0x37: {  	[smem:$0x3FA1] =	sst s10  }
0x38: {  	s10 =	sld [smem:$0x3FA2]  }
0x39: {  	_ = 	snop;
	(pc) =	sbr.ind lr, $3  }
0x3a: {  	_ = 	snop  }
0x3b: {  	_ = 	snop  }
0x3c: {  	p2 =	seq.s32 s10, $0x1;
	s10 =	sld [smem:$0x3FA1]  }
0x3d: {  	_ =	shalt  }
0x3e: {  	_ =	shalt  }
0x3f: {  	_ =	shalt  }
0x40: {  	_ =	shalt  }
0x41: {  	_ =	shalt  }
0x42: {  	_ =	shalt  }
0x43: {  	_ =	shalt  }
0x44: {  	_ =	shalt  }
0x45: {  	_ =	shalt  }
0x46: {  	_ =	shalt  }
0x47: {  	_ =	shalt  }
0x48: {  	_ =	shalt  }
0x49: {  	_ =	shalt  }
0x4a: {  	_ =	shalt  }
0x4b: {  	_ =	shalt  }
0x4c: {  	_ =	shalt  }
0x4d: {  	_ =	shalt  }
0x4e: {  	_ =	shalt  }
0x4f: {  	_ =	shalt  }
0x50: {  	_ =	shalt  }
0x51: {  	_ =	shalt  }
0x52: {  	_ =	shalt  }
0x53: {  	_ =	shalt  }
0x54: {  	_ =	shalt  }
0x55: {  	_ =	shalt  }
0x56: {  	_ =	shalt  }
0x57: {  	_ =	shalt  }
0x58: {  	_ =	shalt  }
0x59: {  	_ =	shalt  }
0x5a: {  	_ =	shalt  }
0x5b: {  	_ =	shalt  }
0x5c: {  	_ =	shalt  }
0x5d: {  	_ =	shalt  }
0x5e: {  	_ =	shalt  }
0x5f: {  	_ =	shalt  }
0x60: {  	_ =	shalt  }
0x61: {  	_ =	shalt  }
0x62: {  	_ =	shalt  }
0x63: {  	_ =	shalt  }
0x64: {  	_ =	shalt  }
0x65: {  	_ =	shalt  }
0x66: {  	_ =	shalt  }
0x67: {  	_ =	shalt  }
0x68: {  	_ =	shalt  }
0x69: {  	_ =	shalt  }
0x6a: {  	_ =	shalt  }
0x6b: {  	_ =	shalt  }
0x6c: {  	_ =	shalt  }
0x6d: {  	_ =	shalt  }
0x6e: {  	_ =	shalt  }
0x6f: {  	_ =	shalt  }
0x70: {  	_ =	shalt  }
0x71: {  	_ =	shalt  }
0x72: {  	_ =	shalt  }
0x73: {  	_ =	shalt  }
0x74: {  	_ =	shalt  }
0x75: {  	_ =	shalt  }
0x76: {  	_ =	shalt  }
0x77: {  	_ =	shalt  }
0x78: {  	_ =	shalt  }
0x79: {  	_ =	shalt  }
0x7a: {  	_ =	shalt  }
0x7b: {  	_ =	shalt  }
0x7c: {  	_ =	shalt  }
0x7d: {  	_ =	shalt  }
0x7e: {  	_ =	shalt  }
0x7f: {  	_ =	shalt  }
0x80: {  	_ =	shalt  }
0x81: {  	_ =	shalt  }
0x82: {  	_ =	shalt  }
0x83: {  	_ =	shalt  }
0x84: {  	_ =	shalt  }
0x85: {  	_ =	shalt  }
0x86: {  	_ =	shalt  }
0x87: {  	_ =	shalt  }
.Lfunc_end0:
.L_simem_size_0:
called_computation.1_lowered:
.L_overlay_start_0:
0x88: {  	s2 =	sld [smem:$0x3FD9]  }
0x89: {  	s3 =	sld [smem:$0x3FFE];
	_ =	sdelay $0x1  }
0x8a: {  	s1 =	srdreg.scid  }
0x8b: {  	s0 =	sand.u32 $0x1, s1  }
0x8c: {  	s14 =	sshll.u32 s0, $0xA;
	s2 =	sadd.s32 s3, s2  }
0x8d: {  	s2 =	sadd.s32 s2, s14  }
0x8e: {  	[smem:$0x3FAD] =	sst s2  }
0x8f: {  	_ = 	snop  }
0x90: {  	s2 =	sld [smem:$0x3FD0];
	_ =	sdelay $0x2  }
0x91: {  	s15 =	simm.s32 $0xA;
	s4 =	simm.s32 $0x10  }
0x92: {  	[smem:s4], [sflag:s15] =	dma.local [hbm:s2], $0x1  }
0x93: {  	_ =	swait.eq [sflag:s15], $0x1  }
0x94: {  	[sflag:s15] =	ssyncset.done $0x0  }
0x95: {  	[sflag:s15] =	ssyncadd.s32 $0xFFFFFFFF  }
0x96: {  	s16 =	sld [smem:$0x10];
	(tm) =	ssettm $0x1  }
0x97: {  	s17 =	sld [smem:$0x3FFB];
	_ =	sdelay $0x3  }
0x98: {  	_ =	strace s17  }
0x99: {  	s3 =	sld [smem:$0x3FFC];
	_ =	sdelay $0x3  }
0x9a: {  	_ =	strace s3  }
0x9b: {  	s3 =	sld [smem:$0x3FFD];
	_ =	sdelay $0x3  }
0x9c: {  	_ =	strace s3  }
0x9d: {  	_ =	strace $0x8FFFFFFF  }
0x9e: {  	s18 =	sld [smem:$0x3FDB];
	_ =	sdelay $0x1  }
0x9f: {  	s19 =	simm.s32 $_scs_section_size  }
0xa0: {  	s5 =	simm.s32 $_size__tile_overlayer_lowered;
	s6 =	simm.s32 $_tile_overlayer_lowered  }
0xa1: {  	s22 =	simm.s32 $0x1BFF;
	s21 =	sshll.u32 s6, $0x1;
	s3 =	sadd.s32 s19, s18  }
0xa2: {  	s7 =	simm.s32 $0x0;
	s20 =	sshll.u32 s5, $0x1;
	s5 =	sadd.s32 s21, s3  }
0xa3: {  	[timem:s7], [sflag:s22] =	dma.local [hbm:s5], s20  }
0xa4: {  	_ =	swait.ge [sflag:s22], s20  }
0xa5: {  	s4 =	ssub.s32 $0x0, s20;
	[sflag:s22] =	ssyncset.done $0x0  }
0xa6: {  	[sflag:s22] =	ssyncadd.s32 s4;
	_ =	sdelay $0x1  }
0xa7: {  	s23 =	simm.s32 $0x1B8B  }
0xa8: {  	_ =	swait.ge [sflag:s23], $0x1  }
0xa9: {  	[sflag:s23] =	ssyncset.done $0x0  }
0xaa: {  	s25 =	simm.s32 $0x1B8E;
	s24 =	sld [smem:$0x3FFE];
	[sflag:s23] =	ssyncadd.s32 $0xFFFFFFFF  }
0xab: {  	s26 =	simm.s32 $execute0_lowered;
	[smem:$0x3FD2] =	sst s25  }
0xac: {  	s5 =	sshll.u32 s26, $0x1;
	_ =	strace $0x80000049;
	[dreg:$0x1] =	wrdreg $0xFFFFFFFF  }
0xad: {  	s28 =	simm.s32 $_size_execute0_lowered;
	s3 =	sadd.s32 s3, s5;
	[dreg:$0x0] =	wrdreg $0x0  }
0xae: {  	s5 =	sshll.u32 s28, $0x1;
	[dreg:$0x2] =	wrdreg s3  }
0xaf: {  	[dreg:$0x3] =	wrdreg s5  }
0xb0: {  	[dreg:$0x4] =	wrdreg $0xC0  }
0xb1: {  	_ =	task [dreg:s7], $0x5FFFF  }
0xb2: {  	[dreg:$0x1] =	wrdreg $0xFFFFFFFF  }
0xb3: {  	[dreg:$0x0] =	wrdreg $0x60  }
0xb4: {  	[dreg:$0x2] =	wrdreg s24  }
0xb5: {  	[dreg:$0x3] =	wrdreg s16  }
0xb6: {  	[dreg:$0x4] =	wrdreg $0x90000  }
0xb7: {  	[dreg:$0x5] =	wrdreg $0x9  }
0xb8: {  	_ =	task.clear_ibuf [dreg:s7], $0x6FFFF;
	_ =	strace $0x90000049  }
0xb9: {  	s29 =	simm.s32 $0x9;
	_ =	strace $0x8000004B  }
0xba: {  	_ =	swait.ge [sflag:s29], $0x1  }
0xbb: {  	[sflag:s29] =	ssyncadd.s32 $0xFFFFFFFF  }
0xbc: {  	_ =	strace $0x9000004B  }
0xbd: {  	_ =	sfence  }
0xbe: {  	s30 =	sld [smem:$0x0];
	_ =	sdelay $0x2  }
0xbf: {  	s31 =	sshll.u32 s1, $0xD;
	s1 =	sshrl.u32 s1, $0x2  }
0xc0: {  	s3 =	sand.u32 $0x4000, s31;
	s1 =	sadd.s32 s1, s30  }
0xc1: {  	s0 =	sor.u32 s3, s0;
	s1 =	sshll.u32 s1, $0x11  }
0xc2: {  	s0 =	sor.u32 s1, s0  }
0xc3: {  	s0 =	sadd.s32 $0x8F2B, s0  }
0xc4: {  	[sflag:s0] =	ssyncadd.remote.s32 $0x1  }
0xc5: {  	_ =	sfence.sel $0xFFFF  }
0xc6: {  	[dreg:$0x0] =	wrdreg $0xFFFFFFFF;
	(pc) =	sbr.abs _section_cstart, $3  }
0xc7: {  	[dreg:$0x1] =	wrdreg $0xFFFFFFFF  }
0xc8: {  	_ =	task.clear_ibuf [dreg:s7], $0x2FFFF;
	_ =	strace $0x9FFFFFFF  }
0xc9: {  	(tm) =	ssettm $0x7FFFFFFF  }
tec
execute0_lowered:
.L_overlay_start_1:
0x0: {  	(tag) =	ssettag $0x1  }
0x1: {  	s0 =	rddreg [dreg:$0x0]  }
0x2: {  	s2 =	rddreg [dreg:$0x1]  }
0x3: {  	s1 =	rddreg [dreg:$0x2]  }
0x4: {  	s3 =	simm.s32 $0x0;
	s6 =	srdreg.scid;
	s28 =	simm.s32 $0x4000  }
0x5: {  	s29 =	simm.s32 $0x1;
	s30 =	simm.s32 $0x50;
	s31 =	simm.s32 $0x3E00  }
0x6: {  	[smem:$0x7FF] =	sst s3;
	s3 =	stileid.u32;
	s8 =	sand.u32 $0x1, s6  }
0x7: {  	s15 =	sadd.s32 $0x2BE00, s0;
	s16 =	sadd.s32 $0x7A200, s0;
	s20 =	sadd.s32 $0x2BC00, s0  }
0x8: {  	_ =	strace $0x8000004A;
	s4 =	sshll.u32 s3, $0xB;
	s5 =	smul.u32 $0x27100, s3  }
0x9: {  	s11 =	smul.u32 $0x2700, s3;
	s6 =	ssub.s32 $0x2, s8;
	[dreg:$0x9] =	wrdreg s20  }
0xa: {  	s9 =	smul.u32 $0x4E000, s3;
	p0 =	seq.s32 s8, $0x1;
	[dreg:$0x4] =	wrdreg s15  }
0xb: {  	[dreg:$0x5] =	wrdreg s16;
	p1 =	sne.s32 s3, $0x0;
	p2 =	seq.s32 s3, $0x0  }
0xc: {  	s7 =	sadd.s32 s4, s0;
	s10 =	sshrl.u32 s6, $0x1;
	s12 =	sadd.s32 s5, s0  }
0xd: {  	s13 =	sadd.s32 s11, s0;
	s14 =	ssub.s32 s6, s10;
	s17 =	sadd.s32 $0x16CB200, s7  }
0xe: {  	s9 =	sshrl.u32 s9, $0x2;
	s22 =	sadd.s32 s15, s11;
	[dreg:$0x6] =	wrdreg s17  }
0xf: {  	s8 =	sadd.s32 s2, s11;
	s0 =	sadd.s32 $0x7A000, s0;
	[dreg:$0xb] =	wrdreg s22  }
0x10: {  	s10 =	sadd.s32 $0x27000, s2;
	s26 =	sadd.s32 s16, s11;
	[dreg:$0xe] =	wrdreg s0  }
0x11: {  	s2 =	simm.s32 $0x0;
	s18 =	sadd.s32 $0x2097200, s12;
	[dreg:$0x10] =	wrdreg s26  }
0x12: {  	s7 =	sadd.s32 s9, s1;
	s19 =	sadd.s32 $0x4C00, s13;
	[dreg:$0x7] =	wrdreg s18  }
0x13: {  	s9 =	sadd.s32 $0x138000, s1;
	s21 =	sadd.s32 $0x2308200, s12;
	[dreg:$0x8] =	wrdreg s19  }
.Ltmp0:
0x14: {  	s23 =	sadd.s32 $0x2579200, s12;
	[dreg:$0xa] =	wrdreg s21;
	(pc) =	sbr.rel .LBB2_1-.Ltmp0, $4  }
0x15: {  	s24 =	sadd.s32 $0x53000, s13;
	s25 =	sadd.s32 $0x27EA200, s12;
	[dreg:$0xc] =	wrdreg s23  }
0x16: {  	s22 =	sadd.s32 $0x2308700, s12;
	s26 =	simm.s32 $0x3;
	[dreg:$0xd] =	wrdreg s24  }
0x17: {  	s0 =	simm.s32 $0x4;
	[dreg:$0xf] =	wrdreg s25;
	s21 =	sadd.s32 $0x2097700, s12  }
0x18: {  	s23 =	smax.u32 s14, $0x1;
	s24 =	sadd.s32 $0x2579700, s12;
	s25 =	sadd.s32 $0x27EA700, s12  }
.LBB2_12:
0x19: {  	s3 =	sadd.s32 $0x27000, s12;
	s4 =	sshrl.u32 s9, $0x3  }
0x1a: {  	[hbm:s3], [sflag:s11] =	dma.local [spmem:s4], $0x100  }
0x1b: {  	_ =	swait.ge [sflag:s26], $0x100  }
0x1c: {  	[sflag:s26] =	ssyncset.done $0x0  }
0x1d: {  	[sflag:s26] =	ssyncadd.s32 $0xFFFFFF00  }
.LBB2_13:
0x1e: {  	s2 =	sadd.s32 $0x1, s2  }
0x1f: {  	p3 =	sne.s32 s2, s23  }
.Ltmp1:
0x20: {  	_ = 	snop;
	(pc) =	sbr.rel @!p3 .LBB2_14-.Ltmp1, $2  }
0x21: {  	_ =	sdelay $0x1  }
0x22: {  	[bflag:$0x0] =	sbarrier.arrive $0xFFFF;
	_ =	sdelay $0x1  }
.LBB2_1:
0x23: {  	s3 =	simm.s32 $0x0;
	s4 =	rddreg [dreg:$0x6]  }
0x24: {  	[tilespmem:s3], [sflag:$0x3] =	stream.linear.gather [hbm4b:s4+s3], $0x3E80, $0x38;
	[tilespmem:$0x1C880] =	vst v63  }
0x25: {  	s20 =	stileid.u32;
	_ =	swait.ge [sflag:s26], $0x3E80  }
0x26: {  	s12 =	sshrl.u32 s7, $0x3;
	s11 =	sshll.u32 s20, $0x6;
	[sflag:s26] =	ssyncset.done $0x0  }
.Ltmp2:
0x27: {  	s11 =	sor.u32 $0x1C03, s11;
	[sflag:s26] =	ssyncadd.s32 $0xFFFFC180;
	(pc) =	sbr.rel @!p0 .LBB2_2-.Ltmp2, $4  }
0x28: {  	[spmem:s12], [sflag:s11] =	dma.local [hbm:s8], $0x2700  }
0x29: {  	_ =	swait.ge [sflag:s26], $0x2700  }
0x2a: {  	s13 =	sshrl.u32 @!p1 s9, $0x3;
	[sflag:s26] =	ssyncset.done $0x0  }
0x2b: {  	s15 =	sshrl.u32 @p1 s7, $0x3;
	s14 =	sshrl.u32 @!p1 s7, $0x3;
	[sflag:s26] =	ssyncadd.s32 $0xFFFFD900  }
0x2c: {  	[spmem:s13], [sflag:s11] =	dma.local @!p1 [hbm:s10], $0x100  }
0x2d: {  	s3 =	simm.s32 @!p1 $0x3  }
0x2e: {  	_ =	swait.ge @!p1 [sflag:s3], $0x100  }
0x2f: {  	[sflag:s3] =	ssyncset.done @!p1 $0x0  }
0x30: {  	[sflag:s3] =	ssyncadd.s32 @!p1 $0xFFFFFF00;
	s3 =	simm.s32 $0x0  }
0x31: {  	[bflag:$0x0] =	sbarrier.arrive $0xFFFF;
	s16 =	sand.u32 $0x1, s3  }
0x32: {  	s4 =	rddreg [dreg:$0xc];
	p3 =	seq.s32 s16, $0x1  }
0x33: {  	[tilespmem:s28], [sflag:$0x1] =	stream.linear.gather [hbm4b:s4+s3], $0x2800, $0x38;
	[tilespmem:$0x1C880] =	vst v63  }
0x34: {  	s4 =	simm.s32 @p3 $0x0;
	s5 =	simm.s32 @p3 $0x4000;
	s6 =	simm.s32 @p3 $0x2  }
0x35: {  	[tilespmem:s5], [sflag:$0x1] =	stream.linear.gather @p3 [hbm4b:s24+s4], $0x2800, $0x38;
	[tilespmem:$0x1C880] =	vst v63  }
0x36: {  	_ =	swait.ge @p3 [sflag:s6], $0x2800  }
0x37: {  	s17 =	simm.s32 $0x1;
	s18 =	simm.s32 $0x2;
	[sflag:s6] =	ssyncset.done @p3 $0x0  }
0x38: {  	s4 =	simm.s32 @p3 $0x50;
	s5 =	simm.s32 @p3 $0x6800;
	[sflag:s6] =	ssyncadd.s32 @p3 $0xFFFFD800  }
0x39: {  	[spmem:s1] =	stream.indirect.scatter.add.f32 @p3 [tilespmem:s5], [sflag:$0x3], $0x80, s3, s4, $0xb8;
	[tilespmem:$0x1C880] =	vst v63  }
0x3a: {  	s6 =	simm.s32 @!p3 $0x1;
	s4 =	simm.s32 @!p3 $0x0;
	s5 =	simm.s32 @!p3 $0x6800  }
0x3b: {  	[tilespmem:s5], [sflag:$0x2] =	stream.linear.gather @!p3 [hbm4b:s24+s4], $0x2800, $0x38;
	[tilespmem:$0x1C880] =	vst v63  }
0x3c: {  	s20 =	sand.u32 $0x1, s17;
	s19 =	simm.s32 @!p3 $0x4;
	_ =	swait.ge @!p3 [sflag:s6], $0x2800  }
0x3d: {  	s17 =	sadd.s32 $0x500, s24;
	s19 =	simm.s32 @p3 $0x3;
	[sflag:s6] =	ssyncset.done @!p3 $0x0  }
0x3e: {  	s5 =	simm.s32 @!p3 $0x4000;
	[sflag:s6] =	ssyncadd.s32 @!p3 $0xFFFFD800;
	s6 =	simm.s32 @!p3 $0x50  }
0x3f: {  	[spmem:s1] =	stream.indirect.scatter.add.f32 @!p3 [tilespmem:s5], [sflag:$0x4], $0x80, s3, s6, $0xb8;
	[tilespmem:$0x1C880] =	vst v63  }
0x40: {  	s16 =	simm.s32 $0x80;
	p3 =	seq.s32 s20, $0x1;
	_ =	swait.ge [sflag:s19], $0x2800  }
.LBB2_8:
0x41: {  	s3 =	simm.s32 @p3 $0x0;
	s4 =	simm.s32 @p3 $0x4000  }
0x42: {  	[sflag:s19] =	ssyncset.done $0x0;
	s5 =	smov.u32 s18;
	s6 =	smov.u32 s16  }
0x43: {  	s18 =	sadd.s32 $0x1, s18;
	s20 =	simm.s32 @p3 $0x2;
	[sflag:s19] =	ssyncadd.s32 $0xFFFFD800  }
0x44: {  	[tilespmem:s4], [sflag:$0x1] =	stream.linear.gather @p3 [hbm4b:s17+s3], $0x2800, $0x38;
	[tilespmem:$0x1C880] =	vst v63  }
0x45: {  	p4 =	sne.s32 s18, $0x7C;
	_ =	swait.ge @p3 [sflag:s20], $0x2800  }
0x46: {  	s16 =	sadd.s32 $0x80, s16;
	[sflag:s20] =	ssyncset.done @p3 $0x0  }
0x47: {  	s3 =	simm.s32 @p3 $0x50;
	s4 =	simm.s32 @p3 $0x6800;
	[sflag:s20] =	ssyncadd.s32 @p3 $0xFFFFD800  }
0x48: {  	[spmem:s1] =	stream.indirect.scatter.add.f32 @p3 [tilespmem:s4], [sflag:$0x3], $0x80, s6, s3, $0xb8;
	[tilespmem:$0x1C880] =	vst v63  }
0x49: {  	s20 =	simm.s32 @!p3 $0x1;
	s3 =	simm.s32 @!p3 $0x0;
	s4 =	simm.s32 @!p3 $0x6800  }
0x4a: {  	[tilespmem:s4], [sflag:$0x2] =	stream.linear.gather @!p3 [hbm4b:s17+s3], $0x2800, $0x38;
	[tilespmem:$0x1C880] =	vst v63  }
.Ltmp3:
0x4b: {  	s3 =	sand.u32 $0x1, s5;
	_ =	swait.ge @!p3 [sflag:s20], $0x2800;
	(pc) =	sbr.rel @p4 .LBB2_8-.Ltmp3, $4  }
0x4c: {  	s19 =	simm.s32 @!p3 $0x4;
	s4 =	simm.s32 @!p3 $0x4000;
	[sflag:s20] =	ssyncset.done @!p3 $0x0  }
0x4d: {  	s19 =	simm.s32 @p3 $0x3;
	s5 =	simm.s32 @!p3 $0x50;
	[sflag:s20] =	ssyncadd.s32 @!p3 $0xFFFFD800  }
0x4e: {  	[spmem:s1] =	stream.indirect.scatter.add.f32 @!p3 [tilespmem:s4], [sflag:$0x4], $0x80, s6, s5, $0xb8;
	[tilespmem:$0x1C880] =	vst v63  }
0x4f: {  	s17 =	sadd.s32 $0x500, s17;
	p3 =	seq.s32 s3, $0x1;
	_ =	swait.ge [sflag:s19], $0x2800  }
0x50: {  	s3 =	simm.s32 @p3 $0x0;
	[sflag:s19] =	ssyncset.done $0x0  }
0x51: {  	s4 =	simm.s32 @p3 $0x4000;
	s5 =	simm.s32 @p3 $0x2;
	[sflag:s19] =	ssyncadd.s32 $0xFFFFD800  }
0x52: {  	[tilespmem:s4], [sflag:$0x1] =	stream.linear.gather @p3 [hbm4b:s17+s3], $0x2800, $0x38;
	[tilespmem:$0x1C880] =	vst v63  }
0x53: {  	_ =	swait.ge @p3 [sflag:s5], $0x2800  }
0x54: {  	[sflag:s5] =	ssyncset.done @p3 $0x0  }
0x55: {  	s3 =	simm.s32 @p3 $0x50;
	s4 =	simm.s32 @p3 $0x6800;
	[sflag:s5] =	ssyncadd.s32 @p3 $0xFFFFD800  }
0x56: {  	[spmem:s1] =	stream.indirect.scatter.add.f32 @p3 [tilespmem:s4], [sflag:$0x3], $0x80, s16, s3, $0xb8;
	[tilespmem:$0x1C880] =	vst v63  }
0x57: {  	s5 =	simm.s32 @!p3 $0x1;
	s3 =	simm.s32 @!p3 $0x0;
	s4 =	simm.s32 @!p3 $0x6800  }
0x58: {  	[tilespmem:s4], [sflag:$0x2] =	stream.linear.gather @!p3 [hbm4b:s17+s3], $0x2800, $0x38;
	[tilespmem:$0x1C880] =	vst v63  }
0x59: {  	_ =	swait.ge @!p3 [sflag:s5], $0x2800  }
0x5a: {  	s3 =	simm.s32 @!p3 $0x4000;
	s4 =	simm.s32 @!p3 $0x4;
	[sflag:s5] =	ssyncset.done @!p3 $0x0  }
0x5b: {  	s4 =	simm.s32 @p3 $0x3;
	[sflag:s5] =	ssyncadd.s32 @!p3 $0xFFFFD800;
	s5 =	simm.s32 @!p3 $0x50  }
0x5c: {  	[spmem:s1] =	stream.indirect.scatter.add.f32 @!p3 [tilespmem:s3], [sflag:$0x4], $0x80, s16, s5, $0xb8;
	[tilespmem:$0x1C880] =	vst v63  }
0x5d: {  	_ =	swait.ge [sflag:s4], $0x2800  }
0x5e: {  	[sflag:s4] =	ssyncset.done $0x0  }
0x5f: {  	[sflag:s4] =	ssyncadd.s32 $0xFFFFD800  }
0x60: {  	_ =	swait.ge [sflag:s29], $0x2800  }
0x61: {  	[sflag:s29] =	ssyncset.done $0x0  }
0x62: {  	[sflag:s29] =	ssyncadd.s32 $0xFFFFD800  }
0x63: {  	[spmem:s1] =	stream.indirect.scatter.add.f32 [tilespmem:s28], [sflag:$0x4], $0x80, s31, s30, $0xb8;
	[tilespmem:$0x1C880] =	vst v63  }
0x64: {  	_ =	swait.ge [sflag:s0], $0x2800  }
0x65: {  	[sflag:s0] =	ssyncset.done $0x0  }
0x66: {  	[sflag:s0] =	ssyncadd.s32 $0xFFFFD800  }
0x67: {  	[bflag:$0x0] =	sbarrier.arrive $0xFFFF  }
0x68: {  	s16 =	rddreg [dreg:$0xd]  }
0x69: {  	[hbm:s16], [sflag:s11] =	dma.local [spmem:s12], $0x2700  }
0x6a: {  	_ =	swait.ge [sflag:s26], $0x2700  }
0x6b: {  	[sflag:s26] =	ssyncset.done $0x0  }
0x6c: {  	[sflag:s26] =	ssyncadd.s32 $0xFFFFD900  }
0x6d: {  	s3 =	simm.s32 @p1 $0x3;
	[bflag:$0x0] =	sbarrier.arrive @p1 $0xFFFF  }
0x6e: {  	[spmem:s15], [sflag:s11] =	dma.local @p1 [hbm:s8], $0x2700  }
0x6f: {  	_ =	swait.ge @p1 [sflag:s3], $0x2700  }
0x70: {  	[sflag:s3] =	ssyncset.done @p1 $0x0  }
0x71: {  	[sflag:s3] =	ssyncadd.s32 @p1 $0xFFFFD900;
	s3 =	rddreg [dreg:$0xe]  }
0x72: {  	[hbm:s3], [sflag:s11] =	dma.local @!p1 [spmem:s13], $0x100  }
0x73: {  	s3 =	simm.s32 @!p1 $0x3  }
0x74: {  	_ =	swait.ge @!p1 [sflag:s3], $0x100  }
0x75: {  	[sflag:s3] =	ssyncset.done @!p1 $0x0  }
0x76: {  	[sflag:s3] =	ssyncadd.s32 @!p1 $0xFFFFFF00  }
0x77: {  	[bflag:$0x0] =	sbarrier.arrive @!p1 $0xFFFF  }
0x78: {  	[spmem:s14], [sflag:s11] =	dma.local @!p1 [hbm:s8], $0x2700  }
0x79: {  	_ =	swait.ge @!p1 [sflag:s3], $0x2700  }
0x7a: {  	[sflag:s3] =	ssyncset.done @!p1 $0x0  }
0x7b: {  	[sflag:s3] =	ssyncadd.s32 @!p1 $0xFFFFD900  }
0x7c: {  	[spmem:s13], [sflag:s11] =	dma.local @!p1 [hbm:s10], $0x100  }
0x7d: {  	_ =	swait.ge @!p1 [sflag:s3], $0x100  }
0x7e: {  	[sflag:s3] =	ssyncset.done @!p1 $0x0  }
0x7f: {  	[sflag:s3] =	ssyncadd.s32 @!p1 $0xFFFFFF00;
	s3 =	simm.s32 $0x0  }
0x80: {  	[bflag:$0x0] =	sbarrier.arrive $0xFFFF;
	s18 =	sand.u32 $0x1, s3  }
0x81: {  	s17 =	rddreg [dreg:$0xf];
	p3 =	seq.s32 s18, $0x1  }
0x82: {  	[tilespmem:s28], [sflag:$0x1] =	stream.linear.gather [hbm4b:s17+s3], $0x2800, $0x38;
	[tilespmem:$0x1C880] =	vst v63  }
0x83: {  	s4 =	simm.s32 @p3 $0x0;
	s5 =	simm.s32 @p3 $0x4000;
	s6 =	simm.s32 @p3 $0x2  }
0x84: {  	[tilespmem:s5], [sflag:$0x1] =	stream.linear.gather @p3 [hbm4b:s25+s4], $0x2800, $0x38;
	[tilespmem:$0x1C880] =	vst v63  }
0x85: {  	s19 =	simm.s32 $0x1;
	_ =	swait.ge @p3 [sflag:s6], $0x2800  }
0x86: {  	s20 =	sand.u32 $0x1, s19;
	[sflag:s6] =	ssyncset.done @p3 $0x0  }
0x87: {  	s4 =	simm.s32 @p3 $0x50;
	s5 =	simm.s32 @p3 $0x6800;
	[sflag:s6] =	ssyncadd.s32 @p3 $0xFFFFD800  }
0x88: {  	[spmem:s1] =	stream.indirect.scatter.add.f32 @p3 [tilespmem:s5], [sflag:$0x3], $0x80, s3, s4, $0xb8;
	[tilespmem:$0x1C880] =	vst v63  }
0x89: {  	s6 =	simm.s32 @!p3 $0x1;
	s4 =	simm.s32 @!p3 $0x0;
	s5 =	simm.s32 @!p3 $0x6800  }
0x8a: {  	[tilespmem:s5], [sflag:$0x2] =	stream.linear.gather @!p3 [hbm4b:s25+s4], $0x2800, $0x38;
	[tilespmem:$0x1C880] =	vst v63  }
0x8b: {  	s15 =	simm.s32 $0x2;
	s16 =	simm.s32 @!p3 $0x4;
	_ =	swait.ge @!p3 [sflag:s6], $0x2800  }
0x8c: {  	s14 =	sadd.s32 $0x500, s25;
	s16 =	simm.s32 @p3 $0x3;
	[sflag:s6] =	ssyncset.done @!p3 $0x0  }
0x8d: {  	s5 =	simm.s32 @!p3 $0x4000;
	[sflag:s6] =	ssyncadd.s32 @!p3 $0xFFFFD800;
	s6 =	simm.s32 @!p3 $0x50  }
0x8e: {  	[spmem:s1] =	stream.indirect.scatter.add.f32 @!p3 [tilespmem:s5], [sflag:$0x4], $0x80, s3, s6, $0xb8;
	[tilespmem:$0x1C880] =	vst v63  }
0x8f: {  	s13 =	simm.s32 $0x80;
	p3 =	seq.s32 s20, $0x1;
	_ =	swait.ge [sflag:s16], $0x2800  }
.LBB2_10:
0x90: {  	s3 =	simm.s32 @p3 $0x0;
	s4 =	simm.s32 @p3 $0x4000  }
0x91: {  	[sflag:s16] =	ssyncset.done $0x0;
	s5 =	smov.u32 s15;
	s6 =	smov.u32 s13  }
0x92: {  	s15 =	sadd.s32 $0x1, s15;
	s17 =	simm.s32 @p3 $0x2;
	[sflag:s16] =	ssyncadd.s32 $0xFFFFD800  }
0x93: {  	[tilespmem:s4], [sflag:$0x1] =	stream.linear.gather @p3 [hbm4b:s14+s3], $0x2800, $0x38;
	[tilespmem:$0x1C880] =	vst v63  }
0x94: {  	p4 =	sne.s32 s15, $0x7C;
	_ =	swait.ge @p3 [sflag:s17], $0x2800  }
0x95: {  	s13 =	sadd.s32 $0x80, s13;
	[sflag:s17] =	ssyncset.done @p3 $0x0  }
0x96: {  	s3 =	simm.s32 @p3 $0x50;
	s4 =	simm.s32 @p3 $0x6800;
	[sflag:s17] =	ssyncadd.s32 @p3 $0xFFFFD800  }
0x97: {  	[spmem:s1] =	stream.indirect.scatter.add.f32 @p3 [tilespmem:s4], [sflag:$0x3], $0x80, s6, s3, $0xb8;
	[tilespmem:$0x1C880] =	vst v63  }
0x98: {  	s17 =	simm.s32 @!p3 $0x1;
	s3 =	simm.s32 @!p3 $0x0;
	s4 =	simm.s32 @!p3 $0x6800  }
0x99: {  	[tilespmem:s4], [sflag:$0x2] =	stream.linear.gather @!p3 [hbm4b:s14+s3], $0x2800, $0x38;
	[tilespmem:$0x1C880] =	vst v63  }
.Ltmp4:
0x9a: {  	s3 =	sand.u32 $0x1, s5;
	_ =	swait.ge @!p3 [sflag:s17], $0x2800;
	(pc) =	sbr.rel @p4 .LBB2_10-.Ltmp4, $4  }
0x9b: {  	s16 =	simm.s32 @!p3 $0x4;
	s4 =	simm.s32 @!p3 $0x4000;
	[sflag:s17] =	ssyncset.done @!p3 $0x0  }
0x9c: {  	s16 =	simm.s32 @p3 $0x3;
	s5 =	simm.s32 @!p3 $0x50;
	[sflag:s17] =	ssyncadd.s32 @!p3 $0xFFFFD800  }
0x9d: {  	[spmem:s1] =	stream.indirect.scatter.add.f32 @!p3 [tilespmem:s4], [sflag:$0x4], $0x80, s6, s5, $0xb8;
	[tilespmem:$0x1C880] =	vst v63  }
0x9e: {  	s14 =	sadd.s32 $0x500, s14;
	p3 =	seq.s32 s3, $0x1;
	_ =	swait.ge [sflag:s16], $0x2800  }
0x9f: {  	s3 =	simm.s32 @p3 $0x0;
	[sflag:s16] =	ssyncset.done $0x0  }
0xa0: {  	s4 =	simm.s32 @p3 $0x4000;
	s5 =	simm.s32 @p3 $0x2;
	[sflag:s16] =	ssyncadd.s32 $0xFFFFD800  }
0xa1: {  	[tilespmem:s4], [sflag:$0x1] =	stream.linear.gather @p3 [hbm4b:s14+s3], $0x2800, $0x38;
	[tilespmem:$0x1C880] =	vst v63  }
0xa2: {  	_ =	swait.ge @p3 [sflag:s5], $0x2800  }
0xa3: {  	[sflag:s5] =	ssyncset.done @p3 $0x0  }
0xa4: {  	s3 =	simm.s32 @p3 $0x50;
	s4 =	simm.s32 @p3 $0x6800;
	[sflag:s5] =	ssyncadd.s32 @p3 $0xFFFFD800  }
0xa5: {  	[spmem:s1] =	stream.indirect.scatter.add.f32 @p3 [tilespmem:s4], [sflag:$0x3], $0x80, s13, s3, $0xb8;
	[tilespmem:$0x1C880] =	vst v63  }
0xa6: {  	s5 =	simm.s32 @!p3 $0x1;
	s3 =	simm.s32 @!p3 $0x0;
	s4 =	simm.s32 @!p3 $0x6800  }
0xa7: {  	[tilespmem:s4], [sflag:$0x2] =	stream.linear.gather @!p3 [hbm4b:s14+s3], $0x2800, $0x38;
	[tilespmem:$0x1C880] =	vst v63  }
0xa8: {  	_ =	swait.ge @!p3 [sflag:s5], $0x2800  }
0xa9: {  	s3 =	simm.s32 @!p3 $0x4000;
	s4 =	simm.s32 @!p3 $0x4;
	[sflag:s5] =	ssyncset.done @!p3 $0x0  }
0xaa: {  	s4 =	simm.s32 @p3 $0x3;
	[sflag:s5] =	ssyncadd.s32 @!p3 $0xFFFFD800;
	s5 =	simm.s32 @!p3 $0x50  }
0xab: {  	[spmem:s1] =	stream.indirect.scatter.add.f32 @!p3 [tilespmem:s3], [sflag:$0x4], $0x80, s13, s5, $0xb8;
	[tilespmem:$0x1C880] =	vst v63  }
0xac: {  	_ =	swait.ge [sflag:s4], $0x2800  }
0xad: {  	[sflag:s4] =	ssyncset.done $0x0  }
0xae: {  	[sflag:s4] =	ssyncadd.s32 $0xFFFFD800  }
0xaf: {  	_ =	swait.ge [sflag:s29], $0x2800  }
0xb0: {  	[sflag:s29] =	ssyncset.done $0x0  }
0xb1: {  	[sflag:s29] =	ssyncadd.s32 $0xFFFFD800  }
0xb2: {  	[spmem:s1] =	stream.indirect.scatter.add.f32 [tilespmem:s28], [sflag:$0x4], $0x80, s31, s30, $0xb8;
	[tilespmem:$0x1C880] =	vst v63  }
0xb3: {  	_ =	swait.ge [sflag:s0], $0x2800  }
0xb4: {  	[sflag:s0] =	ssyncset.done $0x0  }
0xb5: {  	[sflag:s0] =	ssyncadd.s32 $0xFFFFD800  }
0xb6: {  	[bflag:$0x0] =	sbarrier.arrive $0xFFFF  }
0xb7: {  	s20 =	rddreg [dreg:$0x10]  }
0xb8: {  	[hbm:s20], [sflag:s11] =	dma.local [spmem:s12], $0x2700  }
.Ltmp5:
0xb9: {  	_ = 	snop;
	(pc) =	sbr.rel @p1 .LBB2_13-.Ltmp5, $4  }
.Ltmp6:
0xba: {  	_ = 	snop;
	(pc) =	sbr.rel @!p1 .LBB2_12-.Ltmp6, $4  }
0xbb: {  	_ =	swait.ge [sflag:s26], $0x2700  }
0xbc: {  	[sflag:s26] =	ssyncset.done $0x0  }
0xbd: {  	s12 =	rddreg [dreg:$0x5];
	[sflag:s26] =	ssyncadd.s32 $0xFFFFD900  }
0xbe: {  	_ = 	snop  }
.LBB2_2:
0xbf: {  	[spmem:s13], [sflag:s11] =	dma.local @!p1 [hbm:s10], $0x100  }
0xc0: {  	s16 =	simm.s32 @!p1 $0x3  }
0xc1: {  	_ =	swait.ge @!p1 [sflag:s16], $0x100  }
0xc2: {  	[sflag:s16] =	ssyncset.done @!p1 $0x0  }
0xc3: {  	[sflag:s16] =	ssyncadd.s32 @!p1 $0xFFFFFF00;
	s16 =	simm.s32 $0x0  }
0xc4: {  	[bflag:$0x0] =	sbarrier.arrive $0xFFFF;
	s17 =	sand.u32 $0x1, s16  }
0xc5: {  	s3 =	rddreg [dreg:$0x7];
	p3 =	seq.s32 s17, $0x1  }
0xc6: {  	[tilespmem:s28], [sflag:$0x1] =	stream.linear.gather [hbm4b:s3+s16], $0x2800, $0x38;
	[tilespmem:$0x1C880] =	vst v63  }
0xc7: {  	s17 =	simm.s32 @p3 $0x0;
	s18 =	simm.s32 @p3 $0x4000;
	s19 =	simm.s32 @p3 $0x2  }
0xc8: {  	[tilespmem:s18], [sflag:$0x1] =	stream.linear.gather @p3 [hbm4b:s21+s17], $0x2800, $0x38;
	[tilespmem:$0x1C880] =	vst v63  }
0xc9: {  	_ =	swait.ge @p3 [sflag:s19], $0x2800  }
0xca: {  	[sflag:s19] =	ssyncset.done @p3 $0x0  }
0xcb: {  	s17 =	simm.s32 @p3 $0x50;
	s18 =	simm.s32 @p3 $0x6800;
	[sflag:s19] =	ssyncadd.s32 @p3 $0xFFFFD800  }
0xcc: {  	[spmem:s1] =	stream.indirect.scatter.add.f32 @p3 [tilespmem:s18], [sflag:$0x3], $0x80, s16, s17, $0xb8;
	[tilespmem:$0x1C880] =	vst v63  }
0xcd: {  	s20 =	simm.s32 @!p3 $0x1;
	s17 =	simm.s32 @!p3 $0x0;
	s18 =	simm.s32 @!p3 $0x6800  }
0xce: {  	[tilespmem:s18], [sflag:$0x2] =	stream.linear.gather @!p3 [hbm4b:s21+s17], $0x2800, $0x38;
	[tilespmem:$0x1C880] =	vst v63  }
0xcf: {  	s6 =	simm.s32 $0x1;
	_ =	swait.ge @!p3 [sflag:s20], $0x2800  }
0xd0: {  	s4 =	simm.s32 @!p3 $0x4000;
	s19 =	simm.s32 @!p3 $0x4;
	[sflag:s20] =	ssyncset.done @!p3 $0x0  }
0xd1: {  	s19 =	simm.s32 @p3 $0x3;
	[sflag:s20] =	ssyncadd.s32 @!p3 $0xFFFFD800;
	s20 =	simm.s32 @!p3 $0x50  }
0xd2: {  	[spmem:s1] =	stream.indirect.scatter.add.f32 @!p3 [tilespmem:s4], [sflag:$0x4], $0x80, s16, s20, $0xb8;
	[tilespmem:$0x1C880] =	vst v63  }
0xd3: {  	s18 =	simm.s32 $0x2;
	s17 =	sadd.s32 $0x500, s21;
	s20 =	sand.u32 $0x1, s6  }
0xd4: {  	s16 =	simm.s32 $0x80;
	p3 =	seq.s32 s20, $0x1;
	_ =	swait.ge [sflag:s19], $0x2800  }
.LBB2_3:
0xd5: {  	s4 =	simm.s32 @p3 $0x0;
	s20 =	simm.s32 @p3 $0x4000  }
0xd6: {  	[sflag:s19] =	ssyncset.done $0x0;
	s5 =	smov.u32 s18;
	s3 =	smov.u32 s16  }
0xd7: {  	s18 =	sadd.s32 $0x1, s18;
	s6 =	simm.s32 @p3 $0x2;
	[sflag:s19] =	ssyncadd.s32 $0xFFFFD800  }
0xd8: {  	[tilespmem:s20], [sflag:$0x1] =	stream.linear.gather @p3 [hbm4b:s17+s4], $0x2800, $0x38;
	[tilespmem:$0x1C880] =	vst v63  }
0xd9: {  	p4 =	sne.s32 s18, $0x7C;
	_ =	swait.ge @p3 [sflag:s6], $0x2800  }
0xda: {  	s16 =	sadd.s32 $0x80, s16;
	[sflag:s6] =	ssyncset.done @p3 $0x0  }
0xdb: {  	s4 =	simm.s32 @p3 $0x50;
	[sflag:s6] =	ssyncadd.s32 @p3 $0xFFFFD800;
	s6 =	simm.s32 @p3 $0x6800  }
0xdc: {  	[spmem:s1] =	stream.indirect.scatter.add.f32 @p3 [tilespmem:s6], [sflag:$0x3], $0x80, s3, s4, $0xb8;
	[tilespmem:$0x1C880] =	vst v63  }
0xdd: {  	s20 =	simm.s32 @!p3 $0x1;
	s4 =	simm.s32 @!p3 $0x0;
	s6 =	simm.s32 @!p3 $0x6800  }
0xde: {  	[tilespmem:s6], [sflag:$0x2] =	stream.linear.gather @!p3 [hbm4b:s17+s4], $0x2800, $0x38;
	[tilespmem:$0x1C880] =	vst v63  }
.Ltmp7:
0xdf: {  	s4 =	sand.u32 $0x1, s5;
	_ =	swait.ge @!p3 [sflag:s20], $0x2800;
	(pc) =	sbr.rel @p4 .LBB2_3-.Ltmp7, $4  }
0xe0: {  	s19 =	simm.s32 @!p3 $0x4;
	s5 =	simm.s32 @!p3 $0x4000;
	[sflag:s20] =	ssyncset.done @!p3 $0x0  }
0xe1: {  	s19 =	simm.s32 @p3 $0x3;
	s6 =	simm.s32 @!p3 $0x50;
	[sflag:s20] =	ssyncadd.s32 @!p3 $0xFFFFD800  }
0xe2: {  	[spmem:s1] =	stream.indirect.scatter.add.f32 @!p3 [tilespmem:s5], [sflag:$0x4], $0x80, s3, s6, $0xb8;
	[tilespmem:$0x1C880] =	vst v63  }
0xe3: {  	s17 =	sadd.s32 $0x500, s17;
	p3 =	seq.s32 s4, $0x1;
	_ =	swait.ge [sflag:s19], $0x2800  }
0xe4: {  	s3 =	simm.s32 @p3 $0x0;
	[sflag:s19] =	ssyncset.done $0x0  }
0xe5: {  	s4 =	simm.s32 @p3 $0x4000;
	s5 =	simm.s32 @p3 $0x2;
	[sflag:s19] =	ssyncadd.s32 $0xFFFFD800  }
0xe6: {  	[tilespmem:s4], [sflag:$0x1] =	stream.linear.gather @p3 [hbm4b:s17+s3], $0x2800, $0x38;
	[tilespmem:$0x1C880] =	vst v63  }
0xe7: {  	_ =	swait.ge @p3 [sflag:s5], $0x2800  }
0xe8: {  	[sflag:s5] =	ssyncset.done @p3 $0x0  }
0xe9: {  	s3 =	simm.s32 @p3 $0x50;
	s4 =	simm.s32 @p3 $0x6800;
	[sflag:s5] =	ssyncadd.s32 @p3 $0xFFFFD800  }
0xea: {  	[spmem:s1] =	stream.indirect.scatter.add.f32 @p3 [tilespmem:s4], [sflag:$0x3], $0x80, s16, s3, $0xb8;
	[tilespmem:$0x1C880] =	vst v63  }
0xeb: {  	s5 =	simm.s32 @!p3 $0x1;
	s3 =	simm.s32 @!p3 $0x0;
	s4 =	simm.s32 @!p3 $0x6800  }
0xec: {  	[tilespmem:s4], [sflag:$0x2] =	stream.linear.gather @!p3 [hbm4b:s17+s3], $0x2800, $0x38;
	[tilespmem:$0x1C880] =	vst v63  }
0xed: {  	_ =	swait.ge @!p3 [sflag:s5], $0x2800  }
0xee: {  	s3 =	simm.s32 @!p3 $0x4000;
	s4 =	simm.s32 @!p3 $0x4;
	[sflag:s5] =	ssyncset.done @!p3 $0x0  }
0xef: {  	s4 =	simm.s32 @p3 $0x3;
	[sflag:s5] =	ssyncadd.s32 @!p3 $0xFFFFD800;
	s5 =	simm.s32 @!p3 $0x50  }
0xf0: {  	[spmem:s1] =	stream.indirect.scatter.add.f32 @!p3 [tilespmem:s3], [sflag:$0x4], $0x80, s16, s5, $0xb8;
	[tilespmem:$0x1C880] =	vst v63  }
0xf1: {  	_ =	swait.ge [sflag:s4], $0x2800  }
0xf2: {  	[sflag:s4] =	ssyncset.done $0x0  }
0xf3: {  	[sflag:s4] =	ssyncadd.s32 $0xFFFFD800  }
0xf4: {  	_ =	swait.ge [sflag:s29], $0x2800  }
0xf5: {  	[sflag:s29] =	ssyncset.done $0x0  }
0xf6: {  	[sflag:s29] =	ssyncadd.s32 $0xFFFFD800  }
0xf7: {  	[spmem:s1] =	stream.indirect.scatter.add.f32 [tilespmem:s28], [sflag:$0x4], $0x80, s31, s30, $0xb8;
	[tilespmem:$0x1C880] =	vst v63  }
0xf8: {  	_ =	swait.ge [sflag:s0], $0x2800  }
0xf9: {  	[sflag:s0] =	ssyncset.done $0x0  }
0xfa: {  	[sflag:s0] =	ssyncadd.s32 $0xFFFFD800  }
0xfb: {  	[bflag:$0x0] =	sbarrier.arrive $0xFFFF  }
0xfc: {  	s16 =	rddreg [dreg:$0x8]  }
0xfd: {  	[hbm:s16], [sflag:s11] =	dma.local [spmem:s12], $0x2700  }
0xfe: {  	_ =	swait.ge [sflag:s26], $0x2700  }
0xff: {  	[sflag:s26] =	ssyncset.done $0x0  }
0x100: {  	[sflag:s26] =	ssyncadd.s32 $0xFFFFD900  }
0x101: {  	s3 =	simm.s32 @p1 $0x3;
	[bflag:$0x0] =	sbarrier.arrive @p1 $0xFFFF  }
0x102: {  	[spmem:s15], [sflag:s11] =	dma.local @p1 [hbm:s8], $0x2700  }
0x103: {  	_ =	swait.ge @p1 [sflag:s3], $0x2700  }
0x104: {  	[sflag:s3] =	ssyncset.done @p1 $0x0  }
0x105: {  	[sflag:s3] =	ssyncadd.s32 @p1 $0xFFFFD900;
	s3 =	rddreg [dreg:$0x9]  }
0x106: {  	[hbm:s3], [sflag:s11] =	dma.local @!p1 [spmem:s13], $0x100  }
0x107: {  	s3 =	simm.s32 @!p1 $0x3  }
0x108: {  	_ =	swait.ge @!p1 [sflag:s3], $0x100  }
0x109: {  	[sflag:s3] =	ssyncset.done @!p1 $0x0  }
0x10a: {  	[sflag:s3] =	ssyncadd.s32 @!p1 $0xFFFFFF00  }
0x10b: {  	[bflag:$0x0] =	sbarrier.arrive @!p1 $0xFFFF  }
0x10c: {  	[spmem:s14], [sflag:s11] =	dma.local @!p1 [hbm:s8], $0x2700  }
0x10d: {  	_ =	swait.ge @!p1 [sflag:s3], $0x2700  }
0x10e: {  	[sflag:s3] =	ssyncset.done @!p1 $0x0  }
0x10f: {  	[sflag:s3] =	ssyncadd.s32 @!p1 $0xFFFFD900  }
0x110: {  	[spmem:s13], [sflag:s11] =	dma.local @!p1 [hbm:s10], $0x100  }
0x111: {  	_ =	swait.ge @!p1 [sflag:s3], $0x100  }
0x112: {  	[sflag:s3] =	ssyncset.done @!p1 $0x0  }
0x113: {  	[sflag:s3] =	ssyncadd.s32 @!p1 $0xFFFFFF00;
	s3 =	simm.s32 $0x0  }
0x114: {  	[bflag:$0x0] =	sbarrier.arrive $0xFFFF;
	s18 =	sand.u32 $0x1, s3  }
0x115: {  	s17 =	rddreg [dreg:$0xa];
	p3 =	seq.s32 s18, $0x1  }
0x116: {  	[tilespmem:s28], [sflag:$0x1] =	stream.linear.gather [hbm4b:s17+s3], $0x2800, $0x38;
	[tilespmem:$0x1C880] =	vst v63  }
0x117: {  	s4 =	simm.s32 @p3 $0x0;
	s5 =	simm.s32 @p3 $0x4000;
	s6 =	simm.s32 @p3 $0x2  }
0x118: {  	[tilespmem:s5], [sflag:$0x1] =	stream.linear.gather @p3 [hbm4b:s22+s4], $0x2800, $0x38;
	[tilespmem:$0x1C880] =	vst v63  }
0x119: {  	s19 =	simm.s32 $0x1;
	_ =	swait.ge @p3 [sflag:s6], $0x2800  }
0x11a: {  	s20 =	sand.u32 $0x1, s19;
	[sflag:s6] =	ssyncset.done @p3 $0x0  }
0x11b: {  	s4 =	simm.s32 @p3 $0x50;
	s5 =	simm.s32 @p3 $0x6800;
	[sflag:s6] =	ssyncadd.s32 @p3 $0xFFFFD800  }
0x11c: {  	[spmem:s1] =	stream.indirect.scatter.add.f32 @p3 [tilespmem:s5], [sflag:$0x3], $0x80, s3, s4, $0xb8;
	[tilespmem:$0x1C880] =	vst v63  }
0x11d: {  	s6 =	simm.s32 @!p3 $0x1;
	s4 =	simm.s32 @!p3 $0x0;
	s5 =	simm.s32 @!p3 $0x6800  }
0x11e: {  	[tilespmem:s5], [sflag:$0x2] =	stream.linear.gather @!p3 [hbm4b:s22+s4], $0x2800, $0x38;
	[tilespmem:$0x1C880] =	vst v63  }
0x11f: {  	s15 =	simm.s32 $0x2;
	s16 =	simm.s32 @!p3 $0x4;
	_ =	swait.ge @!p3 [sflag:s6], $0x2800  }
0x120: {  	s14 =	sadd.s32 $0x500, s22;
	s16 =	simm.s32 @p3 $0x3;
	[sflag:s6] =	ssyncset.done @!p3 $0x0  }
0x121: {  	s5 =	simm.s32 @!p3 $0x4000;
	[sflag:s6] =	ssyncadd.s32 @!p3 $0xFFFFD800;
	s6 =	simm.s32 @!p3 $0x50  }
0x122: {  	[spmem:s1] =	stream.indirect.scatter.add.f32 @!p3 [tilespmem:s5], [sflag:$0x4], $0x80, s3, s6, $0xb8;
	[tilespmem:$0x1C880] =	vst v63  }
0x123: {  	s13 =	simm.s32 $0x80;
	p3 =	seq.s32 s20, $0x1;
	_ =	swait.ge [sflag:s16], $0x2800  }
.LBB2_5:
0x124: {  	s3 =	simm.s32 @p3 $0x0;
	s4 =	simm.s32 @p3 $0x4000  }
0x125: {  	[sflag:s16] =	ssyncset.done $0x0;
	s5 =	smov.u32 s15;
	s6 =	smov.u32 s13  }
0x126: {  	s15 =	sadd.s32 $0x1, s15;
	s17 =	simm.s32 @p3 $0x2;
	[sflag:s16] =	ssyncadd.s32 $0xFFFFD800  }
0x127: {  	[tilespmem:s4], [sflag:$0x1] =	stream.linear.gather @p3 [hbm4b:s14+s3], $0x2800, $0x38;
	[tilespmem:$0x1C880] =	vst v63  }
0x128: {  	p4 =	sne.s32 s15, $0x7C;
	_ =	swait.ge @p3 [sflag:s17], $0x2800  }
0x129: {  	s13 =	sadd.s32 $0x80, s13;
	[sflag:s17] =	ssyncset.done @p3 $0x0  }
0x12a: {  	s3 =	simm.s32 @p3 $0x50;
	s4 =	simm.s32 @p3 $0x6800;
	[sflag:s17] =	ssyncadd.s32 @p3 $0xFFFFD800  }
0x12b: {  	[spmem:s1] =	stream.indirect.scatter.add.f32 @p3 [tilespmem:s4], [sflag:$0x3], $0x80, s6, s3, $0xb8;
	[tilespmem:$0x1C880] =	vst v63  }
0x12c: {  	s17 =	simm.s32 @!p3 $0x1;
	s3 =	simm.s32 @!p3 $0x0;
	s4 =	simm.s32 @!p3 $0x6800  }
0x12d: {  	[tilespmem:s4], [sflag:$0x2] =	stream.linear.gather @!p3 [hbm4b:s14+s3], $0x2800, $0x38;
	[tilespmem:$0x1C880] =	vst v63  }
.Ltmp8:
0x12e: {  	s3 =	sand.u32 $0x1, s5;
	_ =	swait.ge @!p3 [sflag:s17], $0x2800;
	(pc) =	sbr.rel @p4 .LBB2_5-.Ltmp8, $4  }
0x12f: {  	s16 =	simm.s32 @!p3 $0x4;
	s4 =	simm.s32 @!p3 $0x4000;
	[sflag:s17] =	ssyncset.done @!p3 $0x0  }
0x130: {  	s16 =	simm.s32 @p3 $0x3;
	s5 =	simm.s32 @!p3 $0x50;
	[sflag:s17] =	ssyncadd.s32 @!p3 $0xFFFFD800  }
0x131: {  	[spmem:s1] =	stream.indirect.scatter.add.f32 @!p3 [tilespmem:s4], [sflag:$0x4], $0x80, s6, s5, $0xb8;
	[tilespmem:$0x1C880] =	vst v63  }
0x132: {  	s14 =	sadd.s32 $0x500, s14;
	p3 =	seq.s32 s3, $0x1;
	_ =	swait.ge [sflag:s16], $0x2800  }
0x133: {  	s3 =	simm.s32 @p3 $0x0;
	[sflag:s16] =	ssyncset.done $0x0  }
0x134: {  	s4 =	simm.s32 @p3 $0x4000;
	s5 =	simm.s32 @p3 $0x2;
	[sflag:s16] =	ssyncadd.s32 $0xFFFFD800  }
0x135: {  	[tilespmem:s4], [sflag:$0x1] =	stream.linear.gather @p3 [hbm4b:s14+s3], $0x2800, $0x38;
	[tilespmem:$0x1C880] =	vst v63  }
0x136: {  	_ =	swait.ge @p3 [sflag:s5], $0x2800  }
0x137: {  	[sflag:s5] =	ssyncset.done @p3 $0x0  }
0x138: {  	s3 =	simm.s32 @p3 $0x50;
	s4 =	simm.s32 @p3 $0x6800;
	[sflag:s5] =	ssyncadd.s32 @p3 $0xFFFFD800  }
0x139: {  	[spmem:s1] =	stream.indirect.scatter.add.f32 @p3 [tilespmem:s4], [sflag:$0x3], $0x80, s13, s3, $0xb8;
	[tilespmem:$0x1C880] =	vst v63  }
0x13a: {  	s5 =	simm.s32 @!p3 $0x1;
	s3 =	simm.s32 @!p3 $0x0;
	s4 =	simm.s32 @!p3 $0x6800  }
0x13b: {  	[tilespmem:s4], [sflag:$0x2] =	stream.linear.gather @!p3 [hbm4b:s14+s3], $0x2800, $0x38;
	[tilespmem:$0x1C880] =	vst v63  }
0x13c: {  	_ =	swait.ge @!p3 [sflag:s5], $0x2800  }
0x13d: {  	s3 =	simm.s32 @!p3 $0x4000;
	s4 =	simm.s32 @!p3 $0x4;
	[sflag:s5] =	ssyncset.done @!p3 $0x0  }
0x13e: {  	s4 =	simm.s32 @p3 $0x3;
	[sflag:s5] =	ssyncadd.s32 @!p3 $0xFFFFD800;
	s5 =	simm.s32 @!p3 $0x50  }
0x13f: {  	[spmem:s1] =	stream.indirect.scatter.add.f32 @!p3 [tilespmem:s3], [sflag:$0x4], $0x80, s13, s5, $0xb8;
	[tilespmem:$0x1C880] =	vst v63  }
0x140: {  	_ =	swait.ge [sflag:s4], $0x2800  }
0x141: {  	[sflag:s4] =	ssyncset.done $0x0  }
0x142: {  	[sflag:s4] =	ssyncadd.s32 $0xFFFFD800  }
0x143: {  	_ =	swait.ge [sflag:s29], $0x2800  }
0x144: {  	[sflag:s29] =	ssyncset.done $0x0  }
0x145: {  	[sflag:s29] =	ssyncadd.s32 $0xFFFFD800  }
0x146: {  	[spmem:s1] =	stream.indirect.scatter.add.f32 [tilespmem:s28], [sflag:$0x4], $0x80, s31, s30, $0xb8;
	[tilespmem:$0x1C880] =	vst v63  }
0x147: {  	_ =	swait.ge [sflag:s0], $0x2800  }
0x148: {  	[sflag:s0] =	ssyncset.done $0x0  }
0x149: {  	[sflag:s0] =	ssyncadd.s32 $0xFFFFD800  }
0x14a: {  	[bflag:$0x0] =	sbarrier.arrive $0xFFFF  }
0x14b: {  	s20 =	rddreg [dreg:$0xb]  }
0x14c: {  	[hbm:s20], [sflag:s11] =	dma.local [spmem:s12], $0x2700  }
.Ltmp9:
0x14d: {  	_ = 	snop;
	(pc) =	sbr.rel @!p2 .LBB2_13-.Ltmp9, $4  }
.Ltmp10:
0x14e: {  	_ = 	snop;
	(pc) =	sbr.rel @p2 .LBB2_12-.Ltmp10, $4  }
0x14f: {  	_ =	swait.ge [sflag:s26], $0x2700  }
0x150: {  	[sflag:s26] =	ssyncset.done $0x0  }
0x151: {  	s12 =	rddreg [dreg:$0x4];
	[sflag:s26] =	ssyncadd.s32 $0xFFFFD900  }
0x152: {  	_ = 	snop  }
.LBB2_14:
0x153: {  	_ =	sfence.sel $0x180000  }
0x154: {  	[bflag:$0x0] =	sbarrier.arrive $0xFFFF  }
0x155: {  	_ =	strace $0x9000004A  }
0x156: {  	[bflag:$0x2] =	sbarrier.arrive $0xFFFF  }
0x157: {  	s0 =	rddreg [dreg:$0x3]  }
0x158: {  	s0 =	sadd.s32 @!p1 $0x100000, s0  }
0x159: {  	[sflag:s0] =	ssyncadd.tile.s32 @!p1 $0x1;
	_ =	shalt  }
.Lfunc_end2:
_tile_overlayer_lowered:
.L_overlay_start_2:
0x15a: {  	(tag) =	ssettag $0x2  }
0x15b: {  	s0 =	rddreg [dreg:$0x0];
	s2 =	stileid.u32  }
0x15c: {  	s1 =	rddreg [dreg:$0x1];
	p0 =	sne.s32 s2, $0x0  }
0x15d: {  	s3 =	rddreg [dreg:$0x2];
	[bflag:$0x3] =	sbarrier.arrive $0xFFFF;
	s2 =	simm.s32 @!p0 $0x1C03  }
0x15e: {  	[timem:s3], [sflag:s2] =	dma.local @!p0 [hbm:s0], s1  }
0x15f: {  	s0 =	simm.s32 @!p0 $0x3  }
0x160: {  	_ =	swait.ge @!p0 [sflag:s0], s1  }
0x161: {  	s1 =	ssub.s32 @!p0 $0x0, s1;
	[sflag:s0] =	ssyncset.done @!p0 $0x0  }
0x162: {  	[sflag:s0] =	ssyncadd.s32 @!p0 s1  }
0x163: {  	[bflag:$0x3] =	sbarrier.arrive $0xFFFF  }
0x164: {  	_ =	shalt  }

// kernel: kernel.7.cloned.1.call-start
scs
__scs_entry_jumppad:
0x0: {  	(pc) =	sbr.rel $0x88, $3  }
0x1: {  	(tag) =	ssettag $0x0;
	lr =	simm.s32 $0x1  }
0x2: {  	[smem:$0x3F86] =	sst lr;
	_ =	strace $0xD0000000  }
0x3: {  	_ = 	snop  }
0x4: {  	_ = 	snop  }
0x5: {  	_ = 	snop  }
0x6: {  	_ = 	snop  }
0x7: {  	_ = 	snop  }
__scs_overlays_trampoline_lowered:
0x8: {  	[smem:$0x3F95] =	sst s0  }
0x9: {  	[smem:$0x3F96] =	sst s1  }
0xa: {  	[smem:$0x3F97] =	sst s2  }
0xb: {  	[smem:$0x3F98] =	sst s3  }
0xc: {  	[smem:$0x3F99] =	sst s4  }
0xd: {  	[smem:$0x3F9A] =	sst s5  }
0xe: {  	[smem:$0x3F9B] =	sst s6  }
0xf: {  	[smem:$0x3F9C] =	sst s7  }
0x10: {  	[smem:$0x3F9D] =	sst s8  }
0x11: {  	[smem:$0x3F9E] =	sst s9;
	s0 =	simm.s32 @!p0 $0x0  }
0x12: {  	s1 =	sld [smem:$0x3F84];
	s0 =	simm.s32 @p0 $0x1  }
0x13: {  	[smem:$0x3F9F] =	sst s0;
	s0 =	simm.s32 @!p1 $0x0  }
0x14: {  	s2 =	sld [smem:$0x3F83];
	s0 =	simm.s32 @p1 $0x1  }
0x15: {  	[smem:$0x3FA0] =	sst s0;
	s0 =	simm.s32 @!p2 $0x0  }
0x16: {  	s3 =	sld [smem:$0x3FDB];
	s0 =	simm.s32 @p2 $0x1  }
0x17: {  	s4 =	simm.s32 $0x1BF5;
	[smem:$0x3FA2] =	sst s0  }
0x18: {  	s0 =	sld [smem:$0x3F85];
	_ =	swait.ge [sflag:s4], $0x0  }
0x19: {  	s7 =	sld [smem:$0x3F86]  }
0x1a: {  	s8 =	sadd.s32 $0xFFFFE003, lr  }
0x1b: {  	s9 =	sadd.s32 $0xFFFFFEF7, lr;
	s5 =	simm.s32 $0xFFFFFFFF;
	p2 =	slt.u32 s8, $0xFFFFF086  }
0x1c: {  	p1 =	slt.u32 s9, $0xF7A;
	s5 =	simm.s32 @!p2 $0x0  }
0x1d: {  	s5 =	simm.s32 @p1 $0x1;
	p0 =	seq.s32 s7, s2  }
0x1e: {  	s7 =	smul.u32 @!p0 $0xF7A, s2;
	p2 =	seq.s32 @!p0 s5, $0x0  }
0x1f: {  	s9 =	smul.u32 $0xF7A, s1;
	s8 =	simm.s32 @!p0 $0x1BF5;
	p2 =	por !p2, p0  }
0x20: {  	[sflag:s8] =	ssyncset.s32 @!p0 $0xFFFFF086;
	s6 =	sadd.s32 @!p0 s3, s7;
	s7 =	simm.s32 @!p0 $0x108  }
0x21: {  	s3 =	sadd.s32 s3, s9;
	s6 =	sadd.s32 @!p0 $0x88, s6;
	s7 =	simm.s32 @p2 $0x1082  }
0x22: {  	[simem:s7], [sflag:s8] =	dma.local @!p0 [hbm:s6], $0xF7A  }
0x23: {  	s9 =	sor.u32 $0xD0000000, s2;
	s6 =	simm.s32 $0x108;
	_ =	swait.ge @!p0 [sflag:s8], $0x0  }
0x24: {  	s3 =	sadd.s32 $0x88, s3;
	s6 =	simm.s32 @!p1 $0x1082;
	[sflag:s4] =	ssyncset.s32 $0xFFFFF086  }
0x25: {  	[simem:s6], [sflag:s4] =	dma.local [hbm:s3], $0xF7A  }
0x26: {  	[smem:$0x3F86] =	sst s1;
	(tag) =	ssettag s2;
	_ =	strace s9  }
0x27: {  	s1 =	sld [smem:$0x3F96]  }
0x28: {  	s2 =	sld [smem:$0x3F97]  }
0x29: {  	s4 =	sld [smem:$0x3F99]  }
0x2a: {  	p0 =	seq.s32 s5, $0x0;
	s5 =	sld [smem:$0x3F9A]  }
0x2b: {  	s6 =	sld [smem:$0x3F9B]  }
0x2c: {  	s7 =	sld [smem:$0x3F9C]  }
0x2d: {  	s3 =	simm.s32 $0x108;
	s8 =	sld [smem:$0x3F9D]  }
0x2e: {  	s3 =	simm.s32 @!p0 $0x1082;
	s9 =	sld [smem:$0x3F9E]  }
0x2f: {  	lr =	sadd.s32 s0, s3;
	s0 =	sld [smem:$0x3F95]  }
0x30: {  	s3 =	sld [smem:$0x3F98]  }
0x31: {  	[smem:$0x3FA1] =	sst s10  }
0x32: {  	s10 =	sld [smem:$0x3F9F];
	_ =	sdelay $0x3  }
0x33: {  	p0 =	seq.s32 s10, $0x1;
	s10 =	sld [smem:$0x3FA1];
	_ =	sdelay $0x3  }
0x34: {  	[smem:$0x3FA1] =	sst s10  }
0x35: {  	s10 =	sld [smem:$0x3FA0];
	_ =	sdelay $0x3  }
0x36: {  	p1 =	seq.s32 s10, $0x1;
	s10 =	sld [smem:$0x3FA1];
	_ =	sdelay $0x3  }
0x37: {  	[smem:$0x3FA1] =	sst s10  }
0x38: {  	s10 =	sld [smem:$0x3FA2]  }
0x39: {  	_ = 	snop;
	(pc) =	sbr.ind lr, $3  }
0x3a: {  	_ = 	snop  }
0x3b: {  	_ = 	snop  }
0x3c: {  	p2 =	seq.s32 s10, $0x1;
	s10 =	sld [smem:$0x3FA1]  }
0x3d: {  	_ =	shalt  }
0x3e: {  	_ =	shalt  }
0x3f: {  	_ =	shalt  }
0x40: {  	_ =	shalt  }
0x41: {  	_ =	shalt  }
0x42: {  	_ =	shalt  }
0x43: {  	_ =	shalt  }
0x44: {  	_ =	shalt  }
0x45: {  	_ =	shalt  }
0x46: {  	_ =	shalt  }
0x47: {  	_ =	shalt  }
0x48: {  	_ =	shalt  }
0x49: {  	_ =	shalt  }
0x4a: {  	_ =	shalt  }
0x4b: {  	_ =	shalt  }
0x4c: {  	_ =	shalt  }
0x4d: {  	_ =	shalt  }
0x4e: {  	_ =	shalt  }
0x4f: {  	_ =	shalt  }
0x50: {  	_ =	shalt  }
0x51: {  	_ =	shalt  }
0x52: {  	_ =	shalt  }
0x53: {  	_ =	shalt  }
0x54: {  	_ =	shalt  }
0x55: {  	_ =	shalt  }
0x56: {  	_ =	shalt  }
0x57: {  	_ =	shalt  }
0x58: {  	_ =	shalt  }
0x59: {  	_ =	shalt  }
0x5a: {  	_ =	shalt  }
0x5b: {  	_ =	shalt  }
0x5c: {  	_ =	shalt  }
0x5d: {  	_ =	shalt  }
0x5e: {  	_ =	shalt  }
0x5f: {  	_ =	shalt  }
0x60: {  	_ =	shalt  }
0x61: {  	_ =	shalt  }
0x62: {  	_ =	shalt  }
0x63: {  	_ =	shalt  }
0x64: {  	_ =	shalt  }
0x65: {  	_ =	shalt  }
0x66: {  	_ =	shalt  }
0x67: {  	_ =	shalt  }
0x68: {  	_ =	shalt  }
0x69: {  	_ =	shalt  }
0x6a: {  	_ =	shalt  }
0x6b: {  	_ =	shalt  }
0x6c: {  	_ =	shalt  }
0x6d: {  	_ =	shalt  }
0x6e: {  	_ =	shalt  }
0x6f: {  	_ =	shalt  }
0x70: {  	_ =	shalt  }
0x71: {  	_ =	shalt  }
0x72: {  	_ =	shalt  }
0x73: {  	_ =	shalt  }
0x74: {  	_ =	shalt  }
0x75: {  	_ =	shalt  }
0x76: {  	_ =	shalt  }
0x77: {  	_ =	shalt  }
0x78: {  	_ =	shalt  }
0x79: {  	_ =	shalt  }
0x7a: {  	_ =	shalt  }
0x7b: {  	_ =	shalt  }
0x7c: {  	_ =	shalt  }
0x7d: {  	_ =	shalt  }
0x7e: {  	_ =	shalt  }
0x7f: {  	_ =	shalt  }
0x80: {  	_ =	shalt  }
0x81: {  	_ =	shalt  }
0x82: {  	_ =	shalt  }
0x83: {  	_ =	shalt  }
0x84: {  	_ =	shalt  }
0x85: {  	_ =	shalt  }
0x86: {  	_ =	shalt  }
0x87: {  	_ =	shalt  }
.Lfunc_end0:
.L_simem_size_0:
called_computation_lowered:
.L_overlay_start_0:
0x88: {  	s2 =	sld [smem:$0x3FD9]  }
0x89: {  	s3 =	sld [smem:$0x3FFE];
	_ =	sdelay $0x1  }
0x8a: {  	s1 =	srdreg.scid  }
0x8b: {  	s0 =	sand.u32 $0x1, s1  }
0x8c: {  	s14 =	sshll.u32 s0, $0xA;
	s2 =	sadd.s32 s3, s2  }
0x8d: {  	s2 =	sadd.s32 s2, s14  }
0x8e: {  	[smem:$0x3FAD] =	sst s2  }
0x8f: {  	_ = 	snop  }
0x90: {  	s2 =	sld [smem:$0x3FD0];
	_ =	sdelay $0x2  }
0x91: {  	s15 =	simm.s32 $0xA;
	s4 =	simm.s32 $0x10  }
0x92: {  	[smem:s4], [sflag:s15] =	dma.local [hbm:s2], $0x1  }
0x93: {  	_ =	swait.eq [sflag:s15], $0x1  }
0x94: {  	[sflag:s15] =	ssyncset.done $0x0  }
0x95: {  	[sflag:s15] =	ssyncadd.s32 $0xFFFFFFFF  }
0x96: {  	s16 =	sld [smem:$0x12];
	(tm) =	ssettm $0x1  }
0x97: {  	s17 =	sld [smem:$0x3FFB];
	_ =	sdelay $0x3  }
0x98: {  	_ =	strace s17  }
0x99: {  	s3 =	sld [smem:$0x3FFC];
	_ =	sdelay $0x3  }
0x9a: {  	_ =	strace s3  }
0x9b: {  	s3 =	sld [smem:$0x3FFD];
	_ =	sdelay $0x3  }
0x9c: {  	_ =	strace s3  }
0x9d: {  	_ =	strace $0x8FFFFFFF  }
0x9e: {  	s18 =	sld [smem:$0x3FDB];
	_ =	sdelay $0x1  }
0x9f: {  	s19 =	simm.s32 $_scs_section_size  }
0xa0: {  	s5 =	simm.s32 $_size__tile_overlayer_lowered;
	s6 =	simm.s32 $_tile_overlayer_lowered  }
0xa1: {  	s22 =	simm.s32 $0x1BFF;
	s21 =	sshll.u32 s6, $0x1;
	s3 =	sadd.s32 s19, s18  }
0xa2: {  	s7 =	simm.s32 $0x0;
	s20 =	sshll.u32 s5, $0x1;
	s5 =	sadd.s32 s21, s3  }
0xa3: {  	[timem:s7], [sflag:s22] =	dma.local [hbm:s5], s20  }
0xa4: {  	_ =	swait.ge [sflag:s22], s20  }
0xa5: {  	s4 =	ssub.s32 $0x0, s20;
	[sflag:s22] =	ssyncset.done $0x0  }
0xa6: {  	[sflag:s22] =	ssyncadd.s32 s4;
	_ =	sdelay $0x1  }
0xa7: {  	s23 =	simm.s32 $0x1B8B  }
0xa8: {  	_ =	swait.ge [sflag:s23], $0x1  }
0xa9: {  	[sflag:s23] =	ssyncset.done $0x0  }
0xaa: {  	s25 =	simm.s32 $0x1B8E;
	s24 =	sld [smem:$0x3FFE];
	[sflag:s23] =	ssyncadd.s32 $0xFFFFFFFF  }
0xab: {  	s26 =	simm.s32 $execute0_lowered;
	[smem:$0x3FD2] =	sst s25  }
0xac: {  	s5 =	sshll.u32 s26, $0x1;
	_ =	strace $0x80000046;
	[dreg:$0x1] =	wrdreg $0xFFFFFFFF  }
0xad: {  	s28 =	simm.s32 $_size_execute0_lowered;
	s3 =	sadd.s32 s3, s5;
	[dreg:$0x0] =	wrdreg $0x0  }
0xae: {  	s5 =	sshll.u32 s28, $0x1;
	[dreg:$0x2] =	wrdreg s3  }
0xaf: {  	[dreg:$0x3] =	wrdreg s5  }
0xb0: {  	[dreg:$0x4] =	wrdreg $0xC0  }
0xb1: {  	_ =	task [dreg:s7], $0x5FFFF  }
0xb2: {  	[dreg:$0x1] =	wrdreg $0xFFFFFFFF  }
0xb3: {  	[dreg:$0x0] =	wrdreg $0x60  }
0xb4: {  	[dreg:$0x2] =	wrdreg s24  }
0xb5: {  	[dreg:$0x3] =	wrdreg s16  }
0xb6: {  	[dreg:$0x4] =	wrdreg $0x9  }
0xb7: {  	_ =	task.clear_ibuf [dreg:s7], $0x5FFFF;
	_ =	strace $0x90000046  }
0xb8: {  	s29 =	simm.s32 $0x9;
	_ =	strace $0x80000048  }
0xb9: {  	_ =	swait.ge [sflag:s29], $0x1  }
0xba: {  	[sflag:s29] =	ssyncadd.s32 $0xFFFFFFFF  }
0xbb: {  	_ =	strace $0x90000048  }
0xbc: {  	_ =	sfence  }
0xbd: {  	s30 =	sld [smem:$0x0];
	_ =	sdelay $0x2  }
0xbe: {  	s31 =	sshll.u32 s1, $0xD;
	s1 =	sshrl.u32 s1, $0x2  }
0xbf: {  	s3 =	sand.u32 $0x4000, s31;
	s1 =	sadd.s32 s1, s30  }
0xc0: {  	s0 =	sor.u32 s3, s0;
	s1 =	sshll.u32 s1, $0x11  }
0xc1: {  	s0 =	sor.u32 s1, s0  }
0xc2: {  	s0 =	sadd.s32 $0x8F2B, s0  }
0xc3: {  	[sflag:s0] =	ssyncadd.remote.s32 $0x1  }
0xc4: {  	_ =	sfence.sel $0xFFFF  }
0xc5: {  	[dreg:$0x0] =	wrdreg $0xFFFFFFFF;
	(pc) =	sbr.abs _section_cstart, $3  }
0xc6: {  	[dreg:$0x1] =	wrdreg $0xFFFFFFFF  }
0xc7: {  	_ =	task.clear_ibuf [dreg:s7], $0x2FFFF;
	_ =	strace $0x9FFFFFFF  }
0xc8: {  	(tm) =	ssettm $0x7FFFFFFF  }
0xc9: {  	_ =	shalt  }
tec
execute0_lowered:
.L_overlay_start_1:
0x0: {  	(tag) =	ssettag $0x1  }
0x1: {  	s0 =	srdreg.scid  }
0x2: {  	s13 =	stileid.u32;
	s8 =	rddreg [dreg:$0x0]  }
0x3: {  	s2 =	rddreg [dreg:$0x1];
	s4 =	simm.s32 $0x0;
	s18 =	simm.s32 $0x2800  }
0x4: {  	s17 =	simm.s32 $0xF000;
	s14 =	simm.s32 $0x11000;
	s15 =	simm.s32 $0x11800  }
0x5: {  	s16 =	simm.s32 $0x12000;
	s19 =	simm.s32 $0x12800;
	s20 =	simm.s32 $0x13000  }
0x6: {  	s21 =	simm.s32 $0x13800;
	s22 =	simm.s32 $0x3;
	s23 =	simm.s32 $0x2  }
0x7: {  	s24 =	simm.s32 $0x8C00;
	s0 =	sand.u32 $0x1, s0;
	s1 =	sshll.u32 s13, $0x1  }
0x8: {  	[smem:$0x7FF] =	sst s4;
	s5 =	sadd.s32 $0xEC00, s8;
	s10 =	smul.u32 $0x2710, s13  }
0x9: {  	s6 =	sadd.s32 $0xD2200, s8;
	s7 =	sadd.s32 $0xD07200, s8;
	s26 =	smul.u32 $0x9C400, s13  }
0xa: {  	s13 =	simm.s32 $0x10800;
	s9 =	ssub.s32 $0x2, s0;
	s12 =	smul.u32 $0x1388, s0  }
0xb: {  	s1 =	sor.u32 s0, s1;
	s0 =	smul.u32 $0x4E200, s0;
	s11 =	sshrl.u32 s9, $0x1  }
0xc: {  	_ =	strace $0x80000047;
	s3 =	smul.u32 $0x1388, s1;
	s9 =	ssub.s32 s9, s11  }
0xd: {  	s28 =	sadd.s32 s12, s10;
	s10 =	sadd.s32 $0x100, s2;
	s11 =	sadd.s32 $0x200, s2  }
0xe: {  	s1 =	sshrl.u32 s3, $0x3;
	s12 =	sshrl.u32 s28, $0x3;
	s30 =	smax.u32 s9, $0x1  }
0xf: {  	s9 =	simm.s32 $0x10000;
	s1 =	sadd.s32 s1, s8;
	s29 =	smul.u32 $0x280, s12  }
.Ltmp0:
0x10: {  	[dreg:$0x5] =	wrdreg s30;
	s25 =	sadd.s32 $0x9C00, s1;
	(pc) =	sbr.rel .LBB2_1-.Ltmp0, $4  }
0x11: {  	s12 =	sadd.s32 $0xED00, s8;
	s1 =	sadd.s32 $0x4C00, s1;
	[dreg:$0x3] =	wrdreg s25  }
0x12: {  	v2 =	vlaneseq.u32;
	[dreg:$0x4] =	wrdreg s1;
	s1 =	sadd.s32 s26, s7;
	s31 =	sadd.s32 s29, s6  }
0x13: {  	vm0 =	vmmov $0xffff;
	vm1 =	vmmov $0xff;
	v1 =	vshrl.u32 v2, $0x3;
	s25 =	simm.s32 $0x14000;
	s0 =	sadd.s32 s0, s1;
	[dreg:$0x7] =	wrdreg s31  }
0x14: {  	v0 =	vand.u32 $0x7, v2;
	v2 =	vor.u32 $0x8, v2;
	v1 =	vmul.u32 $0x8, v1;
	s26 =	simm.s32 $0x1;
	s1 =	simm.s32 $0x0;
	[dreg:$0x6] =	wrdreg s0  }
.LBB2_8:
0x15: {  	_ =	swait.ge [sflag:s22], $0x6400  }
0x16: {  	[sflag:s22] =	ssyncset.done $0x0  }
0x17: {  	[sflag:s22] =	ssyncadd.s32 $0xFFFF9C00  }
0x18: {  	_ =	swait.ge [sflag:s22], $0x5000  }
0x19: {  	s1 =	rddreg [dreg:$0x8]  }
0x1a: {  	s0 =	rddreg [dreg:$0x5];
	s1 =	sadd.s32 $0x1, s1  }
0x1b: {  	p0 =	sne.s32 s1, s0  }
.Ltmp1:
0x1c: {  	_ = 	snop;
	(pc) =	sbr.rel @!p0 .LBB2_9-.Ltmp1, $3  }
0x1d: {  	_ =	sdelay $0x1  }
0x1e: {  	[sflag:s22] =	ssyncset.done $0x0  }
0x1f: {  	[sflag:s22] =	ssyncadd.s32 $0xFFFFB000  }
.LBB2_1:
0x20: {  	[dreg:$0x8] =	wrdreg s1  }
0x21: {  	s0 =	rddreg [dreg:$0x3];
	s1 =	simm.s32 $0x5  }
0x22: {  	[tilespmem:s4], [sflag:$0x5] =	stream.linear.gather [hbm4b:s0+s4], $0x1388, $0x38;
	[tilespmem:$0x19000] =	vst v63  }
0x23: {  	_ =	swait.ge [sflag:s1], $0x1388  }
0x24: {  	[sflag:s1] =	ssyncset.done $0x0  }
0x25: {  	s8 =	simm.s32 $0x1400;
	s0 =	rddreg [dreg:$0x4];
	[sflag:s1] =	ssyncadd.s32 $0xFFFFEC78  }
0x26: {  	[tilespmem:s8], [sflag:$0x5] =	stream.linear.gather [hbm4b:s0+s4], $0x1388, $0x38;
	[tilespmem:$0x19000] =	vst v63  }
0x27: {  	_ =	swait.ge [sflag:s1], $0x1388  }
0x28: {  	[sflag:s1] =	ssyncset.done $0x0  }
0x29: {  	[sflag:s1] =	ssyncadd.s32 $0xFFFFEC78  }
0x2a: {  	v3 =	vld [tilespmem:$0x0];
	_ =	sdelay $0x4  }
0x2b: {  	v4 =	vshrl.u32 v3, $0x3  }
0x2c: {  	v4 =	vmul.u32 $0x28, v4  }
0x2d: {  	v3 =	vand.u32 $0x7, v3  }
0x2e: {  	v3 =	vor.u32 v3, v4  }
0x2f: {  	v4 =	vperm.xlane v3, v0;
	_ =	sdelay $0x1  }
0x30: {  	v4 =	vadd.s32 v1, v4;
	_ =	sdelay $0x3  }
0x31: {  	v3 =	vperm.xlane v3, v2  }
0x32: {  	[tilespmem:s18], [sflag:$0x1] =	stream.indirect_vreg.gather [hbm4b:s2+s4], $0x80, v4, vm0, $0xb8;
	[tilespmem:$0x19000] =	vst v63  }
0x33: {  	s8 =	simm.s32 $0x3000;
	v3 =	vadd.s32 v1, v3  }
0x34: {  	[tilespmem:s8], [sflag:$0x1] =	stream.indirect_vreg.gather [hbm4b:s10+s4], $0x80, v4, vm0, $0xb8;
	[tilespmem:$0x19000] =	vst v63  }
0x35: {  	s1 =	simm.s32 $0x3800  }
0x36: {  	[tilespmem:s1], [sflag:$0x1] =	stream.indirect_vreg.gather [hbm4b:s11+s4], $0x80, v4, vm1, $0xb8;
	[tilespmem:$0x19000] =	vst v63  }
0x37: {  	s8 =	simm.s32 $0x3C00  }
0x38: {  	[tilespmem:s8], [sflag:$0x1] =	stream.indirect_vreg.gather [hbm4b:s2+s4], $0x80, v3, vm0, $0xb8;
	[tilespmem:$0x19000] =	vst v63  }
0x39: {  	s1 =	simm.s32 $0x4400  }
0x3a: {  	[tilespmem:s1], [sflag:$0x1] =	stream.indirect_vreg.gather [hbm4b:s10+s4], $0x80, v3, vm0, $0xb8;
	[tilespmem:$0x19000] =	vst v63  }
0x3b: {  	s8 =	simm.s32 $0x4C00  }
0x3c: {  	[tilespmem:s8], [sflag:$0x1] =	stream.indirect_vreg.gather [hbm4b:s11+s4], $0x80, v3, vm1, $0xb8;
	[tilespmem:$0x19000] =	vst v63  }
0x3d: {  	v3 =	vld [tilespmem:$0x10];
	_ =	sdelay $0x4  }
0x3e: {  	v59 =	vshrl.u32 v3, $0x3  }
0x3f: {  	v4 =	vmul.u32 $0x28, v59  }
0x40: {  	v3 =	vand.u32 $0x7, v3  }
0x41: {  	v3 =	vor.u32 v3, v4  }
0x42: {  	v4 =	vperm.xlane v3, v0;
	_ =	sdelay $0x1  }
0x43: {  	v4 =	vadd.s32 v1, v4;
	_ =	sdelay $0x3  }
0x44: {  	s1 =	simm.s32 $0x5000;
	v3 =	vperm.xlane v3, v2  }
0x45: {  	[tilespmem:s1], [sflag:$0x1] =	stream.indirect_vreg.gather [hbm4b:s2+s4], $0x80, v4, vm0, $0xb8;
	[tilespmem:$0x19000] =	vst v63  }
0x46: {  	s8 =	simm.s32 $0x5800;
	v3 =	vadd.s32 v1, v3  }
0x47: {  	[tilespmem:s8], [sflag:$0x1] =	stream.indirect_vreg.gather [hbm4b:s10+s4], $0x80, v4, vm0, $0xb8;
	[tilespmem:$0x19000] =	vst v63  }
0x48: {  	s1 =	simm.s32 $0x6000  }
0x49: {  	[tilespmem:s1], [sflag:$0x1] =	stream.indirect_vreg.gather [hbm4b:s11+s4], $0x80, v4, vm1, $0xb8;
	[tilespmem:$0x19000] =	vst v63  }
0x4a: {  	s8 =	simm.s32 $0x6400  }
0x4b: {  	[tilespmem:s8], [sflag:$0x1] =	stream.indirect_vreg.gather [hbm4b:s2+s4], $0x80, v3, vm0, $0xb8;
	[tilespmem:$0x19000] =	vst v63  }
0x4c: {  	s1 =	simm.s32 $0x6C00  }
0x4d: {  	[tilespmem:s1], [sflag:$0x1] =	stream.indirect_vreg.gather [hbm4b:s10+s4], $0x80, v3, vm0, $0xb8;
	[tilespmem:$0x19000] =	vst v63  }
0x4e: {  	s8 =	simm.s32 $0x7400  }
0x4f: {  	[tilespmem:s8], [sflag:$0x1] =	stream.indirect_vreg.gather [hbm4b:s11+s4], $0x80, v3, vm1, $0xb8;
	[tilespmem:$0x19000] =	vst v63  }
0x50: {  	v3 =	vld.msk [tilespmem:$0x20], $0xff;
	_ =	sdelay $0x4  }
0x51: {  	v60 =	vshrl.u32 v3, $0x3  }
0x52: {  	v4 =	vmul.u32 $0x28, v60  }
0x53: {  	v3 =	vand.u32 $0x7, v3  }
0x54: {  	v3 =	vor.u32 v3, v4  }
0x55: {  	v3 =	vperm.xlane v3, v0;
	_ =	sdelay $0x1  }
0x56: {  	v3 =	vadd.s32 v1, v3;
	_ =	sdelay $0x3  }
0x57: {  	s1 =	simm.s32 $0x7800  }
0x58: {  	[tilespmem:s1], [sflag:$0x1] =	stream.indirect_vreg.gather [hbm4b:s2+s4], $0x80, v3, vm0, $0xb8;
	[tilespmem:$0x19000] =	vst v63  }
0x59: {  	s8 =	simm.s32 $0x8000  }
0x5a: {  	[tilespmem:s8], [sflag:$0x1] =	stream.indirect_vreg.gather [hbm4b:s10+s4], $0x80, v3, vm0, $0xb8;
	[tilespmem:$0x19000] =	vst v63  }
0x5b: {  	s1 =	simm.s32 $0x8800  }
0x5c: {  	[tilespmem:s1], [sflag:$0x1] =	stream.indirect_vreg.gather [hbm4b:s11+s4], $0x80, v3, vm1, $0xb8;
	[tilespmem:$0x19000] =	vst v63  }
0x5d: {  	v3 =	vld [tilespmem:$0x1400];
	_ =	sdelay $0x4  }
0x5e: {  	v61 =	vshll.u32 v3, $0x2  }
0x5f: {  	v3 =	vand.u32 $0x7, v3;
	v4 =	vand.u32 $0xFFFFFFE0, v61  }
0x60: {  	v3 =	vor.u32 v3, v4  }
0x61: {  	v4 =	vperm.xlane v3, v0;
	_ =	sdelay $0x1  }
0x62: {  	v4 =	vadd.s32 v1, v4;
	_ =	sdelay $0x1  }
0x63: {  	v3 =	vperm.xlane v3, v2;
	_ =	sdelay $0x1  }
0x64: {  	v3 =	vadd.s32 v1, v3  }
0x65: {  	[tilespmem:s17], [sflag:$0x1] =	stream.indirect_vreg.gather [hbm4b:s5+s4], $0x80, v4, vm0, $0xb8;
	[tilespmem:$0x19000] =	vst v63  }
0x66: {  	s8 =	simm.s32 $0xF800  }
0x67: {  	[tilespmem:s8], [sflag:$0x1] =	stream.indirect_vreg.gather [hbm4b:s12+s4], $0x80, v4, vm0, $0xb8;
	[tilespmem:$0x19000] =	vst v63  }
0x68: {  	_ = 	snop  }
0x69: {  	[tilespmem:s9], [sflag:$0x1] =	stream.indirect_vreg.gather [hbm4b:s5+s4], $0x80, v3, vm0, $0xb8;
	[tilespmem:$0x19000] =	vst v63  }
0x6a: {  	_ = 	snop  }
0x6b: {  	[tilespmem:s13], [sflag:$0x1] =	stream.indirect_vreg.gather [hbm4b:s12+s4], $0x80, v3, vm0, $0xb8;
	[tilespmem:$0x19000] =	vst v63  }
0x6c: {  	v3 =	vld [tilespmem:$0x1410];
	_ =	sdelay $0x4  }
0x6d: {  	v62 =	vshll.u32 v3, $0x2  }
0x6e: {  	v3 =	vand.u32 $0x7, v3;
	v4 =	vand.u32 $0xFFFFFFE0, v62  }
0x6f: {  	v3 =	vor.u32 v3, v4  }
0x70: {  	v4 =	vperm.xlane v3, v0;
	_ =	sdelay $0x1  }
0x71: {  	v4 =	vadd.s32 v1, v4;
	_ =	sdelay $0x1  }
0x72: {  	v3 =	vperm.xlane v3, v2;
	_ =	sdelay $0x1  }
0x73: {  	v3 =	vadd.s32 v1, v3  }
0x74: {  	[tilespmem:s14], [sflag:$0x1] =	stream.indirect_vreg.gather [hbm4b:s5+s4], $0x80, v4, vm0, $0xb8;
	[tilespmem:$0x19000] =	vst v63  }
0x75: {  	_ = 	snop  }
0x76: {  	[tilespmem:s15], [sflag:$0x1] =	stream.indirect_vreg.gather [hbm4b:s12+s4], $0x80, v4, vm0, $0xb8;
	[tilespmem:$0x19000] =	vst v63  }
0x77: {  	_ = 	snop  }
0x78: {  	[tilespmem:s16], [sflag:$0x1] =	stream.indirect_vreg.gather [hbm4b:s5+s4], $0x80, v3, vm0, $0xb8;
	[tilespmem:$0x19000] =	vst v63  }
0x79: {  	_ = 	snop  }
0x7a: {  	[tilespmem:s19], [sflag:$0x1] =	stream.indirect_vreg.gather [hbm4b:s12+s4], $0x80, v3, vm0, $0xb8;
	[tilespmem:$0x19000] =	vst v63  }
0x7b: {  	v3 =	vld.msk [tilespmem:$0x1420], $0xff;
	_ =	sdelay $0x4  }
0x7c: {  	v63 =	vshll.u32 v3, $0x2  }
0x7d: {  	v3 =	vand.u32 $0x7, v3;
	v4 =	vand.u32 $0xFFFFFFE0, v63  }
0x7e: {  	v3 =	vor.u32 v3, v4  }
0x7f: {  	v3 =	vperm.xlane v3, v0;
	_ =	sdelay $0x1  }
0x80: {  	v3 =	vadd.s32 v1, v3;
	_ =	sdelay $0x2  }
.Ltmp2:
0x81: {  	_ = 	snop;
	(pc) =	sbr.rel .LBB2_2-.Ltmp2, $4  }
0x82: {  	s28 =	simm.s32 $0x0;
	s29 =	rddreg [dreg:$0x7]  }
0x83: {  	[tilespmem:s20], [sflag:$0x1] =	stream.indirect_vreg.gather [hbm4b:s5+s4], $0x80, v3, vm0, $0xb8;
	[tilespmem:$0x19000] =	vst v63  }
0x84: {  	s31 =	simm.s32 $0x0;
	s30 =	rddreg [dreg:$0x6];
	s1 =	simm.s32 $0x0  }
0x85: {  	[tilespmem:s21], [sflag:$0x1] =	stream.indirect_vreg.gather [hbm4b:s12+s4], $0x80, v3, vm0, $0xb8;
	[tilespmem:$0x19000] =	vst v63  }
.LBB2_6:
0x86: {  	_ =	swait.ge [sflag:s22], $0x6400  }
0x87: {  	[sflag:s22] =	ssyncset.done $0x0  }
0x88: {  	[sflag:s22] =	ssyncadd.s32 $0xFFFF9C00  }
0x89: {  	_ =	swait.ge [sflag:s22], $0x5000  }
0x8a: {  	[sflag:s22] =	ssyncset.done $0x0  }
0x8b: {  	s0 =	sshra.s32 s31, $0x2;
	[sflag:s22] =	ssyncadd.s32 $0xFFFFB000  }
0x8c: {  	v3 =	vld [tilespmem:s0+$0x28];
	_ =	sdelay $0x4  }
0x8d: {  	v4 =	vshrl.u32 v3, $0x3  }
0x8e: {  	v4 =	vmul.u32 $0x28, v4  }
0x8f: {  	v3 =	vand.u32 $0x7, v3  }
0x90: {  	v3 =	vor.u32 v3, v4  }
0x91: {  	v4 =	vperm.xlane v3, v0;
	_ =	sdelay $0x1  }
0x92: {  	v4 =	vadd.s32 v1, v4;
	_ =	sdelay $0x3  }
0x93: {  	v3 =	vperm.xlane v3, v2  }
0x94: {  	[tilespmem:s18], [sflag:$0x1] =	stream.indirect_vreg.gather [hbm4b:s2+s4], $0x80, v4, vm0, $0xb8;
	[tilespmem:$0x19000] =	vst v63  }
0x95: {  	s8 =	simm.s32 $0x3000;
	v3 =	vadd.s32 v1, v3  }
0x96: {  	[tilespmem:s8], [sflag:$0x1] =	stream.indirect_vreg.gather [hbm4b:s10+s4], $0x80, v4, vm0, $0xb8;
	[tilespmem:$0x19000] =	vst v63  }
0x97: {  	s8 =	simm.s32 $0x3800  }
0x98: {  	[tilespmem:s8], [sflag:$0x1] =	stream.indirect_vreg.gather [hbm4b:s11+s4], $0x80, v4, vm1, $0xb8;
	[tilespmem:$0x19000] =	vst v63  }
0x99: {  	s8 =	simm.s32 $0x3C00  }
0x9a: {  	[tilespmem:s8], [sflag:$0x1] =	stream.indirect_vreg.gather [hbm4b:s2+s4], $0x80, v3, vm0, $0xb8;
	[tilespmem:$0x19000] =	vst v63  }
0x9b: {  	s8 =	simm.s32 $0x4400  }
0x9c: {  	[tilespmem:s8], [sflag:$0x1] =	stream.indirect_vreg.gather [hbm4b:s10+s4], $0x80, v3, vm0, $0xb8;
	[tilespmem:$0x19000] =	vst v63  }
0x9d: {  	s8 =	simm.s32 $0x4C00  }
0x9e: {  	[tilespmem:s8], [sflag:$0x1] =	stream.indirect_vreg.gather [hbm4b:s11+s4], $0x80, v3, vm1, $0xb8;
	[tilespmem:$0x19000] =	vst v63  }
0x9f: {  	v3 =	vld [tilespmem:s0+$0x38];
	_ =	sdelay $0x4  }
0xa0: {  	v59 =	vshrl.u32 v3, $0x3  }
0xa1: {  	v4 =	vmul.u32 $0x28, v59  }
0xa2: {  	v3 =	vand.u32 $0x7, v3  }
0xa3: {  	v3 =	vor.u32 v3, v4  }
0xa4: {  	v4 =	vperm.xlane v3, v0;
	_ =	sdelay $0x1  }
0xa5: {  	v4 =	vadd.s32 v1, v4;
	_ =	sdelay $0x3  }
0xa6: {  	s8 =	simm.s32 $0x5000;
	v3 =	vperm.xlane v3, v2  }
0xa7: {  	[tilespmem:s8], [sflag:$0x1] =	stream.indirect_vreg.gather [hbm4b:s2+s4], $0x80, v4, vm0, $0xb8;
	[tilespmem:$0x19000] =	vst v63  }
0xa8: {  	v3 =	vadd.s32 v1, v3;
	s8 =	simm.s32 $0x5800  }
0xa9: {  	[tilespmem:s8], [sflag:$0x1] =	stream.indirect_vreg.gather [hbm4b:s10+s4], $0x80, v4, vm0, $0xb8;
	[tilespmem:$0x19000] =	vst v63  }
0xaa: {  	s8 =	simm.s32 $0x6000  }
0xab: {  	[tilespmem:s8], [sflag:$0x1] =	stream.indirect_vreg.gather [hbm4b:s11+s4], $0x80, v4, vm1, $0xb8;
	[tilespmem:$0x19000] =	vst v63  }
0xac: {  	s8 =	simm.s32 $0x6400  }
0xad: {  	[tilespmem:s8], [sflag:$0x1] =	stream.indirect_vreg.gather [hbm4b:s2+s4], $0x80, v3, vm0, $0xb8;
	[tilespmem:$0x19000] =	vst v63  }
0xae: {  	s8 =	simm.s32 $0x6C00  }
0xaf: {  	[tilespmem:s8], [sflag:$0x1] =	stream.indirect_vreg.gather [hbm4b:s10+s4], $0x80, v3, vm0, $0xb8;
	[tilespmem:$0x19000] =	vst v63  }
0xb0: {  	s8 =	simm.s32 $0x7400  }
0xb1: {  	[tilespmem:s8], [sflag:$0x1] =	stream.indirect_vreg.gather [hbm4b:s11+s4], $0x80, v3, vm1, $0xb8;
	[tilespmem:$0x19000] =	vst v63  }
0xb2: {  	v3 =	vld.msk [tilespmem:s0+$0x48], $0xff;
	_ =	sdelay $0x4  }
0xb3: {  	v60 =	vshrl.u32 v3, $0x3  }
0xb4: {  	v4 =	vmul.u32 $0x28, v60  }
0xb5: {  	v3 =	vand.u32 $0x7, v3  }
0xb6: {  	v3 =	vor.u32 v3, v4  }
0xb7: {  	v3 =	vperm.xlane v3, v0;
	_ =	sdelay $0x1  }
0xb8: {  	v3 =	vadd.s32 v1, v3;
	_ =	sdelay $0x3  }
0xb9: {  	s8 =	simm.s32 $0x7800  }
0xba: {  	[tilespmem:s8], [sflag:$0x1] =	stream.indirect_vreg.gather [hbm4b:s2+s4], $0x80, v3, vm0, $0xb8;
	[tilespmem:$0x19000] =	vst v63  }
0xbb: {  	s8 =	simm.s32 $0x8000  }
0xbc: {  	[tilespmem:s8], [sflag:$0x1] =	stream.indirect_vreg.gather [hbm4b:s10+s4], $0x80, v3, vm0, $0xb8;
	[tilespmem:$0x19000] =	vst v63  }
0xbd: {  	s8 =	simm.s32 $0x8800  }
0xbe: {  	[tilespmem:s8], [sflag:$0x1] =	stream.indirect_vreg.gather [hbm4b:s11+s4], $0x80, v3, vm1, $0xb8;
	[tilespmem:$0x19000] =	vst v63  }
0xbf: {  	v3 =	vld [tilespmem:s0+$0x1428];
	_ =	sdelay $0x4  }
0xc0: {  	v61 =	vshll.u32 v3, $0x2  }
0xc1: {  	v3 =	vand.u32 $0x7, v3;
	v4 =	vand.u32 $0xFFFFFFE0, v61  }
0xc2: {  	v3 =	vor.u32 v3, v4  }
0xc3: {  	v4 =	vperm.xlane v3, v0;
	_ =	sdelay $0x1  }
0xc4: {  	v4 =	vadd.s32 v1, v4;
	_ =	sdelay $0x1  }
0xc5: {  	v3 =	vperm.xlane v3, v2;
	_ =	sdelay $0x1  }
0xc6: {  	v3 =	vadd.s32 v1, v3  }
0xc7: {  	[tilespmem:s17], [sflag:$0x1] =	stream.indirect_vreg.gather [hbm4b:s5+s4], $0x80, v4, vm0, $0xb8;
	[tilespmem:$0x19000] =	vst v63  }
0xc8: {  	s8 =	simm.s32 $0xF800  }
0xc9: {  	[tilespmem:s8], [sflag:$0x1] =	stream.indirect_vreg.gather [hbm4b:s12+s4], $0x80, v4, vm0, $0xb8;
	[tilespmem:$0x19000] =	vst v63  }
0xca: {  	_ = 	snop  }
0xcb: {  	[tilespmem:s9], [sflag:$0x1] =	stream.indirect_vreg.gather [hbm4b:s5+s4], $0x80, v3, vm0, $0xb8;
	[tilespmem:$0x19000] =	vst v63  }
0xcc: {  	_ = 	snop  }
0xcd: {  	[tilespmem:s13], [sflag:$0x1] =	stream.indirect_vreg.gather [hbm4b:s12+s4], $0x80, v3, vm0, $0xb8;
	[tilespmem:$0x19000] =	vst v63  }
0xce: {  	v3 =	vld [tilespmem:s0+$0x1438];
	_ =	sdelay $0x4  }
0xcf: {  	v62 =	vshll.u32 v3, $0x2  }
0xd0: {  	v3 =	vand.u32 $0x7, v3;
	v4 =	vand.u32 $0xFFFFFFE0, v62  }
0xd1: {  	v3 =	vor.u32 v3, v4  }
0xd2: {  	v4 =	vperm.xlane v3, v0;
	_ =	sdelay $0x1  }
0xd3: {  	v4 =	vadd.s32 v1, v4;
	_ =	sdelay $0x1  }
0xd4: {  	v3 =	vperm.xlane v3, v2;
	_ =	sdelay $0x1  }
0xd5: {  	v3 =	vadd.s32 v1, v3  }
0xd6: {  	[tilespmem:s14], [sflag:$0x1] =	stream.indirect_vreg.gather [hbm4b:s5+s4], $0x80, v4, vm0, $0xb8;
	[tilespmem:$0x19000] =	vst v63  }
0xd7: {  	_ = 	snop  }
0xd8: {  	[tilespmem:s15], [sflag:$0x1] =	stream.indirect_vreg.gather [hbm4b:s12+s4], $0x80, v4, vm0, $0xb8;
	[tilespmem:$0x19000] =	vst v63  }
0xd9: {  	_ = 	snop  }
0xda: {  	[tilespmem:s16], [sflag:$0x1] =	stream.indirect_vreg.gather [hbm4b:s5+s4], $0x80, v3, vm0, $0xb8;
	[tilespmem:$0x19000] =	vst v63  }
0xdb: {  	_ = 	snop  }
0xdc: {  	[tilespmem:s19], [sflag:$0x1] =	stream.indirect_vreg.gather [hbm4b:s12+s4], $0x80, v3, vm0, $0xb8;
	[tilespmem:$0x19000] =	vst v63  }
0xdd: {  	v3 =	vld.msk [tilespmem:s0+$0x1448], $0xff;
	_ =	sdelay $0x4  }
0xde: {  	v63 =	vshll.u32 v3, $0x2  }
0xdf: {  	v3 =	vand.u32 $0x7, v3;
	v4 =	vand.u32 $0xFFFFFFE0, v63  }
0xe0: {  	v3 =	vor.u32 v3, v4  }
0xe1: {  	v3 =	vperm.xlane v3, v0;
	_ =	sdelay $0x1  }
0xe2: {  	v3 =	vadd.s32 v1, v3;
	_ =	sdelay $0x4  }
0xe3: {  	[tilespmem:s20], [sflag:$0x1] =	stream.indirect_vreg.gather [hbm4b:s5+s4], $0x80, v3, vm0, $0xb8;
	[tilespmem:$0x19000] =	vst v63  }
0xe4: {  	_ = 	snop  }
0xe5: {  	[tilespmem:s21], [sflag:$0x1] =	stream.indirect_vreg.gather [hbm4b:s12+s4], $0x80, v3, vm0, $0xb8;
	[tilespmem:$0x19000] =	vst v63  }
0xe6: {  	_ =	swait.ge [sflag:s23], $0x6400  }
0xe7: {  	[sflag:s23] =	ssyncset.done $0x0  }
0xe8: {  	[sflag:s23] =	ssyncadd.s32 $0xFFFF9C00  }
0xe9: {  	_ =	swait.ge [sflag:s23], $0x5000  }
0xea: {  	[sflag:s23] =	ssyncset.done $0x0  }
0xeb: {  	[sflag:s23] =	ssyncadd.s32 $0xFFFFB000  }
0xec: {  	[hbm4b:s29+s4] =	stream.linear.scatter [tilespmem:s24], [sflag:$0x4], $0x6400, $0x38;
	[tilespmem:$0x19000] =	vst v63  }
0xed: {  	_ = 	snop  }
0xee: {  	[hbm4b:s30+s4] =	stream.linear.scatter [tilespmem:s25], [sflag:$0x4], $0x5000, $0x38;
	[tilespmem:$0x19000] =	vst v63  }
.LBB2_7:
0xef: {  	s31 =	sadd.s32 $0xA0, s31  }
0xf0: {  	p0 =	sne.s32 s31, $0x4E20  }
.Ltmp3:
0xf1: {  	_ = 	snop;
	(pc) =	sbr.rel @!p0 .LBB2_8-.Ltmp3, $3  }
0xf2: {  	_ =	sdelay $0x1  }
0xf3: {  	s1 =	sadd.s32 $0x1, s1  }
0xf4: {  	s30 =	sadd.s32 $0xA00, s30;
	s29 =	sadd.s32 $0xC80, s29;
	s28 =	sadd.s32 $0x28, s28  }
.LBB2_2:
0xf5: {  	s0 =	sand.u32 $0x1, s1  }
0xf6: {  	p0 =	seq.s32 s0, $0x1  }
.Ltmp4:
0xf7: {  	_ = 	snop;
	(pc) =	sbr.rel @p0 .LBB2_6-.Ltmp4, $1  }
0xf8: {  	_ =	sdelay $0x3  }
0xf9: {  	p0 =	seq.s32 s31, $0x0  }
0xfa: {  	s0 =	simm.s32 @!p0 $0x4;
	p1 =	seq.s32 @!p0 s31, $0x4D80  }
0xfb: {  	_ =	swait.ge @!p0 [sflag:s0], $0x6400;
	p1 =	por p0, !p1  }
.Ltmp5:
0xfc: {  	[sflag:s0] =	ssyncset.done @!p0 $0x0;
	(pc) =	sbr.rel @!p1 .LBB2_5-.Ltmp5, $4  }
0xfd: {  	[sflag:s0] =	ssyncadd.s32 @!p0 $0xFFFF9C00  }
0xfe: {  	_ =	swait.ge @!p0 [sflag:s0], $0x5000  }
0xff: {  	[sflag:s0] =	ssyncset.done @!p0 $0x0  }
0x100: {  	[sflag:s0] =	ssyncadd.s32 @!p0 $0xFFFFB000;
	s0 =	simm.s32 @!p0 $0x1360  }
0x101: {  	s0 =	sshra.s32 s31, $0x2  }
0x102: {  	v3 =	vld [tilespmem:s0+$0x28];
	_ =	sdelay $0x4  }
0x103: {  	v4 =	vshrl.u32 v3, $0x3  }
0x104: {  	v4 =	vmul.u32 $0x28, v4  }
0x105: {  	v3 =	vand.u32 $0x7, v3  }
0x106: {  	v3 =	vor.u32 v3, v4  }
0x107: {  	v4 =	vperm.xlane v3, v0;
	_ =	sdelay $0x1  }
0x108: {  	v4 =	vadd.s32 v1, v4;
	_ =	sdelay $0x3  }
0x109: {  	v3 =	vperm.xlane v3, v2  }
0x10a: {  	[tilespmem:s24], [sflag:$0x2] =	stream.indirect_vreg.gather [hbm4b:s2+s4], $0x80, v4, vm0, $0xb8;
	[tilespmem:$0x19000] =	vst v63  }
0x10b: {  	s8 =	simm.s32 $0x9400;
	v3 =	vadd.s32 v1, v3  }
0x10c: {  	[tilespmem:s8], [sflag:$0x2] =	stream.indirect_vreg.gather [hbm4b:s10+s4], $0x80, v4, vm0, $0xb8;
	[tilespmem:$0x19000] =	vst v63  }
0x10d: {  	s8 =	simm.s32 $0x9C00  }
0x10e: {  	[tilespmem:s8], [sflag:$0x2] =	stream.indirect_vreg.gather [hbm4b:s11+s4], $0x80, v4, vm1, $0xb8;
	[tilespmem:$0x19000] =	vst v63  }
0x10f: {  	s8 =	simm.s32 $0xA000  }
0x110: {  	[tilespmem:s8], [sflag:$0x2] =	stream.indirect_vreg.gather [hbm4b:s2+s4], $0x80, v3, vm0, $0xb8;
	[tilespmem:$0x19000] =	vst v63  }
0x111: {  	s8 =	simm.s32 $0xA800  }
0x112: {  	[tilespmem:s8], [sflag:$0x2] =	stream.indirect_vreg.gather [hbm4b:s10+s4], $0x80, v3, vm0, $0xb8;
	[tilespmem:$0x19000] =	vst v63  }
0x113: {  	s8 =	simm.s32 $0xB000  }
0x114: {  	[tilespmem:s8], [sflag:$0x2] =	stream.indirect_vreg.gather [hbm4b:s11+s4], $0x80, v3, vm1, $0xb8;
	[tilespmem:$0x19000] =	vst v63  }
0x115: {  	v3 =	vld [tilespmem:s0+$0x38];
	_ =	sdelay $0x4  }
0x116: {  	v59 =	vshrl.u32 v3, $0x3  }
0x117: {  	v4 =	vmul.u32 $0x28, v59  }
0x118: {  	v3 =	vand.u32 $0x7, v3  }
0x119: {  	v3 =	vor.u32 v3, v4  }
0x11a: {  	v4 =	vperm.xlane v3, v0;
	_ =	sdelay $0x1  }
0x11b: {  	v4 =	vadd.s32 v1, v4;
	_ =	sdelay $0x3  }
0x11c: {  	s8 =	simm.s32 $0xB400;
	v3 =	vperm.xlane v3, v2  }
0x11d: {  	[tilespmem:s8], [sflag:$0x2] =	stream.indirect_vreg.gather [hbm4b:s2+s4], $0x80, v4, vm0, $0xb8;
	[tilespmem:$0x19000] =	vst v63  }
0x11e: {  	v3 =	vadd.s32 v1, v3;
	s8 =	simm.s32 $0xBC00  }
0x11f: {  	[tilespmem:s8], [sflag:$0x2] =	stream.indirect_vreg.gather [hbm4b:s10+s4], $0x80, v4, vm0, $0xb8;
	[tilespmem:$0x19000] =	vst v63  }
0x120: {  	s8 =	simm.s32 $0xC400  }
0x121: {  	[tilespmem:s8], [sflag:$0x2] =	stream.indirect_vreg.gather [hbm4b:s11+s4], $0x80, v4, vm1, $0xb8;
	[tilespmem:$0x19000] =	vst v63  }
0x122: {  	s8 =	simm.s32 $0xC800  }
0x123: {  	[tilespmem:s8], [sflag:$0x2] =	stream.indirect_vreg.gather [hbm4b:s2+s4], $0x80, v3, vm0, $0xb8;
	[tilespmem:$0x19000] =	vst v63  }
0x124: {  	s8 =	simm.s32 $0xD000  }
0x125: {  	[tilespmem:s8], [sflag:$0x2] =	stream.indirect_vreg.gather [hbm4b:s10+s4], $0x80, v3, vm0, $0xb8;
	[tilespmem:$0x19000] =	vst v63  }
0x126: {  	s8 =	simm.s32 $0xD800  }
0x127: {  	[tilespmem:s8], [sflag:$0x2] =	stream.indirect_vreg.gather [hbm4b:s11+s4], $0x80, v3, vm1, $0xb8;
	[tilespmem:$0x19000] =	vst v63  }
0x128: {  	v3 =	vld.msk [tilespmem:s0+$0x48], $0xff;
	_ =	sdelay $0x4  }
0x129: {  	v60 =	vshrl.u32 v3, $0x3  }
0x12a: {  	v4 =	vmul.u32 $0x28, v60  }
0x12b: {  	v3 =	vand.u32 $0x7, v3  }
0x12c: {  	v3 =	vor.u32 v3, v4  }
0x12d: {  	v3 =	vperm.xlane v3, v0;
	_ =	sdelay $0x1  }
0x12e: {  	v3 =	vadd.s32 v1, v3;
	_ =	sdelay $0x3  }
0x12f: {  	s8 =	simm.s32 $0xDC00  }
0x130: {  	[tilespmem:s8], [sflag:$0x2] =	stream.indirect_vreg.gather [hbm4b:s2+s4], $0x80, v3, vm0, $0xb8;
	[tilespmem:$0x19000] =	vst v63  }
0x131: {  	s8 =	simm.s32 $0xE400  }
0x132: {  	[tilespmem:s8], [sflag:$0x2] =	stream.indirect_vreg.gather [hbm4b:s10+s4], $0x80, v3, vm0, $0xb8;
	[tilespmem:$0x19000] =	vst v63  }
0x133: {  	s8 =	simm.s32 $0xEC00  }
0x134: {  	[tilespmem:s8], [sflag:$0x2] =	stream.indirect_vreg.gather [hbm4b:s11+s4], $0x80, v3, vm1, $0xb8;
	[tilespmem:$0x19000] =	vst v63  }
0x135: {  	v3 =	vld [tilespmem:s0+$0x1428];
	_ =	sdelay $0x4  }
0x136: {  	v61 =	vshll.u32 v3, $0x2  }
0x137: {  	v3 =	vand.u32 $0x7, v3;
	v4 =	vand.u32 $0xFFFFFFE0, v61  }
0x138: {  	v3 =	vor.u32 v3, v4  }
0x139: {  	v4 =	vperm.xlane v3, v0;
	_ =	sdelay $0x1  }
0x13a: {  	v4 =	vadd.s32 v1, v4;
	_ =	sdelay $0x1  }
0x13b: {  	v3 =	vperm.xlane v3, v2;
	_ =	sdelay $0x1  }
0x13c: {  	v3 =	vadd.s32 v1, v3  }
0x13d: {  	[tilespmem:s25], [sflag:$0x2] =	stream.indirect_vreg.gather [hbm4b:s5+s4], $0x80, v4, vm0, $0xb8;
	[tilespmem:$0x19000] =	vst v63  }
0x13e: {  	s8 =	simm.s32 $0x14800  }
0x13f: {  	[tilespmem:s8], [sflag:$0x2] =	stream.indirect_vreg.gather [hbm4b:s12+s4], $0x80, v4, vm0, $0xb8;
	[tilespmem:$0x19000] =	vst v63  }
0x140: {  	s8 =	simm.s32 $0x15000  }
0x141: {  	[tilespmem:s8], [sflag:$0x2] =	stream.indirect_vreg.gather [hbm4b:s5+s4], $0x80, v3, vm0, $0xb8;
	[tilespmem:$0x19000] =	vst v63  }
0x142: {  	s8 =	simm.s32 $0x15800  }
0x143: {  	[tilespmem:s8], [sflag:$0x2] =	stream.indirect_vreg.gather [hbm4b:s12+s4], $0x80, v3, vm0, $0xb8;
	[tilespmem:$0x19000] =	vst v63  }
0x144: {  	v3 =	vld [tilespmem:s0+$0x1438];
	_ =	sdelay $0x4  }
0x145: {  	v62 =	vshll.u32 v3, $0x2  }
0x146: {  	v3 =	vand.u32 $0x7, v3;
	v4 =	vand.u32 $0xFFFFFFE0, v62  }
0x147: {  	v3 =	vor.u32 v3, v4  }
0x148: {  	v4 =	vperm.xlane v3, v0;
	_ =	sdelay $0x1  }
0x149: {  	v4 =	vadd.s32 v1, v4;
	_ =	sdelay $0x1  }
0x14a: {  	v3 =	vperm.xlane v3, v2;
	_ =	sdelay $0x1  }
0x14b: {  	s8 =	simm.s32 $0x16000;
	v3 =	vadd.s32 v1, v3  }
0x14c: {  	[tilespmem:s8], [sflag:$0x2] =	stream.indirect_vreg.gather [hbm4b:s5+s4], $0x80, v4, vm0, $0xb8;
	[tilespmem:$0x19000] =	vst v63  }
0x14d: {  	s8 =	simm.s32 $0x16800  }
0x14e: {  	[tilespmem:s8], [sflag:$0x2] =	stream.indirect_vreg.gather [hbm4b:s12+s4], $0x80, v4, vm0, $0xb8;
	[tilespmem:$0x19000] =	vst v63  }
0x14f: {  	s8 =	simm.s32 $0x17000  }
0x150: {  	[tilespmem:s8], [sflag:$0x2] =	stream.indirect_vreg.gather [hbm4b:s5+s4], $0x80, v3, vm0, $0xb8;
	[tilespmem:$0x19000] =	vst v63  }
0x151: {  	s8 =	simm.s32 $0x17800  }
0x152: {  	[tilespmem:s8], [sflag:$0x2] =	stream.indirect_vreg.gather [hbm4b:s12+s4], $0x80, v3, vm0, $0xb8;
	[tilespmem:$0x19000] =	vst v63  }
0x153: {  	v3 =	vld.msk [tilespmem:s0+$0x1448], $0xff;
	_ =	sdelay $0x4  }
0x154: {  	v63 =	vshll.u32 v3, $0x2  }
0x155: {  	v3 =	vand.u32 $0x7, v3;
	v4 =	vand.u32 $0xFFFFFFE0, v63  }
0x156: {  	v3 =	vor.u32 v3, v4  }
0x157: {  	v3 =	vperm.xlane v3, v0;
	_ =	sdelay $0x1  }
0x158: {  	v3 =	vadd.s32 v1, v3;
	_ =	sdelay $0x3  }
0x159: {  	s8 =	simm.s32 $0x18000  }
0x15a: {  	[tilespmem:s8], [sflag:$0x2] =	stream.indirect_vreg.gather [hbm4b:s5+s4], $0x80, v3, vm0, $0xb8;
	[tilespmem:$0x19000] =	vst v63  }
0x15b: {  	s0 =	smov.u32 s28;
	s8 =	simm.s32 $0x18800  }
0x15c: {  	[tilespmem:s8], [sflag:$0x2] =	stream.indirect_vreg.gather [hbm4b:s12+s4], $0x80, v3, vm0, $0xb8;
	[tilespmem:$0x19000] =	vst v63  }
.LBB2_5:
0x15d: {  	_ =	swait.ge [sflag:s26], $0x6400  }
0x15e: {  	s0 =	sadd.s32 s3, s0;
	[sflag:s26] =	ssyncset.done $0x0  }
0x15f: {  	s8 =	sshrl.u32 s0, $0x3;
	[sflag:s26] =	ssyncadd.s32 $0xFFFF9C00  }
0x160: {  	s8 =	smul.u32 $0x280, s8;
	_ =	swait.ge [sflag:s26], $0x5000  }
.Ltmp6:
0x161: {  	[sflag:s26] =	ssyncset.done $0x0;
	(pc) =	sbr.rel .LBB2_7-.Ltmp6, $4  }
0x162: {  	s0 =	sshll.u32 s0, $0x6;
	s8 =	sadd.s32 s6, s8;
	[sflag:s26] =	ssyncadd.s32 $0xFFFFB000  }
0x163: {  	[hbm4b:s8+s4] =	stream.linear.scatter [tilespmem:s18], [sflag:$0x3], $0x6400, $0x38;
	[tilespmem:$0x19000] =	vst v63  }
0x164: {  	s0 =	sadd.s32 s7, s0  }
0x165: {  	[hbm4b:s0+s4] =	stream.linear.scatter [tilespmem:s17], [sflag:$0x3], $0x5000, $0x38;
	[tilespmem:$0x19000] =	vst v63  }
.LBB2_9:
0x166: {  	_ =	sfence.sel $0x180000  }
0x167: {  	[bflag:$0x0] =	sbarrier.arrive $0xFFFF  }
0x168: {  	_ =	strace $0x90000047  }
0x169: {  	s0 =	stileid.u32;
	[bflag:$0x2] =	sbarrier.arrive $0xFFFF  }
0x16a: {  	p0 =	sne.s32 s0, $0x0;
	s0 =	rddreg [dreg:$0x2]  }
0x16b: {  	s0 =	sadd.s32 @!p0 $0x100000, s0  }
0x16c: {  	[sflag:s0] =	ssyncadd.tile.s32 @!p0 $0x1;
	_ =	shalt  }
.Lfunc_end2:
_tile_overlayer_lowered:
.L_overlay_start_2:
0x16d: {  	(tag) =	ssettag $0x2  }
0x16e: {  	s0 =	rddreg [dreg:$0x0];
	s2 =	stileid.u32  }
0x16f: {  	s1 =	rddreg [dreg:$0x1];
	p0 =	sne.s32 s2, $0x0  }
0x170: {  	s3 =	rddreg [dreg:$0x2];
	[bflag:$0x3] =	sbarrier.arrive $0xFFFF;
	s2 =	simm.s32 @!p0 $0x1C05  }
0x171: {  	[timem:s3], [sflag:s2] =	dma.local @!p0 [hbm:s0], s1  }
0x172: {  	s0 =	simm.s32 @!p0 $0x5  }
0x173: {  	_ =	swait.ge @!p0 [sflag:s0], s1  }
0x174: {  	s1 =	ssub.s32 @!p0 $0x0, s1;
	[sflag:s0] =	ssyncset.done @!p0 $0x0  }
0x175: {  	[sflag:s0] =	ssyncadd.s32 @!p0 s1  }
0x176: {  	[bflag:$0x3] =	sbarrier.arrive $0xFFFF  }
0x177: {  	_ =	shalt  }

</sc_bundles>
